<compile_context>
chip_gen: v7x
topology: tpu7x:2x2x1
jax: 0.10.2.dev20260603
libtpu: 0.0.44.dev20260713+nightly
codegen_flags: <defaults>
</compile_context>

<pallas_src>
import functools

import jax
import jax.numpy as jnp
from jax import lax
from jax.experimental import pallas as pl
from jax.experimental.pallas import tpu as pltpu
from jax.experimental.pallas import tpu_sc as plsc

_M, _N = 36864, 384
_M_TAIL = 18432
_M_HEAD = _M - _M_TAIL

_NW = 32
_ROWS_W = _M_TAIL // _NW
_NBUF = 4
_CROWS = 24
_NCHUNK = _ROWS_W // _CROWS
_LANES = 16
_GROUPS = _N // _LANES

_mesh = plsc.VectorSubcoreMesh(core_axis_name="c", subcore_axis_name="s")

_scratch = (
    [pltpu.VMEM((_CROWS, _N), jnp.float32) for _ in range(3 * _NBUF)]
    + [pltpu.SemaphoreType.DMA for _ in range(3 * _NBUF)]
)


@functools.partial(
    pl.kernel,
    out_type=jax.ShapeDtypeStruct((_M, _N), jnp.float32),
    mesh=_mesh,
    scratch_types=_scratch,
    compiler_params=pltpu.CompilerParams(use_tc_tiling_on_sc=True),
)
def _sc_add(l_hbm, r_hbm, o_hbm, *refs):
    lbuf = refs[0:_NBUF]
    rbuf = refs[_NBUF:2 * _NBUF]
    obuf = refs[2 * _NBUF:3 * _NBUF]
    sems = refs[3 * _NBUF:]
    lsem = sems[0:_NBUF]
    rsem = sems[_NBUF:2 * _NBUF]
    osem = sems[2 * _NBUF:3 * _NBUF]

    wid = lax.axis_index("s") * 2 + lax.axis_index("c")
    row0 = _M_HEAD + wid * _ROWS_W

    def rslice(ci):
        return pl.ds(row0 + ci * _CROWS, _CROWS)

    for p in range(_NBUF - 1):
        pltpu.async_copy(l_hbm.at[rslice(p)], lbuf[p], lsem[p])
        pltpu.async_copy(r_hbm.at[rslice(p)], rbuf[p], rsem[p])

    @pl.loop(0, _NCHUNK, step=_NBUF)
    def chunk_group(ci0):
        for b in range(_NBUF):
            ci = ci0 + b
            pb = (b + _NBUF - 1) % _NBUF

            @pl.when(ci + _NBUF - 1 < _NCHUNK)
            def _start_ahead():
                sl = rslice(ci + _NBUF - 1)
                pltpu.async_copy(l_hbm.at[sl], lbuf[pb], lsem[pb])
                pltpu.async_copy(r_hbm.at[sl], rbuf[pb], rsem[pb])

            pltpu.make_async_copy(l_hbm.at[rslice(ci)], lbuf[b], lsem[b]).wait()
            pltpu.make_async_copy(r_hbm.at[rslice(ci)], rbuf[b], rsem[b]).wait()

            @pl.when(ci >= _NBUF)
            def _drain_prev_out():
                pltpu.make_async_copy(
                    obuf[b], o_hbm.at[rslice(ci)], osem[b]).wait()

            lb, rb_, ob = lbuf[b], rbuf[b], obuf[b]

            def vbody(r):
                for g in range(_GROUPS):
                    sl = pl.ds(g * _LANES, _LANES)
                    ob[r, sl] = lb[r, sl] + rb_[r, sl]

            plsc.parallel_loop(0, _CROWS, 1, unroll=2)(vbody)

            pltpu.async_copy(obuf[b], o_hbm.at[rslice(ci)], osem[b])

    for b in range(_NBUF):
        pltpu.make_async_copy(obuf[b], o_hbm.at[rslice(b)], osem[b]).wait()


_BM = 2048


def _tc_head_into_body(l_ref, r_ref, full_ref, o_ref):
    o_ref[...] = l_ref[...] + r_ref[...]


def _tc_head_into(left, right, sc_full):
    return pl.pallas_call(
        _tc_head_into_body,
        grid=(_M_HEAD // _BM,),
        in_specs=[
            pl.BlockSpec((_BM, _N), lambda i: (i, 0)),
            pl.BlockSpec((_BM, _N), lambda i: (i, 0)),
            pl.BlockSpec(memory_space=pltpu.MemorySpace.HBM),
        ],
        out_specs=pl.BlockSpec((_BM, _N), lambda i: (i, 0)),
        out_shape=jax.ShapeDtypeStruct((_M, _N), jnp.float32),
        input_output_aliases={2: 0},
    )(left, right, sc_full)


def kernel(left, right):
    sc_full = _sc_add(left, right)
    return _tc_head_into(left, right, sc_full)

# --- scband reference (transcript-rebuilt; emitter-appended) ---
"""Pipeline reference for scband-white-add-28406913696453 (READ-ONLY COPY).

The authoritative reference and input builder live on the scoring server;
editing this copy changes nothing except your own understanding.
"""

import jax, jax.numpy as jnp
import numpy as np


def setup_inputs(seed: int = 0) -> dict:
    key = jax.random.key(seed)
    k1, k2 = jax.random.split(key)
    left = jax.random.normal(k1, (36864, 384), dtype=jnp.float32)
    right = jax.random.normal(k2, (36864, 384), dtype=jnp.float32)
    return {"left": left, "right": right}


def reference(left, right):
    # WhiteAdd._normal_forward: out = left + right; activate_function is None
    out = left + right
    return out

if __name__ == "__main__":
    import jax
    _d = setup_inputs()
    print(jax.jit(kernel)(*tuple(_d.values())))

</pallas_src>

<mosaic_0001>
#map = affine_map<(d0, d1) -> (0, 0)>
module attributes {stable_mosaic.version = 14 : i64} {
  func.func @_sc_add(%arg0: i32, %arg1: i32, %arg2: memref<36864x384xf32, #tpu.memory_space<hbm>>, %arg3: memref<36864x384xf32, #tpu.memory_space<hbm>>, %arg4: memref<36864x384xf32, #tpu.memory_space<hbm>>, %arg5: memref<24x384xf32, #tpu.memory_space<vmem>>, %arg6: memref<24x384xf32, #tpu.memory_space<vmem>>, %arg7: memref<24x384xf32, #tpu.memory_space<vmem>>, %arg8: memref<24x384xf32, #tpu.memory_space<vmem>>, %arg9: memref<24x384xf32, #tpu.memory_space<vmem>>, %arg10: memref<24x384xf32, #tpu.memory_space<vmem>>, %arg11: memref<24x384xf32, #tpu.memory_space<vmem>>, %arg12: memref<24x384xf32, #tpu.memory_space<vmem>>, %arg13: memref<24x384xf32, #tpu.memory_space<vmem>>, %arg14: memref<24x384xf32, #tpu.memory_space<vmem>>, %arg15: memref<24x384xf32, #tpu.memory_space<vmem>>, %arg16: memref<24x384xf32, #tpu.memory_space<vmem>>, %arg17: memref<!tpu.dma_semaphore, #tpu.memory_space<semaphore_mem>>, %arg18: memref<!tpu.dma_semaphore, #tpu.memory_space<semaphore_mem>>, %arg19: memref<!tpu.dma_semaphore, #tpu.memory_space<semaphore_mem>>, %arg20: memref<!tpu.dma_semaphore, #tpu.memory_space<semaphore_mem>>, %arg21: memref<!tpu.dma_semaphore, #tpu.memory_space<semaphore_mem>>, %arg22: memref<!tpu.dma_semaphore, #tpu.memory_space<semaphore_mem>>, %arg23: memref<!tpu.dma_semaphore, #tpu.memory_space<semaphore_mem>>, %arg24: memref<!tpu.dma_semaphore, #tpu.memory_space<semaphore_mem>>, %arg25: memref<!tpu.dma_semaphore, #tpu.memory_space<semaphore_mem>>, %arg26: memref<!tpu.dma_semaphore, #tpu.memory_space<semaphore_mem>>, %arg27: memref<!tpu.dma_semaphore, #tpu.memory_space<semaphore_mem>>, %arg28: memref<!tpu.dma_semaphore, #tpu.memory_space<semaphore_mem>>) attributes {dimension_semantics = [#tpu.dimension_semantics<core_parallel>, #tpu.dimension_semantics<subcore_parallel>], iteration_bounds = array<i64: 2, 16>, scalar_prefetch = 0 : i64, scratch_operands = 24 : i64, tpu.core_type = #tpu.core_type<sc_vector_subcore>, window_params = [{transform_indices = #map}, {transform_indices = #map}, {transform_indices = #map}]} {
    %mul3A = arith.constant 2 : i32
    %mul3A_0 = arith.muli %arg1, %mul3A : i32
    %add3A = arith.addi %mul3A_0, %arg0 : i32
    %mul3A_1 = arith.constant 576 : i32
    %mul3A_2 = arith.muli %add3A, %mul3A_1 : i32
    %add3A_3 = arith.constant 18432 : i32
    %add3A_4 = arith.addi %add3A_3, %mul3A_2 : i32
    %add3A_5 = arith.constant 0 : i32
    %add3A_6 = arith.addi %add3A_4, %add3A_5 : i32
    %dma_start3A = arith.constant 0 : i32
    %dma_start3A_7 = tpu.memref_slice %arg2[%add3A_6, %dma_start3A] : memref<36864x384xf32, #tpu.memory_space<hbm>> -> memref<24x384xf32, #tpu.memory_space<hbm>>
    %dma_start3A_8 = arith.constant 0 : i32
    %dma_start3A_9 = tpu.memref_slice %arg2[%add3A_6, %dma_start3A_8] : memref<36864x384xf32, #tpu.memory_space<hbm>> -> memref<24x384xf32, #tpu.memory_space<hbm>>
    tpu.enqueue_dma source(%dma_start3A_9 : memref<24x384xf32, #tpu.memory_space<hbm>>) target(%arg5 : memref<24x384xf32, #tpu.memory_space<vmem>>) target_semaphore(%arg17 : memref<!tpu.dma_semaphore, #tpu.memory_space<semaphore_mem>>)
    %add3A_10 = arith.constant 0 : i32
    %add3A_11 = arith.addi %add3A_4, %add3A_10 : i32
    %dma_start3A_12 = arith.constant 0 : i32
    %dma_start3A_13 = tpu.memref_slice %arg3[%add3A_11, %dma_start3A_12] : memref<36864x384xf32, #tpu.memory_space<hbm>> -> memref<24x384xf32, #tpu.memory_space<hbm>>
    %dma_start3A_14 = arith.constant 0 : i32
    %dma_start3A_15 = tpu.memref_slice %arg3[%add3A_11, %dma_start3A_14] : memref<36864x384xf32, #tpu.memory_space<hbm>> -> memref<24x384xf32, #tpu.memory_space<hbm>>
    tpu.enqueue_dma source(%dma_start3A_15 : memref<24x384xf32, #tpu.memory_space<hbm>>) target(%arg9 : memref<24x384xf32, #tpu.memory_space<vmem>>) target_semaphore(%arg21 : memref<!tpu.dma_semaphore, #tpu.memory_space<semaphore_mem>>)
    %add3A_16 = arith.constant 24 : i32
    %add3A_17 = arith.addi %add3A_4, %add3A_16 : i32
    %dma_start3A_18 = arith.constant 0 : i32
    %dma_start3A_19 = tpu.memref_slice %arg2[%add3A_17, %dma_start3A_18] : memref<36864x384xf32, #tpu.memory_space<hbm>> -> memref<24x384xf32, #tpu.memory_space<hbm>>
    %dma_start3A_20 = arith.constant 0 : i32
    %dma_start3A_21 = tpu.memref_slice %arg2[%add3A_17, %dma_start3A_20] : memref<36864x384xf32, #tpu.memory_space<hbm>> -> memref<24x384xf32, #tpu.memory_space<hbm>>
    tpu.enqueue_dma source(%dma_start3A_21 : memref<24x384xf32, #tpu.memory_space<hbm>>) target(%arg6 : memref<24x384xf32, #tpu.memory_space<vmem>>) target_semaphore(%arg18 : memref<!tpu.dma_semaphore, #tpu.memory_space<semaphore_mem>>)
    %add3A_22 = arith.constant 24 : i32
    %add3A_23 = arith.addi %add3A_4, %add3A_22 : i32
    %dma_start3A_24 = arith.constant 0 : i32
    %dma_start3A_25 = tpu.memref_slice %arg3[%add3A_23, %dma_start3A_24] : memref<36864x384xf32, #tpu.memory_space<hbm>> -> memref<24x384xf32, #tpu.memory_space<hbm>>
    %dma_start3A_26 = arith.constant 0 : i32
    %dma_start3A_27 = tpu.memref_slice %arg3[%add3A_23, %dma_start3A_26] : memref<36864x384xf32, #tpu.memory_space<hbm>> -> memref<24x384xf32, #tpu.memory_space<hbm>>
    tpu.enqueue_dma source(%dma_start3A_27 : memref<24x384xf32, #tpu.memory_space<hbm>>) target(%arg10 : memref<24x384xf32, #tpu.memory_space<vmem>>) target_semaphore(%arg22 : memref<!tpu.dma_semaphore, #tpu.memory_space<semaphore_mem>>)
    %add3A_28 = arith.constant 48 : i32
    %add3A_29 = arith.addi %add3A_4, %add3A_28 : i32
    %dma_start3A_30 = arith.constant 0 : i32
    %dma_start3A_31 = tpu.memref_slice %arg2[%add3A_29, %dma_start3A_30] : memref<36864x384xf32, #tpu.memory_space<hbm>> -> memref<24x384xf32, #tpu.memory_space<hbm>>
    %dma_start3A_32 = arith.constant 0 : i32
    %dma_start3A_33 = tpu.memref_slice %arg2[%add3A_29, %dma_start3A_32] : memref<36864x384xf32, #tpu.memory_space<hbm>> -> memref<24x384xf32, #tpu.memory_space<hbm>>
    tpu.enqueue_dma source(%dma_start3A_33 : memref<24x384xf32, #tpu.memory_space<hbm>>) target(%arg7 : memref<24x384xf32, #tpu.memory_space<vmem>>) target_semaphore(%arg19 : memref<!tpu.dma_semaphore, #tpu.memory_space<semaphore_mem>>)
    %add3A_34 = arith.constant 48 : i32
    %add3A_35 = arith.addi %add3A_4, %add3A_34 : i32
    %dma_start3A_36 = arith.constant 0 : i32
    %dma_start3A_37 = tpu.memref_slice %arg3[%add3A_35, %dma_start3A_36] : memref<36864x384xf32, #tpu.memory_space<hbm>> -> memref<24x384xf32, #tpu.memory_space<hbm>>
    %dma_start3A_38 = arith.constant 0 : i32
    %dma_start3A_39 = tpu.memref_slice %arg3[%add3A_35, %dma_start3A_38] : memref<36864x384xf32, #tpu.memory_space<hbm>> -> memref<24x384xf32, #tpu.memory_space<hbm>>
    tpu.enqueue_dma source(%dma_start3A_39 : memref<24x384xf32, #tpu.memory_space<hbm>>) target(%arg11 : memref<24x384xf32, #tpu.memory_space<vmem>>) target_semaphore(%arg23 : memref<!tpu.dma_semaphore, #tpu.memory_space<semaphore_mem>>)
    %scan3A = arith.constant 0 : i32
    %scan3A_40 = arith.constant 6 : i32
    %scan3A_41 = arith.addi %scan3A, %scan3A_40 : i32
    %scan3A_42 = arith.constant 1 : i32
    scf.for %scan3A_67 = %scan3A to %scan3A_41 step %scan3A_42  : i32 {
      %mul3A_68 = arith.constant 4 : i32
      %mul3A_69 = arith.muli %scan3A_67, %mul3A_68 : i32
      %add3A_70 = arith.constant 0 : i32
      %add3A_71 = arith.addi %add3A_70, %mul3A_69 : i32
      %add3A_72 = arith.constant 0 : i32
      %add3A_73 = arith.addi %add3A_71, %add3A_72 : i32
      %add3A_74 = arith.constant 4 : i32
      %add3A_75 = arith.addi %add3A_73, %add3A_74 : i32
      %sub3A = arith.constant 1 : i32
      %sub3A_76 = arith.subi %add3A_75, %sub3A : i32
      %lt3A = arith.constant 24 : i32
      %lt3A_77 = arith.cmpi slt, %sub3A_76, %lt3A : i32
      %convert_element_type3A = arith.extui %lt3A_77 : i1 to i32
      %cond3A = arith.constant 0 : i32
      %cond3A_78 = arith.cmpi ne, %convert_element_type3A, %cond3A : i32
      scf.if %cond3A_78 {
        %add3A_226 = arith.constant 4 : i32
        %add3A_227 = arith.addi %add3A_73, %add3A_226 : i32
        %sub3A_228 = arith.constant 1 : i32
        %sub3A_229 = arith.subi %add3A_227, %sub3A_228 : i32
        %mul3A_230 = arith.constant 24 : i32
        %mul3A_231 = arith.muli %sub3A_229, %mul3A_230 : i32
        %add3A_232 = arith.addi %add3A_4, %mul3A_231 : i32
        %dma_start3A_233 = arith.constant 0 : i32
        %dma_start3A_234 = tpu.memref_slice %arg2[%add3A_232, %dma_start3A_233] : memref<36864x384xf32, #tpu.memory_space<hbm>> -> memref<24x384xf32, #tpu.memory_space<hbm>>
        %dma_start3A_235 = arith.constant 0 : i32
        %dma_start3A_236 = tpu.memref_slice %arg2[%add3A_232, %dma_start3A_235] : memref<36864x384xf32, #tpu.memory_space<hbm>> -> memref<24x384xf32, #tpu.memory_space<hbm>>
        tpu.enqueue_dma source(%dma_start3A_236 : memref<24x384xf32, #tpu.memory_space<hbm>>) target(%arg8 : memref<24x384xf32, #tpu.memory_space<vmem>>) target_semaphore(%arg20 : memref<!tpu.dma_semaphore, #tpu.memory_space<semaphore_mem>>)
        %dma_start3A_237 = arith.constant 0 : i32
        %dma_start3A_238 = tpu.memref_slice %arg3[%add3A_232, %dma_start3A_237] : memref<36864x384xf32, #tpu.memory_space<hbm>> -> memref<24x384xf32, #tpu.memory_space<hbm>>
        %dma_start3A_239 = arith.constant 0 : i32
        %dma_start3A_240 = tpu.memref_slice %arg3[%add3A_232, %dma_start3A_239] : memref<36864x384xf32, #tpu.memory_space<hbm>> -> memref<24x384xf32, #tpu.memory_space<hbm>>
        tpu.enqueue_dma source(%dma_start3A_240 : memref<24x384xf32, #tpu.memory_space<hbm>>) target(%arg12 : memref<24x384xf32, #tpu.memory_space<vmem>>) target_semaphore(%arg24 : memref<!tpu.dma_semaphore, #tpu.memory_space<semaphore_mem>>)
      } else {
      }
      %mul3A_79 = arith.constant 24 : i32
      %mul3A_80 = arith.muli %add3A_73, %mul3A_79 : i32
      %add3A_81 = arith.addi %add3A_4, %mul3A_80 : i32
      %dma_wait3A_82 = arith.constant 0 : i32
      %dma_wait3A_83 = tpu.memref_slice %arg2[%add3A_81, %dma_wait3A_82] : memref<36864x384xf32, #tpu.memory_space<hbm>> -> memref<24x384xf32, #tpu.memory_space<hbm>>
      %dma_wait3A_84 = arith.constant 0 : i32
      %dma_wait3A_85 = tpu.memref_slice %arg2[%add3A_81, %dma_wait3A_84] : memref<36864x384xf32, #tpu.memory_space<hbm>> -> memref<24x384xf32, #tpu.memory_space<hbm>>
      tpu.wait_dma2 semaphore(%arg17 : memref<!tpu.dma_semaphore, #tpu.memory_space<semaphore_mem>>) src(%dma_wait3A_85 : memref<24x384xf32, #tpu.memory_space<hbm>>) dst(%arg5 : memref<24x384xf32, #tpu.memory_space<vmem>>)
      %mul3A_86 = arith.constant 24 : i32
      %mul3A_87 = arith.muli %add3A_73, %mul3A_86 : i32
      %add3A_88 = arith.addi %add3A_4, %mul3A_87 : i32
      %dma_wait3A_89 = arith.constant 0 : i32
      %dma_wait3A_90 = tpu.memref_slice %arg3[%add3A_88, %dma_wait3A_89] : memref<36864x384xf32, #tpu.memory_space<hbm>> -> memref<24x384xf32, #tpu.memory_space<hbm>>
      %dma_wait3A_91 = arith.constant 0 : i32
      %dma_wait3A_92 = tpu.memref_slice %arg3[%add3A_88, %dma_wait3A_91] : memref<36864x384xf32, #tpu.memory_space<hbm>> -> memref<24x384xf32, #tpu.memory_space<hbm>>
      tpu.wait_dma2 semaphore(%arg21 : memref<!tpu.dma_semaphore, #tpu.memory_space<semaphore_mem>>) src(%dma_wait3A_92 : memref<24x384xf32, #tpu.memory_space<hbm>>) dst(%arg9 : memref<24x384xf32, #tpu.memory_space<vmem>>)
      %ge3A = arith.constant 4 : i32
      %ge3A_93 = arith.cmpi sge, %add3A_73, %ge3A : i32
      %convert_element_type3A_94 = arith.extui %ge3A_93 : i1 to i32
      %cond3A_95 = arith.constant 0 : i32
      %cond3A_96 = arith.cmpi ne, %convert_element_type3A_94, %cond3A_95 : i32
      scf.if %cond3A_96 {
        %mul3A_226 = arith.constant 24 : i32
        %mul3A_227 = arith.muli %add3A_73, %mul3A_226 : i32
        %add3A_228 = arith.addi %add3A_4, %mul3A_227 : i32
        %dma_wait3A_229 = arith.constant 0 : i32
        %dma_wait3A_230 = tpu.memref_slice %arg4[%add3A_228, %dma_wait3A_229] : memref<36864x384xf32, #tpu.memory_space<hbm>> -> memref<24x384xf32, #tpu.memory_space<hbm>>
        %dma_wait3A_231 = arith.constant 0 : i32
        %dma_wait3A_232 = tpu.memref_slice %arg4[%add3A_228, %dma_wait3A_231] : memref<36864x384xf32, #tpu.memory_space<hbm>> -> memref<24x384xf32, #tpu.memory_space<hbm>>
        tpu.wait_dma2 semaphore(%arg25 : memref<!tpu.dma_semaphore, #tpu.memory_space<semaphore_mem>>) src(%arg13 : memref<24x384xf32, #tpu.memory_space<vmem>>) dst(%dma_wait3A_232 : memref<24x384xf32, #tpu.memory_space<hbm>>)
      } else {
      }
      %parallel_loop3A = arith.constant 0 : i32
      %parallel_loop3A_97 = arith.constant 24 : i32
      %parallel_loop3A_98 = arith.constant 1 : i32
      scf.for %parallel_loop3A_226 = %parallel_loop3A to %parallel_loop3A_97 step %parallel_loop3A_98  : i32 {
        %parallel_loop3A_227 = arith.index_cast %parallel_loop3A_226 : i32 to index
        %parallel_loop3A_228 = arith.constant 0 : index
        %parallel_loop3A_229 = tpu.vector_load %arg5[%parallel_loop3A_227, %parallel_loop3A_228] {strides = array<i32>} : memref<24x384xf32, #tpu.memory_space<vmem>>, vector<1x16xf32>,
        %parallel_loop3A_230 = vector.shape_cast %parallel_loop3A_229 : vector<1x16xf32> to vector<16xf32>
        %parallel_loop3A_231 = arith.index_cast %parallel_loop3A_226 : i32 to index
        %parallel_loop3A_232 = arith.constant 0 : index
        %parallel_loop3A_233 = tpu.vector_load %arg9[%parallel_loop3A_231, %parallel_loop3A_232] {strides = array<i32>} : memref<24x384xf32, #tpu.memory_space<vmem>>, vector<1x16xf32>,
        %parallel_loop3A_234 = vector.shape_cast %parallel_loop3A_233 : vector<1x16xf32> to vector<16xf32>
        %parallel_loop3A_235 = arith.addf %parallel_loop3A_230, %parallel_loop3A_234 : vector<16xf32>
        %parallel_loop3A_236 = arith.index_cast %parallel_loop3A_226 : i32 to index
        %parallel_loop3A_237 = arith.constant 0 : index
        %parallel_loop3A_238 = tpu.vector_load %arg13[%parallel_loop3A_236, %parallel_loop3A_237] {strides = array<i32>} : memref<24x384xf32, #tpu.memory_space<vmem>>, vector<1x16xf32>,
        %parallel_loop3A_239 = vector.shape_cast %parallel_loop3A_238 : vector<1x16xf32> to vector<16xf32>
        %parallel_loop3A_240 = vector.shape_cast %parallel_loop3A_235 : vector<16xf32> to vector<1x16xf32>
        tpu.vector_store %arg13[%parallel_loop3A_236, %parallel_loop3A_237], %parallel_loop3A_240 {strides = array<i32>} : memref<24x384xf32, #tpu.memory_space<vmem>>, vector<1x16xf32>,
        %parallel_loop3A_241 = arith.index_cast %parallel_loop3A_226 : i32 to index
        %parallel_loop3A_242 = arith.constant 16 : index
        %parallel_loop3A_243 = tpu.vector_load %arg5[%parallel_loop3A_241, %parallel_loop3A_242] {strides = array<i32>} : memref<24x384xf32, #tpu.memory_space<vmem>>, vector<1x16xf32>,
        %parallel_loop3A_244 = vector.shape_cast %parallel_loop3A_243 : vector<1x16xf32> to vector<16xf32>
        %parallel_loop3A_245 = arith.index_cast %parallel_loop3A_226 : i32 to index
        %parallel_loop3A_246 = arith.constant 16 : index
        %parallel_loop3A_247 = tpu.vector_load %arg9[%parallel_loop3A_245, %parallel_loop3A_246] {strides = array<i32>} : memref<24x384xf32, #tpu.memory_space<vmem>>, vector<1x16xf32>,
        %parallel_loop3A_248 = vector.shape_cast %parallel_loop3A_247 : vector<1x16xf32> to vector<16xf32>
        %parallel_loop3A_249 = arith.addf %parallel_loop3A_244, %parallel_loop3A_248 : vector<16xf32>
        %parallel_loop3A_250 = arith.index_cast %parallel_loop3A_226 : i32 to index
        %parallel_loop3A_251 = arith.constant 16 : index
        %parallel_loop3A_252 = tpu.vector_load %arg13[%parallel_loop3A_250, %parallel_loop3A_251] {strides = array<i32>} : memref<24x384xf32, #tpu.memory_space<vmem>>, vector<1x16xf32>,
        %parallel_loop3A_253 = vector.shape_cast %parallel_loop3A_252 : vector<1x16xf32> to vector<16xf32>
        %parallel_loop3A_254 = vector.shape_cast %parallel_loop3A_249 : vector<16xf32> to vector<1x16xf32>
        tpu.vector_store %arg13[%parallel_loop3A_250, %parallel_loop3A_251], %parallel_loop3A_254 {strides = array<i32>} : memref<24x384xf32, #tpu.memory_space<vmem>>, vector<1x16xf32>,
        %parallel_loop3A_255 = arith.index_cast %parallel_loop3A_226 : i32 to index
        %parallel_loop3A_256 = arith.constant 32 : index
        %parallel_loop3A_257 = tpu.vector_load %arg5[%parallel_loop3A_255, %parallel_loop3A_256] {strides = array<i32>} : memref<24x384xf32, #tpu.memory_space<vmem>>, vector<1x16xf32>,
        %parallel_loop3A_258 = vector.shape_cast %parallel_loop3A_257 : vector<1x16xf32> to vector<16xf32>
        %parallel_loop3A_259 = arith.index_cast %parallel_loop3A_226 : i32 to index
        %parallel_loop3A_260 = arith.constant 32 : index
        %parallel_loop3A_261 = tpu.vector_load %arg9[%parallel_loop3A_259, %parallel_loop3A_260] {strides = array<i32>} : memref<24x384xf32, #tpu.memory_space<vmem>>, vector<1x16xf32>,
        %parallel_loop3A_262 = vector.shape_cast %parallel_loop3A_261 : vector<1x16xf32> to vector<16xf32>
        %parallel_loop3A_263 = arith.addf %parallel_loop3A_258, %parallel_loop3A_262 : vector<16xf32>
        %parallel_loop3A_264 = arith.index_cast %parallel_loop3A_226 : i32 to index
        %parallel_loop3A_265 = arith.constant 32 : index
        %parallel_loop3A_266 = tpu.vector_load %arg13[%parallel_loop3A_264, %parallel_loop3A_265] {strides = array<i32>} : memref<24x384xf32, #tpu.memory_space<vmem>>, vector<1x16xf32>,
        %parallel_loop3A_267 = vector.shape_cast %parallel_loop3A_266 : vector<1x16xf32> to vector<16xf32>
        %parallel_loop3A_268 = vector.shape_cast %parallel_loop3A_263 : vector<16xf32> to vector<1x16xf32>
        tpu.vector_store %arg13[%parallel_loop3A_264, %parallel_loop3A_265], %parallel_loop3A_268 {strides = array<i32>} : memref<24x384xf32, #tpu.memory_space<vmem>>, vector<1x16xf32>,
        %parallel_loop3A_269 = arith.index_cast %parallel_loop3A_226 : i32 to index
        %parallel_loop3A_270 = arith.constant 48 : index
        %parallel_loop3A_271 = tpu.vector_load %arg5[%parallel_loop3A_269, %parallel_loop3A_270] {strides = array<i32>} : memref<24x384xf32, #tpu.memory_space<vmem>>, vector<1x16xf32>,
        %parallel_loop3A_272 = vector.shape_cast %parallel_loop3A_271 : vector<1x16xf32> to vector<16xf32>
        %parallel_loop3A_273 = arith.index_cast %parallel_loop3A_226 : i32 to index
        %parallel_loop3A_274 = arith.constant 48 : index
        %parallel_loop3A_275 = tpu.vector_load %arg9[%parallel_loop3A_273, %parallel_loop3A_274] {strides = array<i32>} : memref<24x384xf32, #tpu.memory_space<vmem>>, vector<1x16xf32>,
        %parallel_loop3A_276 = vector.shape_cast %parallel_loop3A_275 : vector<1x16xf32> to vector<16xf32>
        %parallel_loop3A_277 = arith.addf %parallel_loop3A_272, %parallel_loop3A_276 : vector<16xf32>
        %parallel_loop3A_278 = arith.index_cast %parallel_loop3A_226 : i32 to index
        %parallel_loop3A_279 = arith.constant 48 : index
        %parallel_loop3A_280 = tpu.vector_load %arg13[%parallel_loop3A_278, %parallel_loop3A_279] {strides = array<i32>} : memref<24x384xf32, #tpu.memory_space<vmem>>, vector<1x16xf32>,
        %parallel_loop3A_281 = vector.shape_cast %parallel_loop3A_280 : vector<1x16xf32> to vector<16xf32>
        %parallel_loop3A_282 = vector.shape_cast %parallel_loop3A_277 : vector<16xf32> to vector<1x16xf32>
        tpu.vector_store %arg13[%parallel_loop3A_278, %parallel_loop3A_279], %parallel_loop3A_282 {strides = array<i32>} : memref<24x384xf32, #tpu.memory_space<vmem>>, vector<1x16xf32>,
        %parallel_loop3A_283 = arith.index_cast %parallel_loop3A_226 : i32 to index
        %parallel_loop3A_284 = arith.constant 64 : index
        %parallel_loop3A_285 = tpu.vector_load %arg5[%parallel_loop3A_283, %parallel_loop3A_284] {strides = array<i32>} : memref<24x384xf32, #tpu.memory_space<vmem>>, vector<1x16xf32>,
        %parallel_loop3A_286 = vector.shape_cast %parallel_loop3A_285 : vector<1x16xf32> to vector<16xf32>
        %parallel_loop3A_287 = arith.index_cast %parallel_loop3A_226 : i32 to index
        %parallel_loop3A_288 = arith.constant 64 : index
        %parallel_loop3A_289 = tpu.vector_load %arg9[%parallel_loop3A_287, %parallel_loop3A_288] {strides = array<i32>} : memref<24x384xf32, #tpu.memory_space<vmem>>, vector<1x16xf32>,
        %parallel_loop3A_290 = vector.shape_cast %parallel_loop3A_289 : vector<1x16xf32> to vector<16xf32>
        %parallel_loop3A_291 = arith.addf %parallel_loop3A_286, %parallel_loop3A_290 : vector<16xf32>
        %parallel_loop3A_292 = arith.index_cast %parallel_loop3A_226 : i32 to index
        %parallel_loop3A_293 = arith.constant 64 : index
        %parallel_loop3A_294 = tpu.vector_load %arg13[%parallel_loop3A_292, %parallel_loop3A_293] {strides = array<i32>} : memref<24x384xf32, #tpu.memory_space<vmem>>, vector<1x16xf32>,
        %parallel_loop3A_295 = vector.shape_cast %parallel_loop3A_294 : vector<1x16xf32> to vector<16xf32>
        %parallel_loop3A_296 = vector.shape_cast %parallel_loop3A_291 : vector<16xf32> to vector<1x16xf32>
        tpu.vector_store %arg13[%parallel_loop3A_292, %parallel_loop3A_293], %parallel_loop3A_296 {strides = array<i32>} : memref<24x384xf32, #tpu.memory_space<vmem>>, vector<1x16xf32>,
        %parallel_loop3A_297 = arith.index_cast %parallel_loop3A_226 : i32 to index
        %parallel_loop3A_298 = arith.constant 80 : index
        %parallel_loop3A_299 = tpu.vector_load %arg5[%parallel_loop3A_297, %parallel_loop3A_298] {strides = array<i32>} : memref<24x384xf32, #tpu.memory_space<vmem>>, vector<1x16xf32>,
        %parallel_loop3A_300 = vector.shape_cast %parallel_loop3A_299 : vector<1x16xf32> to vector<16xf32>
        %parallel_loop3A_301 = arith.index_cast %parallel_loop3A_226 : i32 to index
        %parallel_loop3A_302 = arith.constant 80 : index
        %parallel_loop3A_303 = tpu.vector_load %arg9[%parallel_loop3A_301, %parallel_loop3A_302] {strides = array<i32>} : memref<24x384xf32, #tpu.memory_space<vmem>>, vector<1x16xf32>,
        %parallel_loop3A_304 = vector.shape_cast %parallel_loop3A_303 : vector<1x16xf32> to vector<16xf32>
        %parallel_loop3A_305 = arith.addf %parallel_loop3A_300, %parallel_loop3A_304 : vector<16xf32>
        %parallel_loop3A_306 = arith.index_cast %parallel_loop3A_226 : i32 to index
        %parallel_loop3A_307 = arith.constant 80 : index
        %parallel_loop3A_308 = tpu.vector_load %arg13[%parallel_loop3A_306, %parallel_loop3A_307] {strides = array<i32>} : memref<24x384xf32, #tpu.memory_space<vmem>>, vector<1x16xf32>,
        %parallel_loop3A_309 = vector.shape_cast %parallel_loop3A_308 : vector<1x16xf32> to vector<16xf32>
        %parallel_loop3A_310 = vector.shape_cast %parallel_loop3A_305 : vector<16xf32> to vector<1x16xf32>
        tpu.vector_store %arg13[%parallel_loop3A_306, %parallel_loop3A_307], %parallel_loop3A_310 {strides = array<i32>} : memref<24x384xf32, #tpu.memory_space<vmem>>, vector<1x16xf32>,
        %parallel_loop3A_311 = arith.index_cast %parallel_loop3A_226 : i32 to index
        %parallel_loop3A_312 = arith.constant 96 : index
        %parallel_loop3A_313 = tpu.vector_load %arg5[%parallel_loop3A_311, %parallel_loop3A_312] {strides = array<i32>} : memref<24x384xf32, #tpu.memory_space<vmem>>, vector<1x16xf32>,
        %parallel_loop3A_314 = vector.shape_cast %parallel_loop3A_313 : vector<1x16xf32> to vector<16xf32>
        %parallel_loop3A_315 = arith.index_cast %parallel_loop3A_226 : i32 to index
        %parallel_loop3A_316 = arith.constant 96 : index
        %parallel_loop3A_317 = tpu.vector_load %arg9[%parallel_loop3A_315, %parallel_loop3A_316] {strides = array<i32>} : memref<24x384xf32, #tpu.memory_space<vmem>>, vector<1x16xf32>,
        %parallel_loop3A_318 = vector.shape_cast %parallel_loop3A_317 : vector<1x16xf32> to vector<16xf32>
        %parallel_loop3A_319 = arith.addf %parallel_loop3A_314, %parallel_loop3A_318 : vector<16xf32>
        %parallel_loop3A_320 = arith.index_cast %parallel_loop3A_226 : i32 to index
        %parallel_loop3A_321 = arith.constant 96 : index
        %parallel_loop3A_322 = tpu.vector_load %arg13[%parallel_loop3A_320, %parallel_loop3A_321] {strides = array<i32>} : memref<24x384xf32, #tpu.memory_space<vmem>>, vector<1x16xf32>,
        %parallel_loop3A_323 = vector.shape_cast %parallel_loop3A_322 : vector<1x16xf32> to vector<16xf32>
        %parallel_loop3A_324 = vector.shape_cast %parallel_loop3A_319 : vector<16xf32> to vector<1x16xf32>
        tpu.vector_store %arg13[%parallel_loop3A_320, %parallel_loop3A_321], %parallel_loop3A_324 {strides = array<i32>} : memref<24x384xf32, #tpu.memory_space<vmem>>, vector<1x16xf32>,
        %parallel_loop3A_325 = arith.index_cast %parallel_loop3A_226 : i32 to index
        %parallel_loop3A_326 = arith.constant 112 : index
        %parallel_loop3A_327 = tpu.vector_load %arg5[%parallel_loop3A_325, %parallel_loop3A_326] {strides = array<i32>} : memref<24x384xf32, #tpu.memory_space<vmem>>, vector<1x16xf32>,
        %parallel_loop3A_328 = vector.shape_cast %parallel_loop3A_327 : vector<1x16xf32> to vector<16xf32>
        %parallel_loop3A_329 = arith.index_cast %parallel_loop3A_226 : i32 to index
        %parallel_loop3A_330 = arith.constant 112 : index
        %parallel_loop3A_331 = tpu.vector_load %arg9[%parallel_loop3A_329, %parallel_loop3A_330] {strides = array<i32>} : memref<24x384xf32, #tpu.memory_space<vmem>>, vector<1x16xf32>,
        %parallel_loop3A_332 = vector.shape_cast %parallel_loop3A_331 : vector<1x16xf32> to vector<16xf32>
        %parallel_loop3A_333 = arith.addf %parallel_loop3A_328, %parallel_loop3A_332 : vector<16xf32>
        %parallel_loop3A_334 = arith.index_cast %parallel_loop3A_226 : i32 to index
        %parallel_loop3A_335 = arith.constant 112 : index
        %parallel_loop3A_336 = tpu.vector_load %arg13[%parallel_loop3A_334, %parallel_loop3A_335] {strides = array<i32>} : memref<24x384xf32, #tpu.memory_space<vmem>>, vector<1x16xf32>,
        %parallel_loop3A_337 = vector.shape_cast %parallel_loop3A_336 : vector<1x16xf32> to vector<16xf32>
        %parallel_loop3A_338 = vector.shape_cast %parallel_loop3A_333 : vector<16xf32> to vector<1x16xf32>
        tpu.vector_store %arg13[%parallel_loop3A_334, %parallel_loop3A_335], %parallel_loop3A_338 {strides = array<i32>} : memref<24x384xf32, #tpu.memory_space<vmem>>, vector<1x16xf32>,
        %parallel_loop3A_339 = arith.index_cast %parallel_loop3A_226 : i32 to index
        %parallel_loop3A_340 = arith.constant 128 : index
        %parallel_loop3A_341 = tpu.vector_load %arg5[%parallel_loop3A_339, %parallel_loop3A_340] {strides = array<i32>} : memref<24x384xf32, #tpu.memory_space<vmem>>, vector<1x16xf32>,
        %parallel_loop3A_342 = vector.shape_cast %parallel_loop3A_341 : vector<1x16xf32> to vector<16xf32>
        %parallel_loop3A_343 = arith.index_cast %parallel_loop3A_226 : i32 to index
        %parallel_loop3A_344 = arith.constant 128 : index
        %parallel_loop3A_345 = tpu.vector_load %arg9[%parallel_loop3A_343, %parallel_loop3A_344] {strides = array<i32>} : memref<24x384xf32, #tpu.memory_space<vmem>>, vector<1x16xf32>,
        %parallel_loop3A_346 = vector.shape_cast %parallel_loop3A_345 : vector<1x16xf32> to vector<16xf32>
        %parallel_loop3A_347 = arith.addf %parallel_loop3A_342, %parallel_loop3A_346 : vector<16xf32>
        %parallel_loop3A_348 = arith.index_cast %parallel_loop3A_226 : i32 to index
        %parallel_loop3A_349 = arith.constant 128 : index
        %parallel_loop3A_350 = tpu.vector_load %arg13[%parallel_loop3A_348, %parallel_loop3A_349] {strides = array<i32>} : memref<24x384xf32, #tpu.memory_space<vmem>>, vector<1x16xf32>,
        %parallel_loop3A_351 = vector.shape_cast %parallel_loop3A_350 : vector<1x16xf32> to vector<16xf32>
        %parallel_loop3A_352 = vector.shape_cast %parallel_loop3A_347 : vector<16xf32> to vector<1x16xf32>
        tpu.vector_store %arg13[%parallel_loop3A_348, %parallel_loop3A_349], %parallel_loop3A_352 {strides = array<i32>} : memref<24x384xf32, #tpu.memory_space<vmem>>, vector<1x16xf32>,
        %parallel_loop3A_353 = arith.index_cast %parallel_loop3A_226 : i32 to index
        %parallel_loop3A_354 = arith.constant 144 : index
        %parallel_loop3A_355 = tpu.vector_load %arg5[%parallel_loop3A_353, %parallel_loop3A_354] {strides = array<i32>} : memref<24x384xf32, #tpu.memory_space<vmem>>, vector<1x16xf32>,
        %parallel_loop3A_356 = vector.shape_cast %parallel_loop3A_355 : vector<1x16xf32> to vector<16xf32>
        %parallel_loop3A_357 = arith.index_cast %parallel_loop3A_226 : i32 to index
        %parallel_loop3A_358 = arith.constant 144 : index
        %parallel_loop3A_359 = tpu.vector_load %arg9[%parallel_loop3A_357, %parallel_loop3A_358] {strides = array<i32>} : memref<24x384xf32, #tpu.memory_space<vmem>>, vector<1x16xf32>,
        %parallel_loop3A_360 = vector.shape_cast %parallel_loop3A_359 : vector<1x16xf32> to vector<16xf32>
        %parallel_loop3A_361 = arith.addf %parallel_loop3A_356, %parallel_loop3A_360 : vector<16xf32>
        %parallel_loop3A_362 = arith.index_cast %parallel_loop3A_226 : i32 to index
        %parallel_loop3A_363 = arith.constant 144 : index
        %parallel_loop3A_364 = tpu.vector_load %arg13[%parallel_loop3A_362, %parallel_loop3A_363] {strides = array<i32>} : memref<24x384xf32, #tpu.memory_space<vmem>>, vector<1x16xf32>,
        %parallel_loop3A_365 = vector.shape_cast %parallel_loop3A_364 : vector<1x16xf32> to vector<16xf32>
        %parallel_loop3A_366 = vector.shape_cast %parallel_loop3A_361 : vector<16xf32> to vector<1x16xf32>
        tpu.vector_store %arg13[%parallel_loop3A_362, %parallel_loop3A_363], %parallel_loop3A_366 {strides = array<i32>} : memref<24x384xf32, #tpu.memory_space<vmem>>, vector<1x16xf32>,
        %parallel_loop3A_367 = arith.index_cast %parallel_loop3A_226 : i32 to index
        %parallel_loop3A_368 = arith.constant 160 : index
        %parallel_loop3A_369 = tpu.vector_load %arg5[%parallel_loop3A_367, %parallel_loop3A_368] {strides = array<i32>} : memref<24x384xf32, #tpu.memory_space<vmem>>, vector<1x16xf32>,
        %parallel_loop3A_370 = vector.shape_cast %parallel_loop3A_369 : vector<1x16xf32> to vector<16xf32>
        %parallel_loop3A_371 = arith.index_cast %parallel_loop3A_226 : i32 to index
        %parallel_loop3A_372 = arith.constant 160 : index
        %parallel_loop3A_373 = tpu.vector_load %arg9[%parallel_loop3A_371, %parallel_loop3A_372] {strides = array<i32>} : memref<24x384xf32, #tpu.memory_space<vmem>>, vector<1x16xf32>,
        %parallel_loop3A_374 = vector.shape_cast %parallel_loop3A_373 : vector<1x16xf32> to vector<16xf32>
        %parallel_loop3A_375 = arith.addf %parallel_loop3A_370, %parallel_loop3A_374 : vector<16xf32>
        %parallel_loop3A_376 = arith.index_cast %parallel_loop3A_226 : i32 to index
        %parallel_loop3A_377 = arith.constant 160 : index
        %parallel_loop3A_378 = tpu.vector_load %arg13[%parallel_loop3A_376, %parallel_loop3A_377] {strides = array<i32>} : memref<24x384xf32, #tpu.memory_space<vmem>>, vector<1x16xf32>,
        %parallel_loop3A_379 = vector.shape_cast %parallel_loop3A_378 : vector<1x16xf32> to vector<16xf32>
        %parallel_loop3A_380 = vector.shape_cast %parallel_loop3A_375 : vector<16xf32> to vector<1x16xf32>
        tpu.vector_store %arg13[%parallel_loop3A_376, %parallel_loop3A_377], %parallel_loop3A_380 {strides = array<i32>} : memref<24x384xf32, #tpu.memory_space<vmem>>, vector<1x16xf32>,
        %parallel_loop3A_381 = arith.index_cast %parallel_loop3A_226 : i32 to index
        %parallel_loop3A_382 = arith.constant 176 : index
        %parallel_loop3A_383 = tpu.vector_load %arg5[%parallel_loop3A_381, %parallel_loop3A_382] {strides = array<i32>} : memref<24x384xf32, #tpu.memory_space<vmem>>, vector<1x16xf32>,
        %parallel_loop3A_384 = vector.shape_cast %parallel_loop3A_383 : vector<1x16xf32> to vector<16xf32>
        %parallel_loop3A_385 = arith.index_cast %parallel_loop3A_226 : i32 to index
        %parallel_loop3A_386 = arith.constant 176 : index
        %parallel_loop3A_387 = tpu.vector_load %arg9[%parallel_loop3A_385, %parallel_loop3A_386] {strides = array<i32>} : memref<24x384xf32, #tpu.memory_space<vmem>>, vector<1x16xf32>,
        %parallel_loop3A_388 = vector.shape_cast %parallel_loop3A_387 : vector<1x16xf32> to vector<16xf32>
        %parallel_loop3A_389 = arith.addf %parallel_loop3A_384, %parallel_loop3A_388 : vector<16xf32>
        %parallel_loop3A_390 = arith.index_cast %parallel_loop3A_226 : i32 to index
        %parallel_loop3A_391 = arith.constant 176 : index
        %parallel_loop3A_392 = tpu.vector_load %arg13[%parallel_loop3A_390, %parallel_loop3A_391] {strides = array<i32>} : memref<24x384xf32, #tpu.memory_space<vmem>>, vector<1x16xf32>,
        %parallel_loop3A_393 = vector.shape_cast %parallel_loop3A_392 : vector<1x16xf32> to vector<16xf32>
        %parallel_loop3A_394 = vector.shape_cast %parallel_loop3A_389 : vector<16xf32> to vector<1x16xf32>
        tpu.vector_store %arg13[%parallel_loop3A_390, %parallel_loop3A_391], %parallel_loop3A_394 {strides = array<i32>} : memref<24x384xf32, #tpu.memory_space<vmem>>, vector<1x16xf32>,
        %parallel_loop3A_395 = arith.index_cast %parallel_loop3A_226 : i32 to index
        %parallel_loop3A_396 = arith.constant 192 : index
        %parallel_loop3A_397 = tpu.vector_load %arg5[%parallel_loop3A_395, %parallel_loop3A_396] {strides = array<i32>} : memref<24x384xf32, #tpu.memory_space<vmem>>, vector<1x16xf32>,
        %parallel_loop3A_398 = vector.shape_cast %parallel_loop3A_397 : vector<1x16xf32> to vector<16xf32>
        %parallel_loop3A_399 = arith.index_cast %parallel_loop3A_226 : i32 to index
        %parallel_loop3A_400 = arith.constant 192 : index
        %parallel_loop3A_401 = tpu.vector_load %arg9[%parallel_loop3A_399, %parallel_loop3A_400] {strides = array<i32>} : memref<24x384xf32, #tpu.memory_space<vmem>>, vector<1x16xf32>,
        %parallel_loop3A_402 = vector.shape_cast %parallel_loop3A_401 : vector<1x16xf32> to vector<16xf32>
        %parallel_loop3A_403 = arith.addf %parallel_loop3A_398, %parallel_loop3A_402 : vector<16xf32>
        %parallel_loop3A_404 = arith.index_cast %parallel_loop3A_226 : i32 to index
        %parallel_loop3A_405 = arith.constant 192 : index
        %parallel_loop3A_406 = tpu.vector_load %arg13[%parallel_loop3A_404, %parallel_loop3A_405] {strides = array<i32>} : memref<24x384xf32, #tpu.memory_space<vmem>>, vector<1x16xf32>,
        %parallel_loop3A_407 = vector.shape_cast %parallel_loop3A_406 : vector<1x16xf32> to vector<16xf32>
        %parallel_loop3A_408 = vector.shape_cast %parallel_loop3A_403 : vector<16xf32> to vector<1x16xf32>
        tpu.vector_store %arg13[%parallel_loop3A_404, %parallel_loop3A_405], %parallel_loop3A_408 {strides = array<i32>} : memref<24x384xf32, #tpu.memory_space<vmem>>, vector<1x16xf32>,
        %parallel_loop3A_409 = arith.index_cast %parallel_loop3A_226 : i32 to index
        %parallel_loop3A_410 = arith.constant 208 : index
        %parallel_loop3A_411 = tpu.vector_load %arg5[%parallel_loop3A_409, %parallel_loop3A_410] {strides = array<i32>} : memref<24x384xf32, #tpu.memory_space<vmem>>, vector<1x16xf32>,
        %parallel_loop3A_412 = vector.shape_cast %parallel_loop3A_411 : vector<1x16xf32> to vector<16xf32>
        %parallel_loop3A_413 = arith.index_cast %parallel_loop3A_226 : i32 to index
        %parallel_loop3A_414 = arith.constant 208 : index
        %parallel_loop3A_415 = tpu.vector_load %arg9[%parallel_loop3A_413, %parallel_loop3A_414] {strides = array<i32>} : memref<24x384xf32, #tpu.memory_space<vmem>>, vector<1x16xf32>,
        %parallel_loop3A_416 = vector.shape_cast %parallel_loop3A_415 : vector<1x16xf32> to vector<16xf32>
        %parallel_loop3A_417 = arith.addf %parallel_loop3A_412, %parallel_loop3A_416 : vector<16xf32>
        %parallel_loop3A_418 = arith.index_cast %parallel_loop3A_226 : i32 to index
        %parallel_loop3A_419 = arith.constant 208 : index
        %parallel_loop3A_420 = tpu.vector_load %arg13[%parallel_loop3A_418, %parallel_loop3A_419] {strides = array<i32>} : memref<24x384xf32, #tpu.memory_space<vmem>>, vector<1x16xf32>,
        %parallel_loop3A_421 = vector.shape_cast %parallel_loop3A_420 : vector<1x16xf32> to vector<16xf32>
        %parallel_loop3A_422 = vector.shape_cast %parallel_loop3A_417 : vector<16xf32> to vector<1x16xf32>
        tpu.vector_store %arg13[%parallel_loop3A_418, %parallel_loop3A_419], %parallel_loop3A_422 {strides = array<i32>} : memref<24x384xf32, #tpu.memory_space<vmem>>, vector<1x16xf32>,
        %parallel_loop3A_423 = arith.index_cast %parallel_loop3A_226 : i32 to index
        %parallel_loop3A_424 = arith.constant 224 : index
        %parallel_loop3A_425 = tpu.vector_load %arg5[%parallel_loop3A_423, %parallel_loop3A_424] {strides = array<i32>} : memref<24x384xf32, #tpu.memory_space<vmem>>, vector<1x16xf32>,
        %parallel_loop3A_426 = vector.shape_cast %parallel_loop3A_425 : vector<1x16xf32> to vector<16xf32>
        %parallel_loop3A_427 = arith.index_cast %parallel_loop3A_226 : i32 to index
        %parallel_loop3A_428 = arith.constant 224 : index
        %parallel_loop3A_429 = tpu.vector_load %arg9[%parallel_loop3A_427, %parallel_loop3A_428] {strides = array<i32>} : memref<24x384xf32, #tpu.memory_space<vmem>>, vector<1x16xf32>,
        %parallel_loop3A_430 = vector.shape_cast %parallel_loop3A_429 : vector<1x16xf32> to vector<16xf32>
        %parallel_loop3A_431 = arith.addf %parallel_loop3A_426, %parallel_loop3A_430 : vector<16xf32>
        %parallel_loop3A_432 = arith.index_cast %parallel_loop3A_226 : i32 to index
        %parallel_loop3A_433 = arith.constant 224 : index
        %parallel_loop3A_434 = tpu.vector_load %arg13[%parallel_loop3A_432, %parallel_loop3A_433] {strides = array<i32>} : memref<24x384xf32, #tpu.memory_space<vmem>>, vector<1x16xf32>,
        %parallel_loop3A_435 = vector.shape_cast %parallel_loop3A_434 : vector<1x16xf32> to vector<16xf32>
        %parallel_loop3A_436 = vector.shape_cast %parallel_loop3A_431 : vector<16xf32> to vector<1x16xf32>
        tpu.vector_store %arg13[%parallel_loop3A_432, %parallel_loop3A_433], %parallel_loop3A_436 {strides = array<i32>} : memref<24x384xf32, #tpu.memory_space<vmem>>, vector<1x16xf32>,
        %parallel_loop3A_437 = arith.index_cast %parallel_loop3A_226 : i32 to index
        %parallel_loop3A_438 = arith.constant 240 : index
        %parallel_loop3A_439 = tpu.vector_load %arg5[%parallel_loop3A_437, %parallel_loop3A_438] {strides = array<i32>} : memref<24x384xf32, #tpu.memory_space<vmem>>, vector<1x16xf32>,
        %parallel_loop3A_440 = vector.shape_cast %parallel_loop3A_439 : vector<1x16xf32> to vector<16xf32>
        %parallel_loop3A_441 = arith.index_cast %parallel_loop3A_226 : i32 to index
        %parallel_loop3A_442 = arith.constant 240 : index
        %parallel_loop3A_443 = tpu.vector_load %arg9[%parallel_loop3A_441, %parallel_loop3A_442] {strides = array<i32>} : memref<24x384xf32, #tpu.memory_space<vmem>>, vector<1x16xf32>,
        %parallel_loop3A_444 = vector.shape_cast %parallel_loop3A_443 : vector<1x16xf32> to vector<16xf32>
        %parallel_loop3A_445 = arith.addf %parallel_loop3A_440, %parallel_loop3A_444 : vector<16xf32>
        %parallel_loop3A_446 = arith.index_cast %parallel_loop3A_226 : i32 to index
        %parallel_loop3A_447 = arith.constant 240 : index
        %parallel_loop3A_448 = tpu.vector_load %arg13[%parallel_loop3A_446, %parallel_loop3A_447] {strides = array<i32>} : memref<24x384xf32, #tpu.memory_space<vmem>>, vector<1x16xf32>,
        %parallel_loop3A_449 = vector.shape_cast %parallel_loop3A_448 : vector<1x16xf32> to vector<16xf32>
        %parallel_loop3A_450 = vector.shape_cast %parallel_loop3A_445 : vector<16xf32> to vector<1x16xf32>
        tpu.vector_store %arg13[%parallel_loop3A_446, %parallel_loop3A_447], %parallel_loop3A_450 {strides = array<i32>} : memref<24x384xf32, #tpu.memory_space<vmem>>, vector<1x16xf32>,
        %parallel_loop3A_451 = arith.index_cast %parallel_loop3A_226 : i32 to index
        %parallel_loop3A_452 = arith.constant 256 : index
        %parallel_loop3A_453 = tpu.vector_load %arg5[%parallel_loop3A_451, %parallel_loop3A_452] {strides = array<i32>} : memref<24x384xf32, #tpu.memory_space<vmem>>, vector<1x16xf32>,
        %parallel_loop3A_454 = vector.shape_cast %parallel_loop3A_453 : vector<1x16xf32> to vector<16xf32>
        %parallel_loop3A_455 = arith.index_cast %parallel_loop3A_226 : i32 to index
        %parallel_loop3A_456 = arith.constant 256 : index
        %parallel_loop3A_457 = tpu.vector_load %arg9[%parallel_loop3A_455, %parallel_loop3A_456] {strides = array<i32>} : memref<24x384xf32, #tpu.memory_space<vmem>>, vector<1x16xf32>,
        %parallel_loop3A_458 = vector.shape_cast %parallel_loop3A_457 : vector<1x16xf32> to vector<16xf32>
        %parallel_loop3A_459 = arith.addf %parallel_loop3A_454, %parallel_loop3A_458 : vector<16xf32>
        %parallel_loop3A_460 = arith.index_cast %parallel_loop3A_226 : i32 to index
        %parallel_loop3A_461 = arith.constant 256 : index
        %parallel_loop3A_462 = tpu.vector_load %arg13[%parallel_loop3A_460, %parallel_loop3A_461] {strides = array<i32>} : memref<24x384xf32, #tpu.memory_space<vmem>>, vector<1x16xf32>,
        %parallel_loop3A_463 = vector.shape_cast %parallel_loop3A_462 : vector<1x16xf32> to vector<16xf32>
        %parallel_loop3A_464 = vector.shape_cast %parallel_loop3A_459 : vector<16xf32> to vector<1x16xf32>
        tpu.vector_store %arg13[%parallel_loop3A_460, %parallel_loop3A_461], %parallel_loop3A_464 {strides = array<i32>} : memref<24x384xf32, #tpu.memory_space<vmem>>, vector<1x16xf32>,
        %parallel_loop3A_465 = arith.index_cast %parallel_loop3A_226 : i32 to index
        %parallel_loop3A_466 = arith.constant 272 : index
        %parallel_loop3A_467 = tpu.vector_load %arg5[%parallel_loop3A_465, %parallel_loop3A_466] {strides = array<i32>} : memref<24x384xf32, #tpu.memory_space<vmem>>, vector<1x16xf32>,
        %parallel_loop3A_468 = vector.shape_cast %parallel_loop3A_467 : vector<1x16xf32> to vector<16xf32>
        %parallel_loop3A_469 = arith.index_cast %parallel_loop3A_226 : i32 to index
        %parallel_loop3A_470 = arith.constant 272 : index
        %parallel_loop3A_471 = tpu.vector_load %arg9[%parallel_loop3A_469, %parallel_loop3A_470] {strides = array<i32>} : memref<24x384xf32, #tpu.memory_space<vmem>>, vector<1x16xf32>,
        %parallel_loop3A_472 = vector.shape_cast %parallel_loop3A_471 : vector<1x16xf32> to vector<16xf32>
        %parallel_loop3A_473 = arith.addf %parallel_loop3A_468, %parallel_loop3A_472 : vector<16xf32>
        %parallel_loop3A_474 = arith.index_cast %parallel_loop3A_226 : i32 to index
        %parallel_loop3A_475 = arith.constant 272 : index
        %parallel_loop3A_476 = tpu.vector_load %arg13[%parallel_loop3A_474, %parallel_loop3A_475] {strides = array<i32>} : memref<24x384xf32, #tpu.memory_space<vmem>>, vector<1x16xf32>,
        %parallel_loop3A_477 = vector.shape_cast %parallel_loop3A_476 : vector<1x16xf32> to vector<16xf32>
        %parallel_loop3A_478 = vector.shape_cast %parallel_loop3A_473 : vector<16xf32> to vector<1x16xf32>
        tpu.vector_store %arg13[%parallel_loop3A_474, %parallel_loop3A_475], %parallel_loop3A_478 {strides = array<i32>} : memref<24x384xf32, #tpu.memory_space<vmem>>, vector<1x16xf32>,
        %parallel_loop3A_479 = arith.index_cast %parallel_loop3A_226 : i32 to index
        %parallel_loop3A_480 = arith.constant 288 : index
        %parallel_loop3A_481 = tpu.vector_load %arg5[%parallel_loop3A_479, %parallel_loop3A_480] {strides = array<i32>} : memref<24x384xf32, #tpu.memory_space<vmem>>, vector<1x16xf32>,
        %parallel_loop3A_482 = vector.shape_cast %parallel_loop3A_481 : vector<1x16xf32> to vector<16xf32>
        %parallel_loop3A_483 = arith.index_cast %parallel_loop3A_226 : i32 to index
        %parallel_loop3A_484 = arith.constant 288 : index
        %parallel_loop3A_485 = tpu.vector_load %arg9[%parallel_loop3A_483, %parallel_loop3A_484] {strides = array<i32>} : memref<24x384xf32, #tpu.memory_space<vmem>>, vector<1x16xf32>,
        %parallel_loop3A_486 = vector.shape_cast %parallel_loop3A_485 : vector<1x16xf32> to vector<16xf32>
        %parallel_loop3A_487 = arith.addf %parallel_loop3A_482, %parallel_loop3A_486 : vector<16xf32>
        %parallel_loop3A_488 = arith.index_cast %parallel_loop3A_226 : i32 to index
        %parallel_loop3A_489 = arith.constant 288 : index
        %parallel_loop3A_490 = tpu.vector_load %arg13[%parallel_loop3A_488, %parallel_loop3A_489] {strides = array<i32>} : memref<24x384xf32, #tpu.memory_space<vmem>>, vector<1x16xf32>,
        %parallel_loop3A_491 = vector.shape_cast %parallel_loop3A_490 : vector<1x16xf32> to vector<16xf32>
        %parallel_loop3A_492 = vector.shape_cast %parallel_loop3A_487 : vector<16xf32> to vector<1x16xf32>
        tpu.vector_store %arg13[%parallel_loop3A_488, %parallel_loop3A_489], %parallel_loop3A_492 {strides = array<i32>} : memref<24x384xf32, #tpu.memory_space<vmem>>, vector<1x16xf32>,
        %parallel_loop3A_493 = arith.index_cast %parallel_loop3A_226 : i32 to index
        %parallel_loop3A_494 = arith.constant 304 : index
        %parallel_loop3A_495 = tpu.vector_load %arg5[%parallel_loop3A_493, %parallel_loop3A_494] {strides = array<i32>} : memref<24x384xf32, #tpu.memory_space<vmem>>, vector<1x16xf32>,
        %parallel_loop3A_496 = vector.shape_cast %parallel_loop3A_495 : vector<1x16xf32> to vector<16xf32>
        %parallel_loop3A_497 = arith.index_cast %parallel_loop3A_226 : i32 to index
        %parallel_loop3A_498 = arith.constant 304 : index
        %parallel_loop3A_499 = tpu.vector_load %arg9[%parallel_loop3A_497, %parallel_loop3A_498] {strides = array<i32>} : memref<24x384xf32, #tpu.memory_space<vmem>>, vector<1x16xf32>,
        %parallel_loop3A_500 = vector.shape_cast %parallel_loop3A_499 : vector<1x16xf32> to vector<16xf32>
        %parallel_loop3A_501 = arith.addf %parallel_loop3A_496, %parallel_loop3A_500 : vector<16xf32>
        %parallel_loop3A_502 = arith.index_cast %parallel_loop3A_226 : i32 to index
        %parallel_loop3A_503 = arith.constant 304 : index
        %parallel_loop3A_504 = tpu.vector_load %arg13[%parallel_loop3A_502, %parallel_loop3A_503] {strides = array<i32>} : memref<24x384xf32, #tpu.memory_space<vmem>>, vector<1x16xf32>,
        %parallel_loop3A_505 = vector.shape_cast %parallel_loop3A_504 : vector<1x16xf32> to vector<16xf32>
        %parallel_loop3A_506 = vector.shape_cast %parallel_loop3A_501 : vector<16xf32> to vector<1x16xf32>
        tpu.vector_store %arg13[%parallel_loop3A_502, %parallel_loop3A_503], %parallel_loop3A_506 {strides = array<i32>} : memref<24x384xf32, #tpu.memory_space<vmem>>, vector<1x16xf32>,
        %parallel_loop3A_507 = arith.index_cast %parallel_loop3A_226 : i32 to index
        %parallel_loop3A_508 = arith.constant 320 : index
        %parallel_loop3A_509 = tpu.vector_load %arg5[%parallel_loop3A_507, %parallel_loop3A_508] {strides = array<i32>} : memref<24x384xf32, #tpu.memory_space<vmem>>, vector<1x16xf32>,
        %parallel_loop3A_510 = vector.shape_cast %parallel_loop3A_509 : vector<1x16xf32> to vector<16xf32>
        %parallel_loop3A_511 = arith.index_cast %parallel_loop3A_226 : i32 to index
        %parallel_loop3A_512 = arith.constant 320 : index
        %parallel_loop3A_513 = tpu.vector_load %arg9[%parallel_loop3A_511, %parallel_loop3A_512] {strides = array<i32>} : memref<24x384xf32, #tpu.memory_space<vmem>>, vector<1x16xf32>,
        %parallel_loop3A_514 = vector.shape_cast %parallel_loop3A_513 : vector<1x16xf32> to vector<16xf32>
        %parallel_loop3A_515 = arith.addf %parallel_loop3A_510, %parallel_loop3A_514 : vector<16xf32>
        %parallel_loop3A_516 = arith.index_cast %parallel_loop3A_226 : i32 to index
        %parallel_loop3A_517 = arith.constant 320 : index
        %parallel_loop3A_518 = tpu.vector_load %arg13[%parallel_loop3A_516, %parallel_loop3A_517] {strides = array<i32>} : memref<24x384xf32, #tpu.memory_space<vmem>>, vector<1x16xf32>,
        %parallel_loop3A_519 = vector.shape_cast %parallel_loop3A_518 : vector<1x16xf32> to vector<16xf32>
        %parallel_loop3A_520 = vector.shape_cast %parallel_loop3A_515 : vector<16xf32> to vector<1x16xf32>
        tpu.vector_store %arg13[%parallel_loop3A_516, %parallel_loop3A_517], %parallel_loop3A_520 {strides = array<i32>} : memref<24x384xf32, #tpu.memory_space<vmem>>, vector<1x16xf32>,
        %parallel_loop3A_521 = arith.index_cast %parallel_loop3A_226 : i32 to index
        %parallel_loop3A_522 = arith.constant 336 : index
        %parallel_loop3A_523 = tpu.vector_load %arg5[%parallel_loop3A_521, %parallel_loop3A_522] {strides = array<i32>} : memref<24x384xf32, #tpu.memory_space<vmem>>, vector<1x16xf32>,
        %parallel_loop3A_524 = vector.shape_cast %parallel_loop3A_523 : vector<1x16xf32> to vector<16xf32>
        %parallel_loop3A_525 = arith.index_cast %parallel_loop3A_226 : i32 to index
        %parallel_loop3A_526 = arith.constant 336 : index
        %parallel_loop3A_527 = tpu.vector_load %arg9[%parallel_loop3A_525, %parallel_loop3A_526] {strides = array<i32>} : memref<24x384xf32, #tpu.memory_space<vmem>>, vector<1x16xf32>,
        %parallel_loop3A_528 = vector.shape_cast %parallel_loop3A_527 : vector<1x16xf32> to vector<16xf32>
        %parallel_loop3A_529 = arith.addf %parallel_loop3A_524, %parallel_loop3A_528 : vector<16xf32>
        %parallel_loop3A_530 = arith.index_cast %parallel_loop3A_226 : i32 to index
        %parallel_loop3A_531 = arith.constant 336 : index
        %parallel_loop3A_532 = tpu.vector_load %arg13[%parallel_loop3A_530, %parallel_loop3A_531] {strides = array<i32>} : memref<24x384xf32, #tpu.memory_space<vmem>>, vector<1x16xf32>,
        %parallel_loop3A_533 = vector.shape_cast %parallel_loop3A_532 : vector<1x16xf32> to vector<16xf32>
        %parallel_loop3A_534 = vector.shape_cast %parallel_loop3A_529 : vector<16xf32> to vector<1x16xf32>
        tpu.vector_store %arg13[%parallel_loop3A_530, %parallel_loop3A_531], %parallel_loop3A_534 {strides = array<i32>} : memref<24x384xf32, #tpu.memory_space<vmem>>, vector<1x16xf32>,
        %parallel_loop3A_535 = arith.index_cast %parallel_loop3A_226 : i32 to index
        %parallel_loop3A_536 = arith.constant 352 : index
        %parallel_loop3A_537 = tpu.vector_load %arg5[%parallel_loop3A_535, %parallel_loop3A_536] {strides = array<i32>} : memref<24x384xf32, #tpu.memory_space<vmem>>, vector<1x16xf32>,
        %parallel_loop3A_538 = vector.shape_cast %parallel_loop3A_537 : vector<1x16xf32> to vector<16xf32>
        %parallel_loop3A_539 = arith.index_cast %parallel_loop3A_226 : i32 to index
        %parallel_loop3A_540 = arith.constant 352 : index
        %parallel_loop3A_541 = tpu.vector_load %arg9[%parallel_loop3A_539, %parallel_loop3A_540] {strides = array<i32>} : memref<24x384xf32, #tpu.memory_space<vmem>>, vector<1x16xf32>,
        %parallel_loop3A_542 = vector.shape_cast %parallel_loop3A_541 : vector<1x16xf32> to vector<16xf32>
        %parallel_loop3A_543 = arith.addf %parallel_loop3A_538, %parallel_loop3A_542 : vector<16xf32>
        %parallel_loop3A_544 = arith.index_cast %parallel_loop3A_226 : i32 to index
        %parallel_loop3A_545 = arith.constant 352 : index
        %parallel_loop3A_546 = tpu.vector_load %arg13[%parallel_loop3A_544, %parallel_loop3A_545] {strides = array<i32>} : memref<24x384xf32, #tpu.memory_space<vmem>>, vector<1x16xf32>,
        %parallel_loop3A_547 = vector.shape_cast %parallel_loop3A_546 : vector<1x16xf32> to vector<16xf32>
        %parallel_loop3A_548 = vector.shape_cast %parallel_loop3A_543 : vector<16xf32> to vector<1x16xf32>
        tpu.vector_store %arg13[%parallel_loop3A_544, %parallel_loop3A_545], %parallel_loop3A_548 {strides = array<i32>} : memref<24x384xf32, #tpu.memory_space<vmem>>, vector<1x16xf32>,
        %parallel_loop3A_549 = arith.index_cast %parallel_loop3A_226 : i32 to index
        %parallel_loop3A_550 = arith.constant 368 : index
        %parallel_loop3A_551 = tpu.vector_load %arg5[%parallel_loop3A_549, %parallel_loop3A_550] {strides = array<i32>} : memref<24x384xf32, #tpu.memory_space<vmem>>, vector<1x16xf32>,
        %parallel_loop3A_552 = vector.shape_cast %parallel_loop3A_551 : vector<1x16xf32> to vector<16xf32>
        %parallel_loop3A_553 = arith.index_cast %parallel_loop3A_226 : i32 to index
        %parallel_loop3A_554 = arith.constant 368 : index
        %parallel_loop3A_555 = tpu.vector_load %arg9[%parallel_loop3A_553, %parallel_loop3A_554] {strides = array<i32>} : memref<24x384xf32, #tpu.memory_space<vmem>>, vector<1x16xf32>,
        %parallel_loop3A_556 = vector.shape_cast %parallel_loop3A_555 : vector<1x16xf32> to vector<16xf32>
        %parallel_loop3A_557 = arith.addf %parallel_loop3A_552, %parallel_loop3A_556 : vector<16xf32>
        %parallel_loop3A_558 = arith.index_cast %parallel_loop3A_226 : i32 to index
        %parallel_loop3A_559 = arith.constant 368 : index
        %parallel_loop3A_560 = tpu.vector_load %arg13[%parallel_loop3A_558, %parallel_loop3A_559] {strides = array<i32>} : memref<24x384xf32, #tpu.memory_space<vmem>>, vector<1x16xf32>,
        %parallel_loop3A_561 = vector.shape_cast %parallel_loop3A_560 : vector<1x16xf32> to vector<16xf32>
        %parallel_loop3A_562 = vector.shape_cast %parallel_loop3A_557 : vector<16xf32> to vector<1x16xf32>
        tpu.vector_store %arg13[%parallel_loop3A_558, %parallel_loop3A_559], %parallel_loop3A_562 {strides = array<i32>} : memref<24x384xf32, #tpu.memory_space<vmem>>, vector<1x16xf32>,
      } {sc.loop_unroll_factor = 2 : i64, sc.parallel_access}
      %mul3A_99 = arith.constant 24 : i32
      %mul3A_100 = arith.muli %add3A_73, %mul3A_99 : i32
      %add3A_101 = arith.addi %add3A_4, %mul3A_100 : i32
      %dma_start3A_102 = arith.constant 0 : i32
      %dma_start3A_103 = tpu.memref_slice %arg4[%add3A_101, %dma_start3A_102] : memref<36864x384xf32, #tpu.memory_space<hbm>> -> memref<24x384xf32, #tpu.memory_space<hbm>>
      %dma_start3A_104 = arith.constant 0 : i32
      %dma_start3A_105 = tpu.memref_slice %arg4[%add3A_101, %dma_start3A_104] : memref<36864x384xf32, #tpu.memory_space<hbm>> -> memref<24x384xf32, #tpu.memory_space<hbm>>
      tpu.enqueue_dma source(%arg13 : memref<24x384xf32, #tpu.memory_space<vmem>>) target(%dma_start3A_105 : memref<24x384xf32, #tpu.memory_space<hbm>>) target_semaphore(%arg25 : memref<!tpu.dma_semaphore, #tpu.memory_space<semaphore_mem>>)
      %add3A_106 = arith.constant 1 : i32
      %add3A_107 = arith.addi %add3A_71, %add3A_106 : i32
      %add3A_108 = arith.constant 4 : i32
      %add3A_109 = arith.addi %add3A_107, %add3A_108 : i32
      %sub3A_110 = arith.constant 1 : i32
      %sub3A_111 = arith.subi %add3A_109, %sub3A_110 : i32
      %lt3A_112 = arith.constant 24 : i32
      %lt3A_113 = arith.cmpi slt, %sub3A_111, %lt3A_112 : i32
      %convert_element_type3A_114 = arith.extui %lt3A_113 : i1 to i32
      %cond3A_115 = arith.constant 0 : i32
      %cond3A_116 = arith.cmpi ne, %convert_element_type3A_114, %cond3A_115 : i32
      scf.if %cond3A_116 {
        %add3A_226 = arith.constant 4 : i32
        %add3A_227 = arith.addi %add3A_107, %add3A_226 : i32
        %sub3A_228 = arith.constant 1 : i32
        %sub3A_229 = arith.subi %add3A_227, %sub3A_228 : i32
        %mul3A_230 = arith.constant 24 : i32
        %mul3A_231 = arith.muli %sub3A_229, %mul3A_230 : i32
        %add3A_232 = arith.addi %add3A_4, %mul3A_231 : i32
        %dma_start3A_233 = arith.constant 0 : i32
        %dma_start3A_234 = tpu.memref_slice %arg2[%add3A_232, %dma_start3A_233] : memref<36864x384xf32, #tpu.memory_space<hbm>> -> memref<24x384xf32, #tpu.memory_space<hbm>>
        %dma_start3A_235 = arith.constant 0 : i32
        %dma_start3A_236 = tpu.memref_slice %arg2[%add3A_232, %dma_start3A_235] : memref<36864x384xf32, #tpu.memory_space<hbm>> -> memref<24x384xf32, #tpu.memory_space<hbm>>
        tpu.enqueue_dma source(%dma_start3A_236 : memref<24x384xf32, #tpu.memory_space<hbm>>) target(%arg5 : memref<24x384xf32, #tpu.memory_space<vmem>>) target_semaphore(%arg17 : memref<!tpu.dma_semaphore, #tpu.memory_space<semaphore_mem>>)
        %dma_start3A_237 = arith.constant 0 : i32
        %dma_start3A_238 = tpu.memref_slice %arg3[%add3A_232, %dma_start3A_237] : memref<36864x384xf32, #tpu.memory_space<hbm>> -> memref<24x384xf32, #tpu.memory_space<hbm>>
        %dma_start3A_239 = arith.constant 0 : i32
        %dma_start3A_240 = tpu.memref_slice %arg3[%add3A_232, %dma_start3A_239] : memref<36864x384xf32, #tpu.memory_space<hbm>> -> memref<24x384xf32, #tpu.memory_space<hbm>>
        tpu.enqueue_dma source(%dma_start3A_240 : memref<24x384xf32, #tpu.memory_space<hbm>>) target(%arg9 : memref<24x384xf32, #tpu.memory_space<vmem>>) target_semaphore(%arg21 : memref<!tpu.dma_semaphore, #tpu.memory_space<semaphore_mem>>)
      } else {
      }
      %mul3A_117 = arith.constant 24 : i32
      %mul3A_118 = arith.muli %add3A_107, %mul3A_117 : i32
      %add3A_119 = arith.addi %add3A_4, %mul3A_118 : i32
      %dma_wait3A_120 = arith.constant 0 : i32
      %dma_wait3A_121 = tpu.memref_slice %arg2[%add3A_119, %dma_wait3A_120] : memref<36864x384xf32, #tpu.memory_space<hbm>> -> memref<24x384xf32, #tpu.memory_space<hbm>>
      %dma_wait3A_122 = arith.constant 0 : i32
      %dma_wait3A_123 = tpu.memref_slice %arg2[%add3A_119, %dma_wait3A_122] : memref<36864x384xf32, #tpu.memory_space<hbm>> -> memref<24x384xf32, #tpu.memory_space<hbm>>
      tpu.wait_dma2 semaphore(%arg18 : memref<!tpu.dma_semaphore, #tpu.memory_space<semaphore_mem>>) src(%dma_wait3A_123 : memref<24x384xf32, #tpu.memory_space<hbm>>) dst(%arg6 : memref<24x384xf32, #tpu.memory_space<vmem>>)
      %mul3A_124 = arith.constant 24 : i32
      %mul3A_125 = arith.muli %add3A_107, %mul3A_124 : i32
      %add3A_126 = arith.addi %add3A_4, %mul3A_125 : i32
      %dma_wait3A_127 = arith.constant 0 : i32
      %dma_wait3A_128 = tpu.memref_slice %arg3[%add3A_126, %dma_wait3A_127] : memref<36864x384xf32, #tpu.memory_space<hbm>> -> memref<24x384xf32, #tpu.memory_space<hbm>>
      %dma_wait3A_129 = arith.constant 0 : i32
      %dma_wait3A_130 = tpu.memref_slice %arg3[%add3A_126, %dma_wait3A_129] : memref<36864x384xf32, #tpu.memory_space<hbm>> -> memref<24x384xf32, #tpu.memory_space<hbm>>
      tpu.wait_dma2 semaphore(%arg22 : memref<!tpu.dma_semaphore, #tpu.memory_space<semaphore_mem>>) src(%dma_wait3A_130 : memref<24x384xf32, #tpu.memory_space<hbm>>) dst(%arg10 : memref<24x384xf32, #tpu.memory_space<vmem>>)
      %ge3A_131 = arith.constant 4 : i32
      %ge3A_132 = arith.cmpi sge, %add3A_107, %ge3A_131 : i32
      %convert_element_type3A_133 = arith.extui %ge3A_132 : i1 to i32
      %cond3A_134 = arith.constant 0 : i32
      %cond3A_135 = arith.cmpi ne, %convert_element_type3A_133, %cond3A_134 : i32
      scf.if %cond3A_135 {
        %mul3A_226 = arith.constant 24 : i32
        %mul3A_227 = arith.muli %add3A_107, %mul3A_226 : i32
        %add3A_228 = arith.addi %add3A_4, %mul3A_227 : i32
        %dma_wait3A_229 = arith.constant 0 : i32
        %dma_wait3A_230 = tpu.memref_slice %arg4[%add3A_228, %dma_wait3A_229] : memref<36864x384xf32, #tpu.memory_space<hbm>> -> memref<24x384xf32, #tpu.memory_space<hbm>>
        %dma_wait3A_231 = arith.constant 0 : i32
        %dma_wait3A_232 = tpu.memref_slice %arg4[%add3A_228, %dma_wait3A_231] : memref<36864x384xf32, #tpu.memory_space<hbm>> -> memref<24x384xf32, #tpu.memory_space<hbm>>
        tpu.wait_dma2 semaphore(%arg26 : memref<!tpu.dma_semaphore, #tpu.memory_space<semaphore_mem>>) src(%arg14 : memref<24x384xf32, #tpu.memory_space<vmem>>) dst(%dma_wait3A_232 : memref<24x384xf32, #tpu.memory_space<hbm>>)
      } else {
      }
      %parallel_loop3A_136 = arith.constant 0 : i32
      %parallel_loop3A_137 = arith.constant 24 : i32
      %parallel_loop3A_138 = arith.constant 1 : i32
      scf.for %parallel_loop3A_226 = %parallel_loop3A_136 to %parallel_loop3A_137 step %parallel_loop3A_138  : i32 {
        %parallel_loop3A_227 = arith.index_cast %parallel_loop3A_226 : i32 to index
        %parallel_loop3A_228 = arith.constant 0 : index
        %parallel_loop3A_229 = tpu.vector_load %arg6[%parallel_loop3A_227, %parallel_loop3A_228] {strides = array<i32>} : memref<24x384xf32, #tpu.memory_space<vmem>>, vector<1x16xf32>,
        %parallel_loop3A_230 = vector.shape_cast %parallel_loop3A_229 : vector<1x16xf32> to vector<16xf32>
        %parallel_loop3A_231 = arith.index_cast %parallel_loop3A_226 : i32 to index
        %parallel_loop3A_232 = arith.constant 0 : index
        %parallel_loop3A_233 = tpu.vector_load %arg10[%parallel_loop3A_231, %parallel_loop3A_232] {strides = array<i32>} : memref<24x384xf32, #tpu.memory_space<vmem>>, vector<1x16xf32>,
        %parallel_loop3A_234 = vector.shape_cast %parallel_loop3A_233 : vector<1x16xf32> to vector<16xf32>
        %parallel_loop3A_235 = arith.addf %parallel_loop3A_230, %parallel_loop3A_234 : vector<16xf32>
        %parallel_loop3A_236 = arith.index_cast %parallel_loop3A_226 : i32 to index
        %parallel_loop3A_237 = arith.constant 0 : index
        %parallel_loop3A_238 = tpu.vector_load %arg14[%parallel_loop3A_236, %parallel_loop3A_237] {strides = array<i32>} : memref<24x384xf32, #tpu.memory_space<vmem>>, vector<1x16xf32>,
        %parallel_loop3A_239 = vector.shape_cast %parallel_loop3A_238 : vector<1x16xf32> to vector<16xf32>
        %parallel_loop3A_240 = vector.shape_cast %parallel_loop3A_235 : vector<16xf32> to vector<1x16xf32>
        tpu.vector_store %arg14[%parallel_loop3A_236, %parallel_loop3A_237], %parallel_loop3A_240 {strides = array<i32>} : memref<24x384xf32, #tpu.memory_space<vmem>>, vector<1x16xf32>,
        %parallel_loop3A_241 = arith.index_cast %parallel_loop3A_226 : i32 to index
        %parallel_loop3A_242 = arith.constant 16 : index
        %parallel_loop3A_243 = tpu.vector_load %arg6[%parallel_loop3A_241, %parallel_loop3A_242] {strides = array<i32>} : memref<24x384xf32, #tpu.memory_space<vmem>>, vector<1x16xf32>,
        %parallel_loop3A_244 = vector.shape_cast %parallel_loop3A_243 : vector<1x16xf32> to vector<16xf32>
        %parallel_loop3A_245 = arith.index_cast %parallel_loop3A_226 : i32 to index
        %parallel_loop3A_246 = arith.constant 16 : index
        %parallel_loop3A_247 = tpu.vector_load %arg10[%parallel_loop3A_245, %parallel_loop3A_246] {strides = array<i32>} : memref<24x384xf32, #tpu.memory_space<vmem>>, vector<1x16xf32>,
        %parallel_loop3A_248 = vector.shape_cast %parallel_loop3A_247 : vector<1x16xf32> to vector<16xf32>
        %parallel_loop3A_249 = arith.addf %parallel_loop3A_244, %parallel_loop3A_248 : vector<16xf32>
        %parallel_loop3A_250 = arith.index_cast %parallel_loop3A_226 : i32 to index
        %parallel_loop3A_251 = arith.constant 16 : index
        %parallel_loop3A_252 = tpu.vector_load %arg14[%parallel_loop3A_250, %parallel_loop3A_251] {strides = array<i32>} : memref<24x384xf32, #tpu.memory_space<vmem>>, vector<1x16xf32>,
        %parallel_loop3A_253 = vector.shape_cast %parallel_loop3A_252 : vector<1x16xf32> to vector<16xf32>
        %parallel_loop3A_254 = vector.shape_cast %parallel_loop3A_249 : vector<16xf32> to vector<1x16xf32>
        tpu.vector_store %arg14[%parallel_loop3A_250, %parallel_loop3A_251], %parallel_loop3A_254 {strides = array<i32>} : memref<24x384xf32, #tpu.memory_space<vmem>>, vector<1x16xf32>,
        %parallel_loop3A_255 = arith.index_cast %parallel_loop3A_226 : i32 to index
        %parallel_loop3A_256 = arith.constant 32 : index
        %parallel_loop3A_257 = tpu.vector_load %arg6[%parallel_loop3A_255, %parallel_loop3A_256] {strides = array<i32>} : memref<24x384xf32, #tpu.memory_space<vmem>>, vector<1x16xf32>,
        %parallel_loop3A_258 = vector.shape_cast %parallel_loop3A_257 : vector<1x16xf32> to vector<16xf32>
        %parallel_loop3A_259 = arith.index_cast %parallel_loop3A_226 : i32 to index
        %parallel_loop3A_260 = arith.constant 32 : index
        %parallel_loop3A_261 = tpu.vector_load %arg10[%parallel_loop3A_259, %parallel_loop3A_260] {strides = array<i32>} : memref<24x384xf32, #tpu.memory_space<vmem>>, vector<1x16xf32>,
        %parallel_loop3A_262 = vector.shape_cast %parallel_loop3A_261 : vector<1x16xf32> to vector<16xf32>
        %parallel_loop3A_263 = arith.addf %parallel_loop3A_258, %parallel_loop3A_262 : vector<16xf32>
        %parallel_loop3A_264 = arith.index_cast %parallel_loop3A_226 : i32 to index
        %parallel_loop3A_265 = arith.constant 32 : index
        %parallel_loop3A_266 = tpu.vector_load %arg14[%parallel_loop3A_264, %parallel_loop3A_265] {strides = array<i32>} : memref<24x384xf32, #tpu.memory_space<vmem>>, vector<1x16xf32>,
        %parallel_loop3A_267 = vector.shape_cast %parallel_loop3A_266 : vector<1x16xf32> to vector<16xf32>
        %parallel_loop3A_268 = vector.shape_cast %parallel_loop3A_263 : vector<16xf32> to vector<1x16xf32>
        tpu.vector_store %arg14[%parallel_loop3A_264, %parallel_loop3A_265], %parallel_loop3A_268 {strides = array<i32>} : memref<24x384xf32, #tpu.memory_space<vmem>>, vector<1x16xf32>,
        %parallel_loop3A_269 = arith.index_cast %parallel_loop3A_226 : i32 to index
        %parallel_loop3A_270 = arith.constant 48 : index
        %parallel_loop3A_271 = tpu.vector_load %arg6[%parallel_loop3A_269, %parallel_loop3A_270] {strides = array<i32>} : memref<24x384xf32, #tpu.memory_space<vmem>>, vector<1x16xf32>,
        %parallel_loop3A_272 = vector.shape_cast %parallel_loop3A_271 : vector<1x16xf32> to vector<16xf32>
        %parallel_loop3A_273 = arith.index_cast %parallel_loop3A_226 : i32 to index
        %parallel_loop3A_274 = arith.constant 48 : index
        %parallel_loop3A_275 = tpu.vector_load %arg10[%parallel_loop3A_273, %parallel_loop3A_274] {strides = array<i32>} : memref<24x384xf32, #tpu.memory_space<vmem>>, vector<1x16xf32>,
        %parallel_loop3A_276 = vector.shape_cast %parallel_loop3A_275 : vector<1x16xf32> to vector<16xf32>
        %parallel_loop3A_277 = arith.addf %parallel_loop3A_272, %parallel_loop3A_276 : vector<16xf32>
        %parallel_loop3A_278 = arith.index_cast %parallel_loop3A_226 : i32 to index
        %parallel_loop3A_279 = arith.constant 48 : index
        %parallel_loop3A_280 = tpu.vector_load %arg14[%parallel_loop3A_278, %parallel_loop3A_279] {strides = array<i32>} : memref<24x384xf32, #tpu.memory_space<vmem>>, vector<1x16xf32>,
        %parallel_loop3A_281 = vector.shape_cast %parallel_loop3A_280 : vector<1x16xf32> to vector<16xf32>
        %parallel_loop3A_282 = vector.shape_cast %parallel_loop3A_277 : vector<16xf32> to vector<1x16xf32>
        tpu.vector_store %arg14[%parallel_loop3A_278, %parallel_loop3A_279], %parallel_loop3A_282 {strides = array<i32>} : memref<24x384xf32, #tpu.memory_space<vmem>>, vector<1x16xf32>,
        %parallel_loop3A_283 = arith.index_cast %parallel_loop3A_226 : i32 to index
        %parallel_loop3A_284 = arith.constant 64 : index
        %parallel_loop3A_285 = tpu.vector_load %arg6[%parallel_loop3A_283, %parallel_loop3A_284] {strides = array<i32>} : memref<24x384xf32, #tpu.memory_space<vmem>>, vector<1x16xf32>,
        %parallel_loop3A_286 = vector.shape_cast %parallel_loop3A_285 : vector<1x16xf32> to vector<16xf32>
        %parallel_loop3A_287 = arith.index_cast %parallel_loop3A_226 : i32 to index
        %parallel_loop3A_288 = arith.constant 64 : index
        %parallel_loop3A_289 = tpu.vector_load %arg10[%parallel_loop3A_287, %parallel_loop3A_288] {strides = array<i32>} : memref<24x384xf32, #tpu.memory_space<vmem>>, vector<1x16xf32>,
        %parallel_loop3A_290 = vector.shape_cast %parallel_loop3A_289 : vector<1x16xf32> to vector<16xf32>
        %parallel_loop3A_291 = arith.addf %parallel_loop3A_286, %parallel_loop3A_290 : vector<16xf32>
        %parallel_loop3A_292 = arith.index_cast %parallel_loop3A_226 : i32 to index
        %parallel_loop3A_293 = arith.constant 64 : index
        %parallel_loop3A_294 = tpu.vector_load %arg14[%parallel_loop3A_292, %parallel_loop3A_293] {strides = array<i32>} : memref<24x384xf32, #tpu.memory_space<vmem>>, vector<1x16xf32>,
        %parallel_loop3A_295 = vector.shape_cast %parallel_loop3A_294 : vector<1x16xf32> to vector<16xf32>
        %parallel_loop3A_296 = vector.shape_cast %parallel_loop3A_291 : vector<16xf32> to vector<1x16xf32>
        tpu.vector_store %arg14[%parallel_loop3A_292, %parallel_loop3A_293], %parallel_loop3A_296 {strides = array<i32>} : memref<24x384xf32, #tpu.memory_space<vmem>>, vector<1x16xf32>,
        %parallel_loop3A_297 = arith.index_cast %parallel_loop3A_226 : i32 to index
        %parallel_loop3A_298 = arith.constant 80 : index
        %parallel_loop3A_299 = tpu.vector_load %arg6[%parallel_loop3A_297, %parallel_loop3A_298] {strides = array<i32>} : memref<24x384xf32, #tpu.memory_space<vmem>>, vector<1x16xf32>,
        %parallel_loop3A_300 = vector.shape_cast %parallel_loop3A_299 : vector<1x16xf32> to vector<16xf32>
        %parallel_loop3A_301 = arith.index_cast %parallel_loop3A_226 : i32 to index
        %parallel_loop3A_302 = arith.constant 80 : index
        %parallel_loop3A_303 = tpu.vector_load %arg10[%parallel_loop3A_301, %parallel_loop3A_302] {strides = array<i32>} : memref<24x384xf32, #tpu.memory_space<vmem>>, vector<1x16xf32>,
        %parallel_loop3A_304 = vector.shape_cast %parallel_loop3A_303 : vector<1x16xf32> to vector<16xf32>
        %parallel_loop3A_305 = arith.addf %parallel_loop3A_300, %parallel_loop3A_304 : vector<16xf32>
        %parallel_loop3A_306 = arith.index_cast %parallel_loop3A_226 : i32 to index
        %parallel_loop3A_307 = arith.constant 80 : index
        %parallel_loop3A_308 = tpu.vector_load %arg14[%parallel_loop3A_306, %parallel_loop3A_307] {strides = array<i32>} : memref<24x384xf32, #tpu.memory_space<vmem>>, vector<1x16xf32>,
        %parallel_loop3A_309 = vector.shape_cast %parallel_loop3A_308 : vector<1x16xf32> to vector<16xf32>
        %parallel_loop3A_310 = vector.shape_cast %parallel_loop3A_305 : vector<16xf32> to vector<1x16xf32>
        tpu.vector_store %arg14[%parallel_loop3A_306, %parallel_loop3A_307], %parallel_loop3A_310 {strides = array<i32>} : memref<24x384xf32, #tpu.memory_space<vmem>>, vector<1x16xf32>,
        %parallel_loop3A_311 = arith.index_cast %parallel_loop3A_226 : i32 to index
        %parallel_loop3A_312 = arith.constant 96 : index
        %parallel_loop3A_313 = tpu.vector_load %arg6[%parallel_loop3A_311, %parallel_loop3A_312] {strides = array<i32>} : memref<24x384xf32, #tpu.memory_space<vmem>>, vector<1x16xf32>,
        %parallel_loop3A_314 = vector.shape_cast %parallel_loop3A_313 : vector<1x16xf32> to vector<16xf32>
        %parallel_loop3A_315 = arith.index_cast %parallel_loop3A_226 : i32 to index
        %parallel_loop3A_316 = arith.constant 96 : index
        %parallel_loop3A_317 = tpu.vector_load %arg10[%parallel_loop3A_315, %parallel_loop3A_316] {strides = array<i32>} : memref<24x384xf32, #tpu.memory_space<vmem>>, vector<1x16xf32>,
        %parallel_loop3A_318 = vector.shape_cast %parallel_loop3A_317 : vector<1x16xf32> to vector<16xf32>
        %parallel_loop3A_319 = arith.addf %parallel_loop3A_314, %parallel_loop3A_318 : vector<16xf32>
        %parallel_loop3A_320 = arith.index_cast %parallel_loop3A_226 : i32 to index
        %parallel_loop3A_321 = arith.constant 96 : index
        %parallel_loop3A_322 = tpu.vector_load %arg14[%parallel_loop3A_320, %parallel_loop3A_321] {strides = array<i32>} : memref<24x384xf32, #tpu.memory_space<vmem>>, vector<1x16xf32>,
        %parallel_loop3A_323 = vector.shape_cast %parallel_loop3A_322 : vector<1x16xf32> to vector<16xf32>
        %parallel_loop3A_324 = vector.shape_cast %parallel_loop3A_319 : vector<16xf32> to vector<1x16xf32>
        tpu.vector_store %arg14[%parallel_loop3A_320, %parallel_loop3A_321], %parallel_loop3A_324 {strides = array<i32>} : memref<24x384xf32, #tpu.memory_space<vmem>>, vector<1x16xf32>,
        %parallel_loop3A_325 = arith.index_cast %parallel_loop3A_226 : i32 to index
        %parallel_loop3A_326 = arith.constant 112 : index
        %parallel_loop3A_327 = tpu.vector_load %arg6[%parallel_loop3A_325, %parallel_loop3A_326] {strides = array<i32>} : memref<24x384xf32, #tpu.memory_space<vmem>>, vector<1x16xf32>,
        %parallel_loop3A_328 = vector.shape_cast %parallel_loop3A_327 : vector<1x16xf32> to vector<16xf32>
        %parallel_loop3A_329 = arith.index_cast %parallel_loop3A_226 : i32 to index
        %parallel_loop3A_330 = arith.constant 112 : index
        %parallel_loop3A_331 = tpu.vector_load %arg10[%parallel_loop3A_329, %parallel_loop3A_330] {strides = array<i32>} : memref<24x384xf32, #tpu.memory_space<vmem>>, vector<1x16xf32>,
        %parallel_loop3A_332 = vector.shape_cast %parallel_loop3A_331 : vector<1x16xf32> to vector<16xf32>
        %parallel_loop3A_333 = arith.addf %parallel_loop3A_328, %parallel_loop3A_332 : vector<16xf32>
        %parallel_loop3A_334 = arith.index_cast %parallel_loop3A_226 : i32 to index
        %parallel_loop3A_335 = arith.constant 112 : index
        %parallel_loop3A_336 = tpu.vector_load %arg14[%parallel_loop3A_334, %parallel_loop3A_335] {strides = array<i32>} : memref<24x384xf32, #tpu.memory_space<vmem>>, vector<1x16xf32>,
        %parallel_loop3A_337 = vector.shape_cast %parallel_loop3A_336 : vector<1x16xf32> to vector<16xf32>
        %parallel_loop3A_338 = vector.shape_cast %parallel_loop3A_333 : vector<16xf32> to vector<1x16xf32>
        tpu.vector_store %arg14[%parallel_loop3A_334, %parallel_loop3A_335], %parallel_loop3A_338 {strides = array<i32>} : memref<24x384xf32, #tpu.memory_space<vmem>>, vector<1x16xf32>,
        %parallel_loop3A_339 = arith.index_cast %parallel_loop3A_226 : i32 to index
        %parallel_loop3A_340 = arith.constant 128 : index
        %parallel_loop3A_341 = tpu.vector_load %arg6[%parallel_loop3A_339, %parallel_loop3A_340] {strides = array<i32>} : memref<24x384xf32, #tpu.memory_space<vmem>>, vector<1x16xf32>,
        %parallel_loop3A_342 = vector.shape_cast %parallel_loop3A_341 : vector<1x16xf32> to vector<16xf32>
        %parallel_loop3A_343 = arith.index_cast %parallel_loop3A_226 : i32 to index
        %parallel_loop3A_344 = arith.constant 128 : index
        %parallel_loop3A_345 = tpu.vector_load %arg10[%parallel_loop3A_343, %parallel_loop3A_344] {strides = array<i32>} : memref<24x384xf32, #tpu.memory_space<vmem>>, vector<1x16xf32>,
        %parallel_loop3A_346 = vector.shape_cast %parallel_loop3A_345 : vector<1x16xf32> to vector<16xf32>
        %parallel_loop3A_347 = arith.addf %parallel_loop3A_342, %parallel_loop3A_346 : vector<16xf32>
        %parallel_loop3A_348 = arith.index_cast %parallel_loop3A_226 : i32 to index
        %parallel_loop3A_349 = arith.constant 128 : index
        %parallel_loop3A_350 = tpu.vector_load %arg14[%parallel_loop3A_348, %parallel_loop3A_349] {strides = array<i32>} : memref<24x384xf32, #tpu.memory_space<vmem>>, vector<1x16xf32>,
        %parallel_loop3A_351 = vector.shape_cast %parallel_loop3A_350 : vector<1x16xf32> to vector<16xf32>
        %parallel_loop3A_352 = vector.shape_cast %parallel_loop3A_347 : vector<16xf32> to vector<1x16xf32>
        tpu.vector_store %arg14[%parallel_loop3A_348, %parallel_loop3A_349], %parallel_loop3A_352 {strides = array<i32>} : memref<24x384xf32, #tpu.memory_space<vmem>>, vector<1x16xf32>,
        %parallel_loop3A_353 = arith.index_cast %parallel_loop3A_226 : i32 to index
        %parallel_loop3A_354 = arith.constant 144 : index
        %parallel_loop3A_355 = tpu.vector_load %arg6[%parallel_loop3A_353, %parallel_loop3A_354] {strides = array<i32>} : memref<24x384xf32, #tpu.memory_space<vmem>>, vector<1x16xf32>,
        %parallel_loop3A_356 = vector.shape_cast %parallel_loop3A_355 : vector<1x16xf32> to vector<16xf32>
        %parallel_loop3A_357 = arith.index_cast %parallel_loop3A_226 : i32 to index
        %parallel_loop3A_358 = arith.constant 144 : index
        %parallel_loop3A_359 = tpu.vector_load %arg10[%parallel_loop3A_357, %parallel_loop3A_358] {strides = array<i32>} : memref<24x384xf32, #tpu.memory_space<vmem>>, vector<1x16xf32>,
        %parallel_loop3A_360 = vector.shape_cast %parallel_loop3A_359 : vector<1x16xf32> to vector<16xf32>
        %parallel_loop3A_361 = arith.addf %parallel_loop3A_356, %parallel_loop3A_360 : vector<16xf32>
        %parallel_loop3A_362 = arith.index_cast %parallel_loop3A_226 : i32 to index
        %parallel_loop3A_363 = arith.constant 144 : index
        %parallel_loop3A_364 = tpu.vector_load %arg14[%parallel_loop3A_362, %parallel_loop3A_363] {strides = array<i32>} : memref<24x384xf32, #tpu.memory_space<vmem>>, vector<1x16xf32>,
        %parallel_loop3A_365 = vector.shape_cast %parallel_loop3A_364 : vector<1x16xf32> to vector<16xf32>
        %parallel_loop3A_366 = vector.shape_cast %parallel_loop3A_361 : vector<16xf32> to vector<1x16xf32>
        tpu.vector_store %arg14[%parallel_loop3A_362, %parallel_loop3A_363], %parallel_loop3A_366 {strides = array<i32>} : memref<24x384xf32, #tpu.memory_space<vmem>>, vector<1x16xf32>,
        %parallel_loop3A_367 = arith.index_cast %parallel_loop3A_226 : i32 to index
        %parallel_loop3A_368 = arith.constant 160 : index
        %parallel_loop3A_369 = tpu.vector_load %arg6[%parallel_loop3A_367, %parallel_loop3A_368] {strides = array<i32>} : memref<24x384xf32, #tpu.memory_space<vmem>>, vector<1x16xf32>,
        %parallel_loop3A_370 = vector.shape_cast %parallel_loop3A_369 : vector<1x16xf32> to vector<16xf32>
        %parallel_loop3A_371 = arith.index_cast %parallel_loop3A_226 : i32 to index
        %parallel_loop3A_372 = arith.constant 160 : index
        %parallel_loop3A_373 = tpu.vector_load %arg10[%parallel_loop3A_371, %parallel_loop3A_372] {strides = array<i32>} : memref<24x384xf32, #tpu.memory_space<vmem>>, vector<1x16xf32>,
        %parallel_loop3A_374 = vector.shape_cast %parallel_loop3A_373 : vector<1x16xf32> to vector<16xf32>
        %parallel_loop3A_375 = arith.addf %parallel_loop3A_370, %parallel_loop3A_374 : vector<16xf32>
        %parallel_loop3A_376 = arith.index_cast %parallel_loop3A_226 : i32 to index
        %parallel_loop3A_377 = arith.constant 160 : index
        %parallel_loop3A_378 = tpu.vector_load %arg14[%parallel_loop3A_376, %parallel_loop3A_377] {strides = array<i32>} : memref<24x384xf32, #tpu.memory_space<vmem>>, vector<1x16xf32>,
        %parallel_loop3A_379 = vector.shape_cast %parallel_loop3A_378 : vector<1x16xf32> to vector<16xf32>
        %parallel_loop3A_380 = vector.shape_cast %parallel_loop3A_375 : vector<16xf32> to vector<1x16xf32>
        tpu.vector_store %arg14[%parallel_loop3A_376, %parallel_loop3A_377], %parallel_loop3A_380 {strides = array<i32>} : memref<24x384xf32, #tpu.memory_space<vmem>>, vector<1x16xf32>,
        %parallel_loop3A_381 = arith.index_cast %parallel_loop3A_226 : i32 to index
        %parallel_loop3A_382 = arith.constant 176 : index
        %parallel_loop3A_383 = tpu.vector_load %arg6[%parallel_loop3A_381, %parallel_loop3A_382] {strides = array<i32>} : memref<24x384xf32, #tpu.memory_space<vmem>>, vector<1x16xf32>,
        %parallel_loop3A_384 = vector.shape_cast %parallel_loop3A_383 : vector<1x16xf32> to vector<16xf32>
        %parallel_loop3A_385 = arith.index_cast %parallel_loop3A_226 : i32 to index
        %parallel_loop3A_386 = arith.constant 176 : index
        %parallel_loop3A_387 = tpu.vector_load %arg10[%parallel_loop3A_385, %parallel_loop3A_386] {strides = array<i32>} : memref<24x384xf32, #tpu.memory_space<vmem>>, vector<1x16xf32>,
        %parallel_loop3A_388 = vector.shape_cast %parallel_loop3A_387 : vector<1x16xf32> to vector<16xf32>
        %parallel_loop3A_389 = arith.addf %parallel_loop3A_384, %parallel_loop3A_388 : vector<16xf32>
        %parallel_loop3A_390 = arith.index_cast %parallel_loop3A_226 : i32 to index
        %parallel_loop3A_391 = arith.constant 176 : index
        %parallel_loop3A_392 = tpu.vector_load %arg14[%parallel_loop3A_390, %parallel_loop3A_391] {strides = array<i32>} : memref<24x384xf32, #tpu.memory_space<vmem>>, vector<1x16xf32>,
        %parallel_loop3A_393 = vector.shape_cast %parallel_loop3A_392 : vector<1x16xf32> to vector<16xf32>
        %parallel_loop3A_394 = vector.shape_cast %parallel_loop3A_389 : vector<16xf32> to vector<1x16xf32>
        tpu.vector_store %arg14[%parallel_loop3A_390, %parallel_loop3A_391], %parallel_loop3A_394 {strides = array<i32>} : memref<24x384xf32, #tpu.memory_space<vmem>>, vector<1x16xf32>,
        %parallel_loop3A_395 = arith.index_cast %parallel_loop3A_226 : i32 to index
        %parallel_loop3A_396 = arith.constant 192 : index
        %parallel_loop3A_397 = tpu.vector_load %arg6[%parallel_loop3A_395, %parallel_loop3A_396] {strides = array<i32>} : memref<24x384xf32, #tpu.memory_space<vmem>>, vector<1x16xf32>,
        %parallel_loop3A_398 = vector.shape_cast %parallel_loop3A_397 : vector<1x16xf32> to vector<16xf32>
        %parallel_loop3A_399 = arith.index_cast %parallel_loop3A_226 : i32 to index
        %parallel_loop3A_400 = arith.constant 192 : index
        %parallel_loop3A_401 = tpu.vector_load %arg10[%parallel_loop3A_399, %parallel_loop3A_400] {strides = array<i32>} : memref<24x384xf32, #tpu.memory_space<vmem>>, vector<1x16xf32>,
        %parallel_loop3A_402 = vector.shape_cast %parallel_loop3A_401 : vector<1x16xf32> to vector<16xf32>
        %parallel_loop3A_403 = arith.addf %parallel_loop3A_398, %parallel_loop3A_402 : vector<16xf32>
        %parallel_loop3A_404 = arith.index_cast %parallel_loop3A_226 : i32 to index
        %parallel_loop3A_405 = arith.constant 192 : index
        %parallel_loop3A_406 = tpu.vector_load %arg14[%parallel_loop3A_404, %parallel_loop3A_405] {strides = array<i32>} : memref<24x384xf32, #tpu.memory_space<vmem>>, vector<1x16xf32>,
        %parallel_loop3A_407 = vector.shape_cast %parallel_loop3A_406 : vector<1x16xf32> to vector<16xf32>
        %parallel_loop3A_408 = vector.shape_cast %parallel_loop3A_403 : vector<16xf32> to vector<1x16xf32>
        tpu.vector_store %arg14[%parallel_loop3A_404, %parallel_loop3A_405], %parallel_loop3A_408 {strides = array<i32>} : memref<24x384xf32, #tpu.memory_space<vmem>>, vector<1x16xf32>,
        %parallel_loop3A_409 = arith.index_cast %parallel_loop3A_226 : i32 to index
        %parallel_loop3A_410 = arith.constant 208 : index
        %parallel_loop3A_411 = tpu.vector_load %arg6[%parallel_loop3A_409, %parallel_loop3A_410] {strides = array<i32>} : memref<24x384xf32, #tpu.memory_space<vmem>>, vector<1x16xf32>,
        %parallel_loop3A_412 = vector.shape_cast %parallel_loop3A_411 : vector<1x16xf32> to vector<16xf32>
        %parallel_loop3A_413 = arith.index_cast %parallel_loop3A_226 : i32 to index
        %parallel_loop3A_414 = arith.constant 208 : index
        %parallel_loop3A_415 = tpu.vector_load %arg10[%parallel_loop3A_413, %parallel_loop3A_414] {strides = array<i32>} : memref<24x384xf32, #tpu.memory_space<vmem>>, vector<1x16xf32>,
        %parallel_loop3A_416 = vector.shape_cast %parallel_loop3A_415 : vector<1x16xf32> to vector<16xf32>
        %parallel_loop3A_417 = arith.addf %parallel_loop3A_412, %parallel_loop3A_416 : vector<16xf32>
        %parallel_loop3A_418 = arith.index_cast %parallel_loop3A_226 : i32 to index
        %parallel_loop3A_419 = arith.constant 208 : index
        %parallel_loop3A_420 = tpu.vector_load %arg14[%parallel_loop3A_418, %parallel_loop3A_419] {strides = array<i32>} : memref<24x384xf32, #tpu.memory_space<vmem>>, vector<1x16xf32>,
        %parallel_loop3A_421 = vector.shape_cast %parallel_loop3A_420 : vector<1x16xf32> to vector<16xf32>
        %parallel_loop3A_422 = vector.shape_cast %parallel_loop3A_417 : vector<16xf32> to vector<1x16xf32>
        tpu.vector_store %arg14[%parallel_loop3A_418, %parallel_loop3A_419], %parallel_loop3A_422 {strides = array<i32>} : memref<24x384xf32, #tpu.memory_space<vmem>>, vector<1x16xf32>,
        %parallel_loop3A_423 = arith.index_cast %parallel_loop3A_226 : i32 to index
        %parallel_loop3A_424 = arith.constant 224 : index
        %parallel_loop3A_425 = tpu.vector_load %arg6[%parallel_loop3A_423, %parallel_loop3A_424] {strides = array<i32>} : memref<24x384xf32, #tpu.memory_space<vmem>>, vector<1x16xf32>,
        %parallel_loop3A_426 = vector.shape_cast %parallel_loop3A_425 : vector<1x16xf32> to vector<16xf32>
        %parallel_loop3A_427 = arith.index_cast %parallel_loop3A_226 : i32 to index
        %parallel_loop3A_428 = arith.constant 224 : index
        %parallel_loop3A_429 = tpu.vector_load %arg10[%parallel_loop3A_427, %parallel_loop3A_428] {strides = array<i32>} : memref<24x384xf32, #tpu.memory_space<vmem>>, vector<1x16xf32>,
        %parallel_loop3A_430 = vector.shape_cast %parallel_loop3A_429 : vector<1x16xf32> to vector<16xf32>
        %parallel_loop3A_431 = arith.addf %parallel_loop3A_426, %parallel_loop3A_430 : vector<16xf32>
        %parallel_loop3A_432 = arith.index_cast %parallel_loop3A_226 : i32 to index
        %parallel_loop3A_433 = arith.constant 224 : index
        %parallel_loop3A_434 = tpu.vector_load %arg14[%parallel_loop3A_432, %parallel_loop3A_433] {strides = array<i32>} : memref<24x384xf32, #tpu.memory_space<vmem>>, vector<1x16xf32>,
        %parallel_loop3A_435 = vector.shape_cast %parallel_loop3A_434 : vector<1x16xf32> to vector<16xf32>
        %parallel_loop3A_436 = vector.shape_cast %parallel_loop3A_431 : vector<16xf32> to vector<1x16xf32>
        tpu.vector_store %arg14[%parallel_loop3A_432, %parallel_loop3A_433], %parallel_loop3A_436 {strides = array<i32>} : memref<24x384xf32, #tpu.memory_space<vmem>>, vector<1x16xf32>,
        %parallel_loop3A_437 = arith.index_cast %parallel_loop3A_226 : i32 to index
        %parallel_loop3A_438 = arith.constant 240 : index
        %parallel_loop3A_439 = tpu.vector_load %arg6[%parallel_loop3A_437, %parallel_loop3A_438] {strides = array<i32>} : memref<24x384xf32, #tpu.memory_space<vmem>>, vector<1x16xf32>,
        %parallel_loop3A_440 = vector.shape_cast %parallel_loop3A_439 : vector<1x16xf32> to vector<16xf32>
        %parallel_loop3A_441 = arith.index_cast %parallel_loop3A_226 : i32 to index
        %parallel_loop3A_442 = arith.constant 240 : index
        %parallel_loop3A_443 = tpu.vector_load %arg10[%parallel_loop3A_441, %parallel_loop3A_442] {strides = array<i32>} : memref<24x384xf32, #tpu.memory_space<vmem>>, vector<1x16xf32>,
        %parallel_loop3A_444 = vector.shape_cast %parallel_loop3A_443 : vector<1x16xf32> to vector<16xf32>
        %parallel_loop3A_445 = arith.addf %parallel_loop3A_440, %parallel_loop3A_444 : vector<16xf32>
        %parallel_loop3A_446 = arith.index_cast %parallel_loop3A_226 : i32 to index
        %parallel_loop3A_447 = arith.constant 240 : index
        %parallel_loop3A_448 = tpu.vector_load %arg14[%parallel_loop3A_446, %parallel_loop3A_447] {strides = array<i32>} : memref<24x384xf32, #tpu.memory_space<vmem>>, vector<1x16xf32>,
        %parallel_loop3A_449 = vector.shape_cast %parallel_loop3A_448 : vector<1x16xf32> to vector<16xf32>
        %parallel_loop3A_450 = vector.shape_cast %parallel_loop3A_445 : vector<16xf32> to vector<1x16xf32>
        tpu.vector_store %arg14[%parallel_loop3A_446, %parallel_loop3A_447], %parallel_loop3A_450 {strides = array<i32>} : memref<24x384xf32, #tpu.memory_space<vmem>>, vector<1x16xf32>,
        %parallel_loop3A_451 = arith.index_cast %parallel_loop3A_226 : i32 to index
        %parallel_loop3A_452 = arith.constant 256 : index
        %parallel_loop3A_453 = tpu.vector_load %arg6[%parallel_loop3A_451, %parallel_loop3A_452] {strides = array<i32>} : memref<24x384xf32, #tpu.memory_space<vmem>>, vector<1x16xf32>,
        %parallel_loop3A_454 = vector.shape_cast %parallel_loop3A_453 : vector<1x16xf32> to vector<16xf32>
        %parallel_loop3A_455 = arith.index_cast %parallel_loop3A_226 : i32 to index
        %parallel_loop3A_456 = arith.constant 256 : index
        %parallel_loop3A_457 = tpu.vector_load %arg10[%parallel_loop3A_455, %parallel_loop3A_456] {strides = array<i32>} : memref<24x384xf32, #tpu.memory_space<vmem>>, vector<1x16xf32>,
        %parallel_loop3A_458 = vector.shape_cast %parallel_loop3A_457 : vector<1x16xf32> to vector<16xf32>
        %parallel_loop3A_459 = arith.addf %parallel_loop3A_454, %parallel_loop3A_458 : vector<16xf32>
        %parallel_loop3A_460 = arith.index_cast %parallel_loop3A_226 : i32 to index
        %parallel_loop3A_461 = arith.constant 256 : index
        %parallel_loop3A_462 = tpu.vector_load %arg14[%parallel_loop3A_460, %parallel_loop3A_461] {strides = array<i32>} : memref<24x384xf32, #tpu.memory_space<vmem>>, vector<1x16xf32>,
        %parallel_loop3A_463 = vector.shape_cast %parallel_loop3A_462 : vector<1x16xf32> to vector<16xf32>
        %parallel_loop3A_464 = vector.shape_cast %parallel_loop3A_459 : vector<16xf32> to vector<1x16xf32>
        tpu.vector_store %arg14[%parallel_loop3A_460, %parallel_loop3A_461], %parallel_loop3A_464 {strides = array<i32>} : memref<24x384xf32, #tpu.memory_space<vmem>>, vector<1x16xf32>,
        %parallel_loop3A_465 = arith.index_cast %parallel_loop3A_226 : i32 to index
        %parallel_loop3A_466 = arith.constant 272 : index
        %parallel_loop3A_467 = tpu.vector_load %arg6[%parallel_loop3A_465, %parallel_loop3A_466] {strides = array<i32>} : memref<24x384xf32, #tpu.memory_space<vmem>>, vector<1x16xf32>,
        %parallel_loop3A_468 = vector.shape_cast %parallel_loop3A_467 : vector<1x16xf32> to vector<16xf32>
        %parallel_loop3A_469 = arith.index_cast %parallel_loop3A_226 : i32 to index
        %parallel_loop3A_470 = arith.constant 272 : index
        %parallel_loop3A_471 = tpu.vector_load %arg10[%parallel_loop3A_469, %parallel_loop3A_470] {strides = array<i32>} : memref<24x384xf32, #tpu.memory_space<vmem>>, vector<1x16xf32>,
        %parallel_loop3A_472 = vector.shape_cast %parallel_loop3A_471 : vector<1x16xf32> to vector<16xf32>
        %parallel_loop3A_473 = arith.addf %parallel_loop3A_468, %parallel_loop3A_472 : vector<16xf32>
        %parallel_loop3A_474 = arith.index_cast %parallel_loop3A_226 : i32 to index
        %parallel_loop3A_475 = arith.constant 272 : index
        %parallel_loop3A_476 = tpu.vector_load %arg14[%parallel_loop3A_474, %parallel_loop3A_475] {strides = array<i32>} : memref<24x384xf32, #tpu.memory_space<vmem>>, vector<1x16xf32>,
        %parallel_loop3A_477 = vector.shape_cast %parallel_loop3A_476 : vector<1x16xf32> to vector<16xf32>
        %parallel_loop3A_478 = vector.shape_cast %parallel_loop3A_473 : vector<16xf32> to vector<1x16xf32>
        tpu.vector_store %arg14[%parallel_loop3A_474, %parallel_loop3A_475], %parallel_loop3A_478 {strides = array<i32>} : memref<24x384xf32, #tpu.memory_space<vmem>>, vector<1x16xf32>,
        %parallel_loop3A_479 = arith.index_cast %parallel_loop3A_226 : i32 to index
        %parallel_loop3A_480 = arith.constant 288 : index
        %parallel_loop3A_481 = tpu.vector_load %arg6[%parallel_loop3A_479, %parallel_loop3A_480] {strides = array<i32>} : memref<24x384xf32, #tpu.memory_space<vmem>>, vector<1x16xf32>,
        %parallel_loop3A_482 = vector.shape_cast %parallel_loop3A_481 : vector<1x16xf32> to vector<16xf32>
        %parallel_loop3A_483 = arith.index_cast %parallel_loop3A_226 : i32 to index
        %parallel_loop3A_484 = arith.constant 288 : index
        %parallel_loop3A_485 = tpu.vector_load %arg10[%parallel_loop3A_483, %parallel_loop3A_484] {strides = array<i32>} : memref<24x384xf32, #tpu.memory_space<vmem>>, vector<1x16xf32>,
        %parallel_loop3A_486 = vector.shape_cast %parallel_loop3A_485 : vector<1x16xf32> to vector<16xf32>
        %parallel_loop3A_487 = arith.addf %parallel_loop3A_482, %parallel_loop3A_486 : vector<16xf32>
        %parallel_loop3A_488 = arith.index_cast %parallel_loop3A_226 : i32 to index
        %parallel_loop3A_489 = arith.constant 288 : index
        %parallel_loop3A_490 = tpu.vector_load %arg14[%parallel_loop3A_488, %parallel_loop3A_489] {strides = array<i32>} : memref<24x384xf32, #tpu.memory_space<vmem>>, vector<1x16xf32>,
        %parallel_loop3A_491 = vector.shape_cast %parallel_loop3A_490 : vector<1x16xf32> to vector<16xf32>
        %parallel_loop3A_492 = vector.shape_cast %parallel_loop3A_487 : vector<16xf32> to vector<1x16xf32>
        tpu.vector_store %arg14[%parallel_loop3A_488, %parallel_loop3A_489], %parallel_loop3A_492 {strides = array<i32>} : memref<24x384xf32, #tpu.memory_space<vmem>>, vector<1x16xf32>,
        %parallel_loop3A_493 = arith.index_cast %parallel_loop3A_226 : i32 to index
        %parallel_loop3A_494 = arith.constant 304 : index
        %parallel_loop3A_495 = tpu.vector_load %arg6[%parallel_loop3A_493, %parallel_loop3A_494] {strides = array<i32>} : memref<24x384xf32, #tpu.memory_space<vmem>>, vector<1x16xf32>,
        %parallel_loop3A_496 = vector.shape_cast %parallel_loop3A_495 : vector<1x16xf32> to vector<16xf32>
        %parallel_loop3A_497 = arith.index_cast %parallel_loop3A_226 : i32 to index
        %parallel_loop3A_498 = arith.constant 304 : index
        %parallel_loop3A_499 = tpu.vector_load %arg10[%parallel_loop3A_497, %parallel_loop3A_498] {strides = array<i32>} : memref<24x384xf32, #tpu.memory_space<vmem>>, vector<1x16xf32>,
        %parallel_loop3A_500 = vector.shape_cast %parallel_loop3A_499 : vector<1x16xf32> to vector<16xf32>
        %parallel_loop3A_501 = arith.addf %parallel_loop3A_496, %parallel_loop3A_500 : vector<16xf32>
        %parallel_loop3A_502 = arith.index_cast %parallel_loop3A_226 : i32 to index
        %parallel_loop3A_503 = arith.constant 304 : index
        %parallel_loop3A_504 = tpu.vector_load %arg14[%parallel_loop3A_502, %parallel_loop3A_503] {strides = array<i32>} : memref<24x384xf32, #tpu.memory_space<vmem>>, vector<1x16xf32>,
        %parallel_loop3A_505 = vector.shape_cast %parallel_loop3A_504 : vector<1x16xf32> to vector<16xf32>
        %parallel_loop3A_506 = vector.shape_cast %parallel_loop3A_501 : vector<16xf32> to vector<1x16xf32>
        tpu.vector_store %arg14[%parallel_loop3A_502, %parallel_loop3A_503], %parallel_loop3A_506 {strides = array<i32>} : memref<24x384xf32, #tpu.memory_space<vmem>>, vector<1x16xf32>,
        %parallel_loop3A_507 = arith.index_cast %parallel_loop3A_226 : i32 to index
        %parallel_loop3A_508 = arith.constant 320 : index
        %parallel_loop3A_509 = tpu.vector_load %arg6[%parallel_loop3A_507, %parallel_loop3A_508] {strides = array<i32>} : memref<24x384xf32, #tpu.memory_space<vmem>>, vector<1x16xf32>,
        %parallel_loop3A_510 = vector.shape_cast %parallel_loop3A_509 : vector<1x16xf32> to vector<16xf32>
        %parallel_loop3A_511 = arith.index_cast %parallel_loop3A_226 : i32 to index
        %parallel_loop3A_512 = arith.constant 320 : index
        %parallel_loop3A_513 = tpu.vector_load %arg10[%parallel_loop3A_511, %parallel_loop3A_512] {strides = array<i32>} : memref<24x384xf32, #tpu.memory_space<vmem>>, vector<1x16xf32>,
        %parallel_loop3A_514 = vector.shape_cast %parallel_loop3A_513 : vector<1x16xf32> to vector<16xf32>
        %parallel_loop3A_515 = arith.addf %parallel_loop3A_510, %parallel_loop3A_514 : vector<16xf32>
        %parallel_loop3A_516 = arith.index_cast %parallel_loop3A_226 : i32 to index
        %parallel_loop3A_517 = arith.constant 320 : index
        %parallel_loop3A_518 = tpu.vector_load %arg14[%parallel_loop3A_516, %parallel_loop3A_517] {strides = array<i32>} : memref<24x384xf32, #tpu.memory_space<vmem>>, vector<1x16xf32>,
        %parallel_loop3A_519 = vector.shape_cast %parallel_loop3A_518 : vector<1x16xf32> to vector<16xf32>
        %parallel_loop3A_520 = vector.shape_cast %parallel_loop3A_515 : vector<16xf32> to vector<1x16xf32>
        tpu.vector_store %arg14[%parallel_loop3A_516, %parallel_loop3A_517], %parallel_loop3A_520 {strides = array<i32>} : memref<24x384xf32, #tpu.memory_space<vmem>>, vector<1x16xf32>,
        %parallel_loop3A_521 = arith.index_cast %parallel_loop3A_226 : i32 to index
        %parallel_loop3A_522 = arith.constant 336 : index
        %parallel_loop3A_523 = tpu.vector_load %arg6[%parallel_loop3A_521, %parallel_loop3A_522] {strides = array<i32>} : memref<24x384xf32, #tpu.memory_space<vmem>>, vector<1x16xf32>,
        %parallel_loop3A_524 = vector.shape_cast %parallel_loop3A_523 : vector<1x16xf32> to vector<16xf32>
        %parallel_loop3A_525 = arith.index_cast %parallel_loop3A_226 : i32 to index
        %parallel_loop3A_526 = arith.constant 336 : index
        %parallel_loop3A_527 = tpu.vector_load %arg10[%parallel_loop3A_525, %parallel_loop3A_526] {strides = array<i32>} : memref<24x384xf32, #tpu.memory_space<vmem>>, vector<1x16xf32>,
        %parallel_loop3A_528 = vector.shape_cast %parallel_loop3A_527 : vector<1x16xf32> to vector<16xf32>
        %parallel_loop3A_529 = arith.addf %parallel_loop3A_524, %parallel_loop3A_528 : vector<16xf32>
        %parallel_loop3A_530 = arith.index_cast %parallel_loop3A_226 : i32 to index
        %parallel_loop3A_531 = arith.constant 336 : index
        %parallel_loop3A_532 = tpu.vector_load %arg14[%parallel_loop3A_530, %parallel_loop3A_531] {strides = array<i32>} : memref<24x384xf32, #tpu.memory_space<vmem>>, vector<1x16xf32>,
        %parallel_loop3A_533 = vector.shape_cast %parallel_loop3A_532 : vector<1x16xf32> to vector<16xf32>
        %parallel_loop3A_534 = vector.shape_cast %parallel_loop3A_529 : vector<16xf32> to vector<1x16xf32>
        tpu.vector_store %arg14[%parallel_loop3A_530, %parallel_loop3A_531], %parallel_loop3A_534 {strides = array<i32>} : memref<24x384xf32, #tpu.memory_space<vmem>>, vector<1x16xf32>,
        %parallel_loop3A_535 = arith.index_cast %parallel_loop3A_226 : i32 to index
        %parallel_loop3A_536 = arith.constant 352 : index
        %parallel_loop3A_537 = tpu.vector_load %arg6[%parallel_loop3A_535, %parallel_loop3A_536] {strides = array<i32>} : memref<24x384xf32, #tpu.memory_space<vmem>>, vector<1x16xf32>,
        %parallel_loop3A_538 = vector.shape_cast %parallel_loop3A_537 : vector<1x16xf32> to vector<16xf32>
        %parallel_loop3A_539 = arith.index_cast %parallel_loop3A_226 : i32 to index
        %parallel_loop3A_540 = arith.constant 352 : index
        %parallel_loop3A_541 = tpu.vector_load %arg10[%parallel_loop3A_539, %parallel_loop3A_540] {strides = array<i32>} : memref<24x384xf32, #tpu.memory_space<vmem>>, vector<1x16xf32>,
        %parallel_loop3A_542 = vector.shape_cast %parallel_loop3A_541 : vector<1x16xf32> to vector<16xf32>
        %parallel_loop3A_543 = arith.addf %parallel_loop3A_538, %parallel_loop3A_542 : vector<16xf32>
        %parallel_loop3A_544 = arith.index_cast %parallel_loop3A_226 : i32 to index
        %parallel_loop3A_545 = arith.constant 352 : index
        %parallel_loop3A_546 = tpu.vector_load %arg14[%parallel_loop3A_544, %parallel_loop3A_545] {strides = array<i32>} : memref<24x384xf32, #tpu.memory_space<vmem>>, vector<1x16xf32>,
        %parallel_loop3A_547 = vector.shape_cast %parallel_loop3A_546 : vector<1x16xf32> to vector<16xf32>
        %parallel_loop3A_548 = vector.shape_cast %parallel_loop3A_543 : vector<16xf32> to vector<1x16xf32>
        tpu.vector_store %arg14[%parallel_loop3A_544, %parallel_loop3A_545], %parallel_loop3A_548 {strides = array<i32>} : memref<24x384xf32, #tpu.memory_space<vmem>>, vector<1x16xf32>,
        %parallel_loop3A_549 = arith.index_cast %parallel_loop3A_226 : i32 to index
        %parallel_loop3A_550 = arith.constant 368 : index
        %parallel_loop3A_551 = tpu.vector_load %arg6[%parallel_loop3A_549, %parallel_loop3A_550] {strides = array<i32>} : memref<24x384xf32, #tpu.memory_space<vmem>>, vector<1x16xf32>,
        %parallel_loop3A_552 = vector.shape_cast %parallel_loop3A_551 : vector<1x16xf32> to vector<16xf32>
        %parallel_loop3A_553 = arith.index_cast %parallel_loop3A_226 : i32 to index
        %parallel_loop3A_554 = arith.constant 368 : index
        %parallel_loop3A_555 = tpu.vector_load %arg10[%parallel_loop3A_553, %parallel_loop3A_554] {strides = array<i32>} : memref<24x384xf32, #tpu.memory_space<vmem>>, vector<1x16xf32>,
        %parallel_loop3A_556 = vector.shape_cast %parallel_loop3A_555 : vector<1x16xf32> to vector<16xf32>
        %parallel_loop3A_557 = arith.addf %parallel_loop3A_552, %parallel_loop3A_556 : vector<16xf32>
        %parallel_loop3A_558 = arith.index_cast %parallel_loop3A_226 : i32 to index
        %parallel_loop3A_559 = arith.constant 368 : index
        %parallel_loop3A_560 = tpu.vector_load %arg14[%parallel_loop3A_558, %parallel_loop3A_559] {strides = array<i32>} : memref<24x384xf32, #tpu.memory_space<vmem>>, vector<1x16xf32>,
        %parallel_loop3A_561 = vector.shape_cast %parallel_loop3A_560 : vector<1x16xf32> to vector<16xf32>
        %parallel_loop3A_562 = vector.shape_cast %parallel_loop3A_557 : vector<16xf32> to vector<1x16xf32>
        tpu.vector_store %arg14[%parallel_loop3A_558, %parallel_loop3A_559], %parallel_loop3A_562 {strides = array<i32>} : memref<24x384xf32, #tpu.memory_space<vmem>>, vector<1x16xf32>,
      } {sc.loop_unroll_factor = 2 : i64, sc.parallel_access}
      %mul3A_139 = arith.constant 24 : i32
      %mul3A_140 = arith.muli %add3A_107, %mul3A_139 : i32
      %add3A_141 = arith.addi %add3A_4, %mul3A_140 : i32
      %dma_start3A_142 = arith.constant 0 : i32
      %dma_start3A_143 = tpu.memref_slice %arg4[%add3A_141, %dma_start3A_142] : memref<36864x384xf32, #tpu.memory_space<hbm>> -> memref<24x384xf32, #tpu.memory_space<hbm>>
      %dma_start3A_144 = arith.constant 0 : i32
      %dma_start3A_145 = tpu.memref_slice %arg4[%add3A_141, %dma_start3A_144] : memref<36864x384xf32, #tpu.memory_space<hbm>> -> memref<24x384xf32, #tpu.memory_space<hbm>>
      tpu.enqueue_dma source(%arg14 : memref<24x384xf32, #tpu.memory_space<vmem>>) target(%dma_start3A_145 : memref<24x384xf32, #tpu.memory_space<hbm>>) target_semaphore(%arg26 : memref<!tpu.dma_semaphore, #tpu.memory_space<semaphore_mem>>)
      %add3A_146 = arith.constant 2 : i32
      %add3A_147 = arith.addi %add3A_71, %add3A_146 : i32
      %add3A_148 = arith.constant 4 : i32
      %add3A_149 = arith.addi %add3A_147, %add3A_148 : i32
      %sub3A_150 = arith.constant 1 : i32
      %sub3A_151 = arith.subi %add3A_149, %sub3A_150 : i32
      %lt3A_152 = arith.constant 24 : i32
      %lt3A_153 = arith.cmpi slt, %sub3A_151, %lt3A_152 : i32
      %convert_element_type3A_154 = arith.extui %lt3A_153 : i1 to i32
      %cond3A_155 = arith.constant 0 : i32
      %cond3A_156 = arith.cmpi ne, %convert_element_type3A_154, %cond3A_155 : i32
      scf.if %cond3A_156 {
        %add3A_226 = arith.constant 4 : i32
        %add3A_227 = arith.addi %add3A_147, %add3A_226 : i32
        %sub3A_228 = arith.constant 1 : i32
        %sub3A_229 = arith.subi %add3A_227, %sub3A_228 : i32
        %mul3A_230 = arith.constant 24 : i32
        %mul3A_231 = arith.muli %sub3A_229, %mul3A_230 : i32
        %add3A_232 = arith.addi %add3A_4, %mul3A_231 : i32
        %dma_start3A_233 = arith.constant 0 : i32
        %dma_start3A_234 = tpu.memref_slice %arg2[%add3A_232, %dma_start3A_233] : memref<36864x384xf32, #tpu.memory_space<hbm>> -> memref<24x384xf32, #tpu.memory_space<hbm>>
        %dma_start3A_235 = arith.constant 0 : i32
        %dma_start3A_236 = tpu.memref_slice %arg2[%add3A_232, %dma_start3A_235] : memref<36864x384xf32, #tpu.memory_space<hbm>> -> memref<24x384xf32, #tpu.memory_space<hbm>>
        tpu.enqueue_dma source(%dma_start3A_236 : memref<24x384xf32, #tpu.memory_space<hbm>>) target(%arg6 : memref<24x384xf32, #tpu.memory_space<vmem>>) target_semaphore(%arg18 : memref<!tpu.dma_semaphore, #tpu.memory_space<semaphore_mem>>)
        %dma_start3A_237 = arith.constant 0 : i32
        %dma_start3A_238 = tpu.memref_slice %arg3[%add3A_232, %dma_start3A_237] : memref<36864x384xf32, #tpu.memory_space<hbm>> -> memref<24x384xf32, #tpu.memory_space<hbm>>
        %dma_start3A_239 = arith.constant 0 : i32
        %dma_start3A_240 = tpu.memref_slice %arg3[%add3A_232, %dma_start3A_239] : memref<36864x384xf32, #tpu.memory_space<hbm>> -> memref<24x384xf32, #tpu.memory_space<hbm>>
        tpu.enqueue_dma source(%dma_start3A_240 : memref<24x384xf32, #tpu.memory_space<hbm>>) target(%arg10 : memref<24x384xf32, #tpu.memory_space<vmem>>) target_semaphore(%arg22 : memref<!tpu.dma_semaphore, #tpu.memory_space<semaphore_mem>>)
      } else {
      }
      %mul3A_157 = arith.constant 24 : i32
      %mul3A_158 = arith.muli %add3A_147, %mul3A_157 : i32
      %add3A_159 = arith.addi %add3A_4, %mul3A_158 : i32
      %dma_wait3A_160 = arith.constant 0 : i32
      %dma_wait3A_161 = tpu.memref_slice %arg2[%add3A_159, %dma_wait3A_160] : memref<36864x384xf32, #tpu.memory_space<hbm>> -> memref<24x384xf32, #tpu.memory_space<hbm>>
      %dma_wait3A_162 = arith.constant 0 : i32
      %dma_wait3A_163 = tpu.memref_slice %arg2[%add3A_159, %dma_wait3A_162] : memref<36864x384xf32, #tpu.memory_space<hbm>> -> memref<24x384xf32, #tpu.memory_space<hbm>>
      tpu.wait_dma2 semaphore(%arg19 : memref<!tpu.dma_semaphore, #tpu.memory_space<semaphore_mem>>) src(%dma_wait3A_163 : memref<24x384xf32, #tpu.memory_space<hbm>>) dst(%arg7 : memref<24x384xf32, #tpu.memory_space<vmem>>)
      %mul3A_164 = arith.constant 24 : i32
      %mul3A_165 = arith.muli %add3A_147, %mul3A_164 : i32
      %add3A_166 = arith.addi %add3A_4, %mul3A_165 : i32
      %dma_wait3A_167 = arith.constant 0 : i32
      %dma_wait3A_168 = tpu.memref_slice %arg3[%add3A_166, %dma_wait3A_167] : memref<36864x384xf32, #tpu.memory_space<hbm>> -> memref<24x384xf32, #tpu.memory_space<hbm>>
      %dma_wait3A_169 = arith.constant 0 : i32
      %dma_wait3A_170 = tpu.memref_slice %arg3[%add3A_166, %dma_wait3A_169] : memref<36864x384xf32, #tpu.memory_space<hbm>> -> memref<24x384xf32, #tpu.memory_space<hbm>>
      tpu.wait_dma2 semaphore(%arg23 : memref<!tpu.dma_semaphore, #tpu.memory_space<semaphore_mem>>) src(%dma_wait3A_170 : memref<24x384xf32, #tpu.memory_space<hbm>>) dst(%arg11 : memref<24x384xf32, #tpu.memory_space<vmem>>)
      %ge3A_171 = arith.constant 4 : i32
      %ge3A_172 = arith.cmpi sge, %add3A_147, %ge3A_171 : i32
      %convert_element_type3A_173 = arith.extui %ge3A_172 : i1 to i32
      %cond3A_174 = arith.constant 0 : i32
      %cond3A_175 = arith.cmpi ne, %convert_element_type3A_173, %cond3A_174 : i32
      scf.if %cond3A_175 {
        %mul3A_226 = arith.constant 24 : i32
        %mul3A_227 = arith.muli %add3A_147, %mul3A_226 : i32
        %add3A_228 = arith.addi %add3A_4, %mul3A_227 : i32
        %dma_wait3A_229 = arith.constant 0 : i32
        %dma_wait3A_230 = tpu.memref_slice %arg4[%add3A_228, %dma_wait3A_229] : memref<36864x384xf32, #tpu.memory_space<hbm>> -> memref<24x384xf32, #tpu.memory_space<hbm>>
        %dma_wait3A_231 = arith.constant 0 : i32
        %dma_wait3A_232 = tpu.memref_slice %arg4[%add3A_228, %dma_wait3A_231] : memref<36864x384xf32, #tpu.memory_space<hbm>> -> memref<24x384xf32, #tpu.memory_space<hbm>>
        tpu.wait_dma2 semaphore(%arg27 : memref<!tpu.dma_semaphore, #tpu.memory_space<semaphore_mem>>) src(%arg15 : memref<24x384xf32, #tpu.memory_space<vmem>>) dst(%dma_wait3A_232 : memref<24x384xf32, #tpu.memory_space<hbm>>)
      } else {
      }
      %parallel_loop3A_176 = arith.constant 0 : i32
      %parallel_loop3A_177 = arith.constant 24 : i32
      %parallel_loop3A_178 = arith.constant 1 : i32
      scf.for %parallel_loop3A_226 = %parallel_loop3A_176 to %parallel_loop3A_177 step %parallel_loop3A_178  : i32 {
        %parallel_loop3A_227 = arith.index_cast %parallel_loop3A_226 : i32 to index
        %parallel_loop3A_228 = arith.constant 0 : index
        %parallel_loop3A_229 = tpu.vector_load %arg7[%parallel_loop3A_227, %parallel_loop3A_228] {strides = array<i32>} : memref<24x384xf32, #tpu.memory_space<vmem>>, vector<1x16xf32>,
        %parallel_loop3A_230 = vector.shape_cast %parallel_loop3A_229 : vector<1x16xf32> to vector<16xf32>
        %parallel_loop3A_231 = arith.index_cast %parallel_loop3A_226 : i32 to index
        %parallel_loop3A_232 = arith.constant 0 : index
        %parallel_loop3A_233 = tpu.vector_load %arg11[%parallel_loop3A_231, %parallel_loop3A_232] {strides = array<i32>} : memref<24x384xf32, #tpu.memory_space<vmem>>, vector<1x16xf32>,
        %parallel_loop3A_234 = vector.shape_cast %parallel_loop3A_233 : vector<1x16xf32> to vector<16xf32>
        %parallel_loop3A_235 = arith.addf %parallel_loop3A_230, %parallel_loop3A_234 : vector<16xf32>
        %parallel_loop3A_236 = arith.index_cast %parallel_loop3A_226 : i32 to index
        %parallel_loop3A_237 = arith.constant 0 : index
        %parallel_loop3A_238 = tpu.vector_load %arg15[%parallel_loop3A_236, %parallel_loop3A_237] {strides = array<i32>} : memref<24x384xf32, #tpu.memory_space<vmem>>, vector<1x16xf32>,
        %parallel_loop3A_239 = vector.shape_cast %parallel_loop3A_238 : vector<1x16xf32> to vector<16xf32>
        %parallel_loop3A_240 = vector.shape_cast %parallel_loop3A_235 : vector<16xf32> to vector<1x16xf32>
        tpu.vector_store %arg15[%parallel_loop3A_236, %parallel_loop3A_237], %parallel_loop3A_240 {strides = array<i32>} : memref<24x384xf32, #tpu.memory_space<vmem>>, vector<1x16xf32>,
        %parallel_loop3A_241 = arith.index_cast %parallel_loop3A_226 : i32 to index
        %parallel_loop3A_242 = arith.constant 16 : index
        %parallel_loop3A_243 = tpu.vector_load %arg7[%parallel_loop3A_241, %parallel_loop3A_242] {strides = array<i32>} : memref<24x384xf32, #tpu.memory_space<vmem>>, vector<1x16xf32>,
        %parallel_loop3A_244 = vector.shape_cast %parallel_loop3A_243 : vector<1x16xf32> to vector<16xf32>
        %parallel_loop3A_245 = arith.index_cast %parallel_loop3A_226 : i32 to index
        %parallel_loop3A_246 = arith.constant 16 : index
        %parallel_loop3A_247 = tpu.vector_load %arg11[%parallel_loop3A_245, %parallel_loop3A_246] {strides = array<i32>} : memref<24x384xf32, #tpu.memory_space<vmem>>, vector<1x16xf32>,
        %parallel_loop3A_248 = vector.shape_cast %parallel_loop3A_247 : vector<1x16xf32> to vector<16xf32>
        %parallel_loop3A_249 = arith.addf %parallel_loop3A_244, %parallel_loop3A_248 : vector<16xf32>
        %parallel_loop3A_250 = arith.index_cast %parallel_loop3A_226 : i32 to index
        %parallel_loop3A_251 = arith.constant 16 : index
        %parallel_loop3A_252 = tpu.vector_load %arg15[%parallel_loop3A_250, %parallel_loop3A_251] {strides = array<i32>} : memref<24x384xf32, #tpu.memory_space<vmem>>, vector<1x16xf32>,
        %parallel_loop3A_253 = vector.shape_cast %parallel_loop3A_252 : vector<1x16xf32> to vector<16xf32>
        %parallel_loop3A_254 = vector.shape_cast %parallel_loop3A_249 : vector<16xf32> to vector<1x16xf32>
        tpu.vector_store %arg15[%parallel_loop3A_250, %parallel_loop3A_251], %parallel_loop3A_254 {strides = array<i32>} : memref<24x384xf32, #tpu.memory_space<vmem>>, vector<1x16xf32>,
        %parallel_loop3A_255 = arith.index_cast %parallel_loop3A_226 : i32 to index
        %parallel_loop3A_256 = arith.constant 32 : index
        %parallel_loop3A_257 = tpu.vector_load %arg7[%parallel_loop3A_255, %parallel_loop3A_256] {strides = array<i32>} : memref<24x384xf32, #tpu.memory_space<vmem>>, vector<1x16xf32>,
        %parallel_loop3A_258 = vector.shape_cast %parallel_loop3A_257 : vector<1x16xf32> to vector<16xf32>
        %parallel_loop3A_259 = arith.index_cast %parallel_loop3A_226 : i32 to index
        %parallel_loop3A_260 = arith.constant 32 : index
        %parallel_loop3A_261 = tpu.vector_load %arg11[%parallel_loop3A_259, %parallel_loop3A_260] {strides = array<i32>} : memref<24x384xf32, #tpu.memory_space<vmem>>, vector<1x16xf32>,
        %parallel_loop3A_262 = vector.shape_cast %parallel_loop3A_261 : vector<1x16xf32> to vector<16xf32>
        %parallel_loop3A_263 = arith.addf %parallel_loop3A_258, %parallel_loop3A_262 : vector<16xf32>
        %parallel_loop3A_264 = arith.index_cast %parallel_loop3A_226 : i32 to index
        %parallel_loop3A_265 = arith.constant 32 : index
        %parallel_loop3A_266 = tpu.vector_load %arg15[%parallel_loop3A_264, %parallel_loop3A_265] {strides = array<i32>} : memref<24x384xf32, #tpu.memory_space<vmem>>, vector<1x16xf32>,
        %parallel_loop3A_267 = vector.shape_cast %parallel_loop3A_266 : vector<1x16xf32> to vector<16xf32>
        %parallel_loop3A_268 = vector.shape_cast %parallel_loop3A_263 : vector<16xf32> to vector<1x16xf32>
        tpu.vector_store %arg15[%parallel_loop3A_264, %parallel_loop3A_265], %parallel_loop3A_268 {strides = array<i32>} : memref<24x384xf32, #tpu.memory_space<vmem>>, vector<1x16xf32>,
        %parallel_loop3A_269 = arith.index_cast %parallel_loop3A_226 : i32 to index
        %parallel_loop3A_270 = arith.constant 48 : index
        %parallel_loop3A_271 = tpu.vector_load %arg7[%parallel_loop3A_269, %parallel_loop3A_270] {strides = array<i32>} : memref<24x384xf32, #tpu.memory_space<vmem>>, vector<1x16xf32>,
        %parallel_loop3A_272 = vector.shape_cast %parallel_loop3A_271 : vector<1x16xf32> to vector<16xf32>
        %parallel_loop3A_273 = arith.index_cast %parallel_loop3A_226 : i32 to index
        %parallel_loop3A_274 = arith.constant 48 : index
        %parallel_loop3A_275 = tpu.vector_load %arg11[%parallel_loop3A_273, %parallel_loop3A_274] {strides = array<i32>} : memref<24x384xf32, #tpu.memory_space<vmem>>, vector<1x16xf32>,
        %parallel_loop3A_276 = vector.shape_cast %parallel_loop3A_275 : vector<1x16xf32> to vector<16xf32>
        %parallel_loop3A_277 = arith.addf %parallel_loop3A_272, %parallel_loop3A_276 : vector<16xf32>
        %parallel_loop3A_278 = arith.index_cast %parallel_loop3A_226 : i32 to index
        %parallel_loop3A_279 = arith.constant 48 : index
        %parallel_loop3A_280 = tpu.vector_load %arg15[%parallel_loop3A_278, %parallel_loop3A_279] {strides = array<i32>} : memref<24x384xf32, #tpu.memory_space<vmem>>, vector<1x16xf32>,
        %parallel_loop3A_281 = vector.shape_cast %parallel_loop3A_280 : vector<1x16xf32> to vector<16xf32>
        %parallel_loop3A_282 = vector.shape_cast %parallel_loop3A_277 : vector<16xf32> to vector<1x16xf32>
        tpu.vector_store %arg15[%parallel_loop3A_278, %parallel_loop3A_279], %parallel_loop3A_282 {strides = array<i32>} : memref<24x384xf32, #tpu.memory_space<vmem>>, vector<1x16xf32>,
        %parallel_loop3A_283 = arith.index_cast %parallel_loop3A_226 : i32 to index
        %parallel_loop3A_284 = arith.constant 64 : index
        %parallel_loop3A_285 = tpu.vector_load %arg7[%parallel_loop3A_283, %parallel_loop3A_284] {strides = array<i32>} : memref<24x384xf32, #tpu.memory_space<vmem>>, vector<1x16xf32>,
        %parallel_loop3A_286 = vector.shape_cast %parallel_loop3A_285 : vector<1x16xf32> to vector<16xf32>
        %parallel_loop3A_287 = arith.index_cast %parallel_loop3A_226 : i32 to index
        %parallel_loop3A_288 = arith.constant 64 : index
        %parallel_loop3A_289 = tpu.vector_load %arg11[%parallel_loop3A_287, %parallel_loop3A_288] {strides = array<i32>} : memref<24x384xf32, #tpu.memory_space<vmem>>, vector<1x16xf32>,
        %parallel_loop3A_290 = vector.shape_cast %parallel_loop3A_289 : vector<1x16xf32> to vector<16xf32>
        %parallel_loop3A_291 = arith.addf %parallel_loop3A_286, %parallel_loop3A_290 : vector<16xf32>
        %parallel_loop3A_292 = arith.index_cast %parallel_loop3A_226 : i32 to index
        %parallel_loop3A_293 = arith.constant 64 : index
        %parallel_loop3A_294 = tpu.vector_load %arg15[%parallel_loop3A_292, %parallel_loop3A_293] {strides = array<i32>} : memref<24x384xf32, #tpu.memory_space<vmem>>, vector<1x16xf32>,
        %parallel_loop3A_295 = vector.shape_cast %parallel_loop3A_294 : vector<1x16xf32> to vector<16xf32>
        %parallel_loop3A_296 = vector.shape_cast %parallel_loop3A_291 : vector<16xf32> to vector<1x16xf32>
        tpu.vector_store %arg15[%parallel_loop3A_292, %parallel_loop3A_293], %parallel_loop3A_296 {strides = array<i32>} : memref<24x384xf32, #tpu.memory_space<vmem>>, vector<1x16xf32>,
        %parallel_loop3A_297 = arith.index_cast %parallel_loop3A_226 : i32 to index
        %parallel_loop3A_298 = arith.constant 80 : index
        %parallel_loop3A_299 = tpu.vector_load %arg7[%parallel_loop3A_297, %parallel_loop3A_298] {strides = array<i32>} : memref<24x384xf32, #tpu.memory_space<vmem>>, vector<1x16xf32>,
        %parallel_loop3A_300 = vector.shape_cast %parallel_loop3A_299 : vector<1x16xf32> to vector<16xf32>
        %parallel_loop3A_301 = arith.index_cast %parallel_loop3A_226 : i32 to index
        %parallel_loop3A_302 = arith.constant 80 : index
        %parallel_loop3A_303 = tpu.vector_load %arg11[%parallel_loop3A_301, %parallel_loop3A_302] {strides = array<i32>} : memref<24x384xf32, #tpu.memory_space<vmem>>, vector<1x16xf32>,
        %parallel_loop3A_304 = vector.shape_cast %parallel_loop3A_303 : vector<1x16xf32> to vector<16xf32>
        %parallel_loop3A_305 = arith.addf %parallel_loop3A_300, %parallel_loop3A_304 : vector<16xf32>
        %parallel_loop3A_306 = arith.index_cast %parallel_loop3A_226 : i32 to index
        %parallel_loop3A_307 = arith.constant 80 : index
        %parallel_loop3A_308 = tpu.vector_load %arg15[%parallel_loop3A_306, %parallel_loop3A_307] {strides = array<i32>} : memref<24x384xf32, #tpu.memory_space<vmem>>, vector<1x16xf32>,
        %parallel_loop3A_309 = vector.shape_cast %parallel_loop3A_308 : vector<1x16xf32> to vector<16xf32>
        %parallel_loop3A_310 = vector.shape_cast %parallel_loop3A_305 : vector<16xf32> to vector<1x16xf32>
        tpu.vector_store %arg15[%parallel_loop3A_306, %parallel_loop3A_307], %parallel_loop3A_310 {strides = array<i32>} : memref<24x384xf32, #tpu.memory_space<vmem>>, vector<1x16xf32>,
        %parallel_loop3A_311 = arith.index_cast %parallel_loop3A_226 : i32 to index
        %parallel_loop3A_312 = arith.constant 96 : index
        %parallel_loop3A_313 = tpu.vector_load %arg7[%parallel_loop3A_311, %parallel_loop3A_312] {strides = array<i32>} : memref<24x384xf32, #tpu.memory_space<vmem>>, vector<1x16xf32>,
        %parallel_loop3A_314 = vector.shape_cast %parallel_loop3A_313 : vector<1x16xf32> to vector<16xf32>
        %parallel_loop3A_315 = arith.index_cast %parallel_loop3A_226 : i32 to index
        %parallel_loop3A_316 = arith.constant 96 : index
        %parallel_loop3A_317 = tpu.vector_load %arg11[%parallel_loop3A_315, %parallel_loop3A_316] {strides = array<i32>} : memref<24x384xf32, #tpu.memory_space<vmem>>, vector<1x16xf32>,
        %parallel_loop3A_318 = vector.shape_cast %parallel_loop3A_317 : vector<1x16xf32> to vector<16xf32>
        %parallel_loop3A_319 = arith.addf %parallel_loop3A_314, %parallel_loop3A_318 : vector<16xf32>
        %parallel_loop3A_320 = arith.index_cast %parallel_loop3A_226 : i32 to index
        %parallel_loop3A_321 = arith.constant 96 : index
        %parallel_loop3A_322 = tpu.vector_load %arg15[%parallel_loop3A_320, %parallel_loop3A_321] {strides = array<i32>} : memref<24x384xf32, #tpu.memory_space<vmem>>, vector<1x16xf32>,
        %parallel_loop3A_323 = vector.shape_cast %parallel_loop3A_322 : vector<1x16xf32> to vector<16xf32>
        %parallel_loop3A_324 = vector.shape_cast %parallel_loop3A_319 : vector<16xf32> to vector<1x16xf32>
        tpu.vector_store %arg15[%parallel_loop3A_320, %parallel_loop3A_321], %parallel_loop3A_324 {strides = array<i32>} : memref<24x384xf32, #tpu.memory_space<vmem>>, vector<1x16xf32>,
        %parallel_loop3A_325 = arith.index_cast %parallel_loop3A_226 : i32 to index
        %parallel_loop3A_326 = arith.constant 112 : index
        %parallel_loop3A_327 = tpu.vector_load %arg7[%parallel_loop3A_325, %parallel_loop3A_326] {strides = array<i32>} : memref<24x384xf32, #tpu.memory_space<vmem>>, vector<1x16xf32>,
        %parallel_loop3A_328 = vector.shape_cast %parallel_loop3A_327 : vector<1x16xf32> to vector<16xf32>
        %parallel_loop3A_329 = arith.index_cast %parallel_loop3A_226 : i32 to index
        %parallel_loop3A_330 = arith.constant 112 : index
        %parallel_loop3A_331 = tpu.vector_load %arg11[%parallel_loop3A_329, %parallel_loop3A_330] {strides = array<i32>} : memref<24x384xf32, #tpu.memory_space<vmem>>, vector<1x16xf32>,
        %parallel_loop3A_332 = vector.shape_cast %parallel_loop3A_331 : vector<1x16xf32> to vector<16xf32>
        %parallel_loop3A_333 = arith.addf %parallel_loop3A_328, %parallel_loop3A_332 : vector<16xf32>
        %parallel_loop3A_334 = arith.index_cast %parallel_loop3A_226 : i32 to index
        %parallel_loop3A_335 = arith.constant 112 : index
        %parallel_loop3A_336 = tpu.vector_load %arg15[%parallel_loop3A_334, %parallel_loop3A_335] {strides = array<i32>} : memref<24x384xf32, #tpu.memory_space<vmem>>, vector<1x16xf32>,
        %parallel_loop3A_337 = vector.shape_cast %parallel_loop3A_336 : vector<1x16xf32> to vector<16xf32>
        %parallel_loop3A_338 = vector.shape_cast %parallel_loop3A_333 : vector<16xf32> to vector<1x16xf32>
        tpu.vector_store %arg15[%parallel_loop3A_334, %parallel_loop3A_335], %parallel_loop3A_338 {strides = array<i32>} : memref<24x384xf32, #tpu.memory_space<vmem>>, vector<1x16xf32>,
        %parallel_loop3A_339 = arith.index_cast %parallel_loop3A_226 : i32 to index
        %parallel_loop3A_340 = arith.constant 128 : index
        %parallel_loop3A_341 = tpu.vector_load %arg7[%parallel_loop3A_339, %parallel_loop3A_340] {strides = array<i32>} : memref<24x384xf32, #tpu.memory_space<vmem>>, vector<1x16xf32>,
        %parallel_loop3A_342 = vector.shape_cast %parallel_loop3A_341 : vector<1x16xf32> to vector<16xf32>
        %parallel_loop3A_343 = arith.index_cast %parallel_loop3A_226 : i32 to index
        %parallel_loop3A_344 = arith.constant 128 : index
        %parallel_loop3A_345 = tpu.vector_load %arg11[%parallel_loop3A_343, %parallel_loop3A_344] {strides = array<i32>} : memref<24x384xf32, #tpu.memory_space<vmem>>, vector<1x16xf32>,
        %parallel_loop3A_346 = vector.shape_cast %parallel_loop3A_345 : vector<1x16xf32> to vector<16xf32>
        %parallel_loop3A_347 = arith.addf %parallel_loop3A_342, %parallel_loop3A_346 : vector<16xf32>
        %parallel_loop3A_348 = arith.index_cast %parallel_loop3A_226 : i32 to index
        %parallel_loop3A_349 = arith.constant 128 : index
        %parallel_loop3A_350 = tpu.vector_load %arg15[%parallel_loop3A_348, %parallel_loop3A_349] {strides = array<i32>} : memref<24x384xf32, #tpu.memory_space<vmem>>, vector<1x16xf32>,
        %parallel_loop3A_351 = vector.shape_cast %parallel_loop3A_350 : vector<1x16xf32> to vector<16xf32>
        %parallel_loop3A_352 = vector.shape_cast %parallel_loop3A_347 : vector<16xf32> to vector<1x16xf32>
        tpu.vector_store %arg15[%parallel_loop3A_348, %parallel_loop3A_349], %parallel_loop3A_352 {strides = array<i32>} : memref<24x384xf32, #tpu.memory_space<vmem>>, vector<1x16xf32>,
        %parallel_loop3A_353 = arith.index_cast %parallel_loop3A_226 : i32 to index
        %parallel_loop3A_354 = arith.constant 144 : index
        %parallel_loop3A_355 = tpu.vector_load %arg7[%parallel_loop3A_353, %parallel_loop3A_354] {strides = array<i32>} : memref<24x384xf32, #tpu.memory_space<vmem>>, vector<1x16xf32>,
        %parallel_loop3A_356 = vector.shape_cast %parallel_loop3A_355 : vector<1x16xf32> to vector<16xf32>
        %parallel_loop3A_357 = arith.index_cast %parallel_loop3A_226 : i32 to index
        %parallel_loop3A_358 = arith.constant 144 : index
        %parallel_loop3A_359 = tpu.vector_load %arg11[%parallel_loop3A_357, %parallel_loop3A_358] {strides = array<i32>} : memref<24x384xf32, #tpu.memory_space<vmem>>, vector<1x16xf32>,
        %parallel_loop3A_360 = vector.shape_cast %parallel_loop3A_359 : vector<1x16xf32> to vector<16xf32>
        %parallel_loop3A_361 = arith.addf %parallel_loop3A_356, %parallel_loop3A_360 : vector<16xf32>
        %parallel_loop3A_362 = arith.index_cast %parallel_loop3A_226 : i32 to index
        %parallel_loop3A_363 = arith.constant 144 : index
        %parallel_loop3A_364 = tpu.vector_load %arg15[%parallel_loop3A_362, %parallel_loop3A_363] {strides = array<i32>} : memref<24x384xf32, #tpu.memory_space<vmem>>, vector<1x16xf32>,
        %parallel_loop3A_365 = vector.shape_cast %parallel_loop3A_364 : vector<1x16xf32> to vector<16xf32>
        %parallel_loop3A_366 = vector.shape_cast %parallel_loop3A_361 : vector<16xf32> to vector<1x16xf32>
        tpu.vector_store %arg15[%parallel_loop3A_362, %parallel_loop3A_363], %parallel_loop3A_366 {strides = array<i32>} : memref<24x384xf32, #tpu.memory_space<vmem>>, vector<1x16xf32>,
        %parallel_loop3A_367 = arith.index_cast %parallel_loop3A_226 : i32 to index
        %parallel_loop3A_368 = arith.constant 160 : index
        %parallel_loop3A_369 = tpu.vector_load %arg7[%parallel_loop3A_367, %parallel_loop3A_368] {strides = array<i32>} : memref<24x384xf32, #tpu.memory_space<vmem>>, vector<1x16xf32>,
        %parallel_loop3A_370 = vector.shape_cast %parallel_loop3A_369 : vector<1x16xf32> to vector<16xf32>
        %parallel_loop3A_371 = arith.index_cast %parallel_loop3A_226 : i32 to index
        %parallel_loop3A_372 = arith.constant 160 : index
        %parallel_loop3A_373 = tpu.vector_load %arg11[%parallel_loop3A_371, %parallel_loop3A_372] {strides = array<i32>} : memref<24x384xf32, #tpu.memory_space<vmem>>, vector<1x16xf32>,
        %parallel_loop3A_374 = vector.shape_cast %parallel_loop3A_373 : vector<1x16xf32> to vector<16xf32>
        %parallel_loop3A_375 = arith.addf %parallel_loop3A_370, %parallel_loop3A_374 : vector<16xf32>
        %parallel_loop3A_376 = arith.index_cast %parallel_loop3A_226 : i32 to index
        %parallel_loop3A_377 = arith.constant 160 : index
        %parallel_loop3A_378 = tpu.vector_load %arg15[%parallel_loop3A_376, %parallel_loop3A_377] {strides = array<i32>} : memref<24x384xf32, #tpu.memory_space<vmem>>, vector<1x16xf32>,
        %parallel_loop3A_379 = vector.shape_cast %parallel_loop3A_378 : vector<1x16xf32> to vector<16xf32>
        %parallel_loop3A_380 = vector.shape_cast %parallel_loop3A_375 : vector<16xf32> to vector<1x16xf32>
        tpu.vector_store %arg15[%parallel_loop3A_376, %parallel_loop3A_377], %parallel_loop3A_380 {strides = array<i32>} : memref<24x384xf32, #tpu.memory_space<vmem>>, vector<1x16xf32>,
        %parallel_loop3A_381 = arith.index_cast %parallel_loop3A_226 : i32 to index
        %parallel_loop3A_382 = arith.constant 176 : index
        %parallel_loop3A_383 = tpu.vector_load %arg7[%parallel_loop3A_381, %parallel_loop3A_382] {strides = array<i32>} : memref<24x384xf32, #tpu.memory_space<vmem>>, vector<1x16xf32>,
        %parallel_loop3A_384 = vector.shape_cast %parallel_loop3A_383 : vector<1x16xf32> to vector<16xf32>
        %parallel_loop3A_385 = arith.index_cast %parallel_loop3A_226 : i32 to index
        %parallel_loop3A_386 = arith.constant 176 : index
        %parallel_loop3A_387 = tpu.vector_load %arg11[%parallel_loop3A_385, %parallel_loop3A_386] {strides = array<i32>} : memref<24x384xf32, #tpu.memory_space<vmem>>, vector<1x16xf32>,
        %parallel_loop3A_388 = vector.shape_cast %parallel_loop3A_387 : vector<1x16xf32> to vector<16xf32>
        %parallel_loop3A_389 = arith.addf %parallel_loop3A_384, %parallel_loop3A_388 : vector<16xf32>
        %parallel_loop3A_390 = arith.index_cast %parallel_loop3A_226 : i32 to index
        %parallel_loop3A_391 = arith.constant 176 : index
        %parallel_loop3A_392 = tpu.vector_load %arg15[%parallel_loop3A_390, %parallel_loop3A_391] {strides = array<i32>} : memref<24x384xf32, #tpu.memory_space<vmem>>, vector<1x16xf32>,
        %parallel_loop3A_393 = vector.shape_cast %parallel_loop3A_392 : vector<1x16xf32> to vector<16xf32>
        %parallel_loop3A_394 = vector.shape_cast %parallel_loop3A_389 : vector<16xf32> to vector<1x16xf32>
        tpu.vector_store %arg15[%parallel_loop3A_390, %parallel_loop3A_391], %parallel_loop3A_394 {strides = array<i32>} : memref<24x384xf32, #tpu.memory_space<vmem>>, vector<1x16xf32>,
        %parallel_loop3A_395 = arith.index_cast %parallel_loop3A_226 : i32 to index
        %parallel_loop3A_396 = arith.constant 192 : index
        %parallel_loop3A_397 = tpu.vector_load %arg7[%parallel_loop3A_395, %parallel_loop3A_396] {strides = array<i32>} : memref<24x384xf32, #tpu.memory_space<vmem>>, vector<1x16xf32>,
        %parallel_loop3A_398 = vector.shape_cast %parallel_loop3A_397 : vector<1x16xf32> to vector<16xf32>
        %parallel_loop3A_399 = arith.index_cast %parallel_loop3A_226 : i32 to index
        %parallel_loop3A_400 = arith.constant 192 : index
        %parallel_loop3A_401 = tpu.vector_load %arg11[%parallel_loop3A_399, %parallel_loop3A_400] {strides = array<i32>} : memref<24x384xf32, #tpu.memory_space<vmem>>, vector<1x16xf32>,
        %parallel_loop3A_402 = vector.shape_cast %parallel_loop3A_401 : vector<1x16xf32> to vector<16xf32>
        %parallel_loop3A_403 = arith.addf %parallel_loop3A_398, %parallel_loop3A_402 : vector<16xf32>
        %parallel_loop3A_404 = arith.index_cast %parallel_loop3A_226 : i32 to index
        %parallel_loop3A_405 = arith.constant 192 : index
        %parallel_loop3A_406 = tpu.vector_load %arg15[%parallel_loop3A_404, %parallel_loop3A_405] {strides = array<i32>} : memref<24x384xf32, #tpu.memory_space<vmem>>, vector<1x16xf32>,
        %parallel_loop3A_407 = vector.shape_cast %parallel_loop3A_406 : vector<1x16xf32> to vector<16xf32>
        %parallel_loop3A_408 = vector.shape_cast %parallel_loop3A_403 : vector<16xf32> to vector<1x16xf32>
        tpu.vector_store %arg15[%parallel_loop3A_404, %parallel_loop3A_405], %parallel_loop3A_408 {strides = array<i32>} : memref<24x384xf32, #tpu.memory_space<vmem>>, vector<1x16xf32>,
        %parallel_loop3A_409 = arith.index_cast %parallel_loop3A_226 : i32 to index
        %parallel_loop3A_410 = arith.constant 208 : index
        %parallel_loop3A_411 = tpu.vector_load %arg7[%parallel_loop3A_409, %parallel_loop3A_410] {strides = array<i32>} : memref<24x384xf32, #tpu.memory_space<vmem>>, vector<1x16xf32>,
        %parallel_loop3A_412 = vector.shape_cast %parallel_loop3A_411 : vector<1x16xf32> to vector<16xf32>
        %parallel_loop3A_413 = arith.index_cast %parallel_loop3A_226 : i32 to index
        %parallel_loop3A_414 = arith.constant 208 : index
        %parallel_loop3A_415 = tpu.vector_load %arg11[%parallel_loop3A_413, %parallel_loop3A_414] {strides = array<i32>} : memref<24x384xf32, #tpu.memory_space<vmem>>, vector<1x16xf32>,
        %parallel_loop3A_416 = vector.shape_cast %parallel_loop3A_415 : vector<1x16xf32> to vector<16xf32>
        %parallel_loop3A_417 = arith.addf %parallel_loop3A_412, %parallel_loop3A_416 : vector<16xf32>
        %parallel_loop3A_418 = arith.index_cast %parallel_loop3A_226 : i32 to index
        %parallel_loop3A_419 = arith.constant 208 : index
        %parallel_loop3A_420 = tpu.vector_load %arg15[%parallel_loop3A_418, %parallel_loop3A_419] {strides = array<i32>} : memref<24x384xf32, #tpu.memory_space<vmem>>, vector<1x16xf32>,
        %parallel_loop3A_421 = vector.shape_cast %parallel_loop3A_420 : vector<1x16xf32> to vector<16xf32>
        %parallel_loop3A_422 = vector.shape_cast %parallel_loop3A_417 : vector<16xf32> to vector<1x16xf32>
        tpu.vector_store %arg15[%parallel_loop3A_418, %parallel_loop3A_419], %parallel_loop3A_422 {strides = array<i32>} : memref<24x384xf32, #tpu.memory_space<vmem>>, vector<1x16xf32>,
        %parallel_loop3A_423 = arith.index_cast %parallel_loop3A_226 : i32 to index
        %parallel_loop3A_424 = arith.constant 224 : index
        %parallel_loop3A_425 = tpu.vector_load %arg7[%parallel_loop3A_423, %parallel_loop3A_424] {strides = array<i32>} : memref<24x384xf32, #tpu.memory_space<vmem>>, vector<1x16xf32>,
        %parallel_loop3A_426 = vector.shape_cast %parallel_loop3A_425 : vector<1x16xf32> to vector<16xf32>
        %parallel_loop3A_427 = arith.index_cast %parallel_loop3A_226 : i32 to index
        %parallel_loop3A_428 = arith.constant 224 : index
        %parallel_loop3A_429 = tpu.vector_load %arg11[%parallel_loop3A_427, %parallel_loop3A_428] {strides = array<i32>} : memref<24x384xf32, #tpu.memory_space<vmem>>, vector<1x16xf32>,
        %parallel_loop3A_430 = vector.shape_cast %parallel_loop3A_429 : vector<1x16xf32> to vector<16xf32>
        %parallel_loop3A_431 = arith.addf %parallel_loop3A_426, %parallel_loop3A_430 : vector<16xf32>
        %parallel_loop3A_432 = arith.index_cast %parallel_loop3A_226 : i32 to index
        %parallel_loop3A_433 = arith.constant 224 : index
        %parallel_loop3A_434 = tpu.vector_load %arg15[%parallel_loop3A_432, %parallel_loop3A_433] {strides = array<i32>} : memref<24x384xf32, #tpu.memory_space<vmem>>, vector<1x16xf32>,
        %parallel_loop3A_435 = vector.shape_cast %parallel_loop3A_434 : vector<1x16xf32> to vector<16xf32>
        %parallel_loop3A_436 = vector.shape_cast %parallel_loop3A_431 : vector<16xf32> to vector<1x16xf32>
        tpu.vector_store %arg15[%parallel_loop3A_432, %parallel_loop3A_433], %parallel_loop3A_436 {strides = array<i32>} : memref<24x384xf32, #tpu.memory_space<vmem>>, vector<1x16xf32>,
        %parallel_loop3A_437 = arith.index_cast %parallel_loop3A_226 : i32 to index
        %parallel_loop3A_438 = arith.constant 240 : index
        %parallel_loop3A_439 = tpu.vector_load %arg7[%parallel_loop3A_437, %parallel_loop3A_438] {strides = array<i32>} : memref<24x384xf32, #tpu.memory_space<vmem>>, vector<1x16xf32>,
        %parallel_loop3A_440 = vector.shape_cast %parallel_loop3A_439 : vector<1x16xf32> to vector<16xf32>
        %parallel_loop3A_441 = arith.index_cast %parallel_loop3A_226 : i32 to index
        %parallel_loop3A_442 = arith.constant 240 : index
        %parallel_loop3A_443 = tpu.vector_load %arg11[%parallel_loop3A_441, %parallel_loop3A_442] {strides = array<i32>} : memref<24x384xf32, #tpu.memory_space<vmem>>, vector<1x16xf32>,
        %parallel_loop3A_444 = vector.shape_cast %parallel_loop3A_443 : vector<1x16xf32> to vector<16xf32>
        %parallel_loop3A_445 = arith.addf %parallel_loop3A_440, %parallel_loop3A_444 : vector<16xf32>
        %parallel_loop3A_446 = arith.index_cast %parallel_loop3A_226 : i32 to index
        %parallel_loop3A_447 = arith.constant 240 : index
        %parallel_loop3A_448 = tpu.vector_load %arg15[%parallel_loop3A_446, %parallel_loop3A_447] {strides = array<i32>} : memref<24x384xf32, #tpu.memory_space<vmem>>, vector<1x16xf32>,
        %parallel_loop3A_449 = vector.shape_cast %parallel_loop3A_448 : vector<1x16xf32> to vector<16xf32>
        %parallel_loop3A_450 = vector.shape_cast %parallel_loop3A_445 : vector<16xf32> to vector<1x16xf32>
        tpu.vector_store %arg15[%parallel_loop3A_446, %parallel_loop3A_447], %parallel_loop3A_450 {strides = array<i32>} : memref<24x384xf32, #tpu.memory_space<vmem>>, vector<1x16xf32>,
        %parallel_loop3A_451 = arith.index_cast %parallel_loop3A_226 : i32 to index
        %parallel_loop3A_452 = arith.constant 256 : index
        %parallel_loop3A_453 = tpu.vector_load %arg7[%parallel_loop3A_451, %parallel_loop3A_452] {strides = array<i32>} : memref<24x384xf32, #tpu.memory_space<vmem>>, vector<1x16xf32>,
        %parallel_loop3A_454 = vector.shape_cast %parallel_loop3A_453 : vector<1x16xf32> to vector<16xf32>
        %parallel_loop3A_455 = arith.index_cast %parallel_loop3A_226 : i32 to index
        %parallel_loop3A_456 = arith.constant 256 : index
        %parallel_loop3A_457 = tpu.vector_load %arg11[%parallel_loop3A_455, %parallel_loop3A_456] {strides = array<i32>} : memref<24x384xf32, #tpu.memory_space<vmem>>, vector<1x16xf32>,
        %parallel_loop3A_458 = vector.shape_cast %parallel_loop3A_457 : vector<1x16xf32> to vector<16xf32>
        %parallel_loop3A_459 = arith.addf %parallel_loop3A_454, %parallel_loop3A_458 : vector<16xf32>
        %parallel_loop3A_460 = arith.index_cast %parallel_loop3A_226 : i32 to index
        %parallel_loop3A_461 = arith.constant 256 : index
        %parallel_loop3A_462 = tpu.vector_load %arg15[%parallel_loop3A_460, %parallel_loop3A_461] {strides = array<i32>} : memref<24x384xf32, #tpu.memory_space<vmem>>, vector<1x16xf32>,
        %parallel_loop3A_463 = vector.shape_cast %parallel_loop3A_462 : vector<1x16xf32> to vector<16xf32>
        %parallel_loop3A_464 = vector.shape_cast %parallel_loop3A_459 : vector<16xf32> to vector<1x16xf32>
        tpu.vector_store %arg15[%parallel_loop3A_460, %parallel_loop3A_461], %parallel_loop3A_464 {strides = array<i32>} : memref<24x384xf32, #tpu.memory_space<vmem>>, vector<1x16xf32>,
        %parallel_loop3A_465 = arith.index_cast %parallel_loop3A_226 : i32 to index
        %parallel_loop3A_466 = arith.constant 272 : index
        %parallel_loop3A_467 = tpu.vector_load %arg7[%parallel_loop3A_465, %parallel_loop3A_466] {strides = array<i32>} : memref<24x384xf32, #tpu.memory_space<vmem>>, vector<1x16xf32>,
        %parallel_loop3A_468 = vector.shape_cast %parallel_loop3A_467 : vector<1x16xf32> to vector<16xf32>
        %parallel_loop3A_469 = arith.index_cast %parallel_loop3A_226 : i32 to index
        %parallel_loop3A_470 = arith.constant 272 : index
        %parallel_loop3A_471 = tpu.vector_load %arg11[%parallel_loop3A_469, %parallel_loop3A_470] {strides = array<i32>} : memref<24x384xf32, #tpu.memory_space<vmem>>, vector<1x16xf32>,
        %parallel_loop3A_472 = vector.shape_cast %parallel_loop3A_471 : vector<1x16xf32> to vector<16xf32>
        %parallel_loop3A_473 = arith.addf %parallel_loop3A_468, %parallel_loop3A_472 : vector<16xf32>
        %parallel_loop3A_474 = arith.index_cast %parallel_loop3A_226 : i32 to index
        %parallel_loop3A_475 = arith.constant 272 : index
        %parallel_loop3A_476 = tpu.vector_load %arg15[%parallel_loop3A_474, %parallel_loop3A_475] {strides = array<i32>} : memref<24x384xf32, #tpu.memory_space<vmem>>, vector<1x16xf32>,
        %parallel_loop3A_477 = vector.shape_cast %parallel_loop3A_476 : vector<1x16xf32> to vector<16xf32>
        %parallel_loop3A_478 = vector.shape_cast %parallel_loop3A_473 : vector<16xf32> to vector<1x16xf32>
        tpu.vector_store %arg15[%parallel_loop3A_474, %parallel_loop3A_475], %parallel_loop3A_478 {strides = array<i32>} : memref<24x384xf32, #tpu.memory_space<vmem>>, vector<1x16xf32>,
        %parallel_loop3A_479 = arith.index_cast %parallel_loop3A_226 : i32 to index
        %parallel_loop3A_480 = arith.constant 288 : index
        %parallel_loop3A_481 = tpu.vector_load %arg7[%parallel_loop3A_479, %parallel_loop3A_480] {strides = array<i32>} : memref<24x384xf32, #tpu.memory_space<vmem>>, vector<1x16xf32>,
        %parallel_loop3A_482 = vector.shape_cast %parallel_loop3A_481 : vector<1x16xf32> to vector<16xf32>
        %parallel_loop3A_483 = arith.index_cast %parallel_loop3A_226 : i32 to index
        %parallel_loop3A_484 = arith.constant 288 : index
        %parallel_loop3A_485 = tpu.vector_load %arg11[%parallel_loop3A_483, %parallel_loop3A_484] {strides = array<i32>} : memref<24x384xf32, #tpu.memory_space<vmem>>, vector<1x16xf32>,
        %parallel_loop3A_486 = vector.shape_cast %parallel_loop3A_485 : vector<1x16xf32> to vector<16xf32>
        %parallel_loop3A_487 = arith.addf %parallel_loop3A_482, %parallel_loop3A_486 : vector<16xf32>
        %parallel_loop3A_488 = arith.index_cast %parallel_loop3A_226 : i32 to index
        %parallel_loop3A_489 = arith.constant 288 : index
        %parallel_loop3A_490 = tpu.vector_load %arg15[%parallel_loop3A_488, %parallel_loop3A_489] {strides = array<i32>} : memref<24x384xf32, #tpu.memory_space<vmem>>, vector<1x16xf32>,
        %parallel_loop3A_491 = vector.shape_cast %parallel_loop3A_490 : vector<1x16xf32> to vector<16xf32>
        %parallel_loop3A_492 = vector.shape_cast %parallel_loop3A_487 : vector<16xf32> to vector<1x16xf32>
        tpu.vector_store %arg15[%parallel_loop3A_488, %parallel_loop3A_489], %parallel_loop3A_492 {strides = array<i32>} : memref<24x384xf32, #tpu.memory_space<vmem>>, vector<1x16xf32>,
        %parallel_loop3A_493 = arith.index_cast %parallel_loop3A_226 : i32 to index
        %parallel_loop3A_494 = arith.constant 304 : index
        %parallel_loop3A_495 = tpu.vector_load %arg7[%parallel_loop3A_493, %parallel_loop3A_494] {strides = array<i32>} : memref<24x384xf32, #tpu.memory_space<vmem>>, vector<1x16xf32>,
        %parallel_loop3A_496 = vector.shape_cast %parallel_loop3A_495 : vector<1x16xf32> to vector<16xf32>
        %parallel_loop3A_497 = arith.index_cast %parallel_loop3A_226 : i32 to index
        %parallel_loop3A_498 = arith.constant 304 : index
        %parallel_loop3A_499 = tpu.vector_load %arg11[%parallel_loop3A_497, %parallel_loop3A_498] {strides = array<i32>} : memref<24x384xf32, #tpu.memory_space<vmem>>, vector<1x16xf32>,
        %parallel_loop3A_500 = vector.shape_cast %parallel_loop3A_499 : vector<1x16xf32> to vector<16xf32>
        %parallel_loop3A_501 = arith.addf %parallel_loop3A_496, %parallel_loop3A_500 : vector<16xf32>
        %parallel_loop3A_502 = arith.index_cast %parallel_loop3A_226 : i32 to index
        %parallel_loop3A_503 = arith.constant 304 : index
        %parallel_loop3A_504 = tpu.vector_load %arg15[%parallel_loop3A_502, %parallel_loop3A_503] {strides = array<i32>} : memref<24x384xf32, #tpu.memory_space<vmem>>, vector<1x16xf32>,
        %parallel_loop3A_505 = vector.shape_cast %parallel_loop3A_504 : vector<1x16xf32> to vector<16xf32>
        %parallel_loop3A_506 = vector.shape_cast %parallel_loop3A_501 : vector<16xf32> to vector<1x16xf32>
        tpu.vector_store %arg15[%parallel_loop3A_502, %parallel_loop3A_503], %parallel_loop3A_506 {strides = array<i32>} : memref<24x384xf32, #tpu.memory_space<vmem>>, vector<1x16xf32>,
        %parallel_loop3A_507 = arith.index_cast %parallel_loop3A_226 : i32 to index
        %parallel_loop3A_508 = arith.constant 320 : index
        %parallel_loop3A_509 = tpu.vector_load %arg7[%parallel_loop3A_507, %parallel_loop3A_508] {strides = array<i32>} : memref<24x384xf32, #tpu.memory_space<vmem>>, vector<1x16xf32>,
        %parallel_loop3A_510 = vector.shape_cast %parallel_loop3A_509 : vector<1x16xf32> to vector<16xf32>
        %parallel_loop3A_511 = arith.index_cast %parallel_loop3A_226 : i32 to index
        %parallel_loop3A_512 = arith.constant 320 : index
        %parallel_loop3A_513 = tpu.vector_load %arg11[%parallel_loop3A_511, %parallel_loop3A_512] {strides = array<i32>} : memref<24x384xf32, #tpu.memory_space<vmem>>, vector<1x16xf32>,
        %parallel_loop3A_514 = vector.shape_cast %parallel_loop3A_513 : vector<1x16xf32> to vector<16xf32>
        %parallel_loop3A_515 = arith.addf %parallel_loop3A_510, %parallel_loop3A_514 : vector<16xf32>
        %parallel_loop3A_516 = arith.index_cast %parallel_loop3A_226 : i32 to index
        %parallel_loop3A_517 = arith.constant 320 : index
        %parallel_loop3A_518 = tpu.vector_load %arg15[%parallel_loop3A_516, %parallel_loop3A_517] {strides = array<i32>} : memref<24x384xf32, #tpu.memory_space<vmem>>, vector<1x16xf32>,
        %parallel_loop3A_519 = vector.shape_cast %parallel_loop3A_518 : vector<1x16xf32> to vector<16xf32>
        %parallel_loop3A_520 = vector.shape_cast %parallel_loop3A_515 : vector<16xf32> to vector<1x16xf32>
        tpu.vector_store %arg15[%parallel_loop3A_516, %parallel_loop3A_517], %parallel_loop3A_520 {strides = array<i32>} : memref<24x384xf32, #tpu.memory_space<vmem>>, vector<1x16xf32>,
        %parallel_loop3A_521 = arith.index_cast %parallel_loop3A_226 : i32 to index
        %parallel_loop3A_522 = arith.constant 336 : index
        %parallel_loop3A_523 = tpu.vector_load %arg7[%parallel_loop3A_521, %parallel_loop3A_522] {strides = array<i32>} : memref<24x384xf32, #tpu.memory_space<vmem>>, vector<1x16xf32>,
        %parallel_loop3A_524 = vector.shape_cast %parallel_loop3A_523 : vector<1x16xf32> to vector<16xf32>
        %parallel_loop3A_525 = arith.index_cast %parallel_loop3A_226 : i32 to index
        %parallel_loop3A_526 = arith.constant 336 : index
        %parallel_loop3A_527 = tpu.vector_load %arg11[%parallel_loop3A_525, %parallel_loop3A_526] {strides = array<i32>} : memref<24x384xf32, #tpu.memory_space<vmem>>, vector<1x16xf32>,
        %parallel_loop3A_528 = vector.shape_cast %parallel_loop3A_527 : vector<1x16xf32> to vector<16xf32>
        %parallel_loop3A_529 = arith.addf %parallel_loop3A_524, %parallel_loop3A_528 : vector<16xf32>
        %parallel_loop3A_530 = arith.index_cast %parallel_loop3A_226 : i32 to index
        %parallel_loop3A_531 = arith.constant 336 : index
        %parallel_loop3A_532 = tpu.vector_load %arg15[%parallel_loop3A_530, %parallel_loop3A_531] {strides = array<i32>} : memref<24x384xf32, #tpu.memory_space<vmem>>, vector<1x16xf32>,
        %parallel_loop3A_533 = vector.shape_cast %parallel_loop3A_532 : vector<1x16xf32> to vector<16xf32>
        %parallel_loop3A_534 = vector.shape_cast %parallel_loop3A_529 : vector<16xf32> to vector<1x16xf32>
        tpu.vector_store %arg15[%parallel_loop3A_530, %parallel_loop3A_531], %parallel_loop3A_534 {strides = array<i32>} : memref<24x384xf32, #tpu.memory_space<vmem>>, vector<1x16xf32>,
        %parallel_loop3A_535 = arith.index_cast %parallel_loop3A_226 : i32 to index
        %parallel_loop3A_536 = arith.constant 352 : index
        %parallel_loop3A_537 = tpu.vector_load %arg7[%parallel_loop3A_535, %parallel_loop3A_536] {strides = array<i32>} : memref<24x384xf32, #tpu.memory_space<vmem>>, vector<1x16xf32>,
        %parallel_loop3A_538 = vector.shape_cast %parallel_loop3A_537 : vector<1x16xf32> to vector<16xf32>
        %parallel_loop3A_539 = arith.index_cast %parallel_loop3A_226 : i32 to index
        %parallel_loop3A_540 = arith.constant 352 : index
        %parallel_loop3A_541 = tpu.vector_load %arg11[%parallel_loop3A_539, %parallel_loop3A_540] {strides = array<i32>} : memref<24x384xf32, #tpu.memory_space<vmem>>, vector<1x16xf32>,
        %parallel_loop3A_542 = vector.shape_cast %parallel_loop3A_541 : vector<1x16xf32> to vector<16xf32>
        %parallel_loop3A_543 = arith.addf %parallel_loop3A_538, %parallel_loop3A_542 : vector<16xf32>
        %parallel_loop3A_544 = arith.index_cast %parallel_loop3A_226 : i32 to index
        %parallel_loop3A_545 = arith.constant 352 : index
        %parallel_loop3A_546 = tpu.vector_load %arg15[%parallel_loop3A_544, %parallel_loop3A_545] {strides = array<i32>} : memref<24x384xf32, #tpu.memory_space<vmem>>, vector<1x16xf32>,
        %parallel_loop3A_547 = vector.shape_cast %parallel_loop3A_546 : vector<1x16xf32> to vector<16xf32>
        %parallel_loop3A_548 = vector.shape_cast %parallel_loop3A_543 : vector<16xf32> to vector<1x16xf32>
        tpu.vector_store %arg15[%parallel_loop3A_544, %parallel_loop3A_545], %parallel_loop3A_548 {strides = array<i32>} : memref<24x384xf32, #tpu.memory_space<vmem>>, vector<1x16xf32>,
        %parallel_loop3A_549 = arith.index_cast %parallel_loop3A_226 : i32 to index
        %parallel_loop3A_550 = arith.constant 368 : index
        %parallel_loop3A_551 = tpu.vector_load %arg7[%parallel_loop3A_549, %parallel_loop3A_550] {strides = array<i32>} : memref<24x384xf32, #tpu.memory_space<vmem>>, vector<1x16xf32>,
        %parallel_loop3A_552 = vector.shape_cast %parallel_loop3A_551 : vector<1x16xf32> to vector<16xf32>
        %parallel_loop3A_553 = arith.index_cast %parallel_loop3A_226 : i32 to index
        %parallel_loop3A_554 = arith.constant 368 : index
        %parallel_loop3A_555 = tpu.vector_load %arg11[%parallel_loop3A_553, %parallel_loop3A_554] {strides = array<i32>} : memref<24x384xf32, #tpu.memory_space<vmem>>, vector<1x16xf32>,
        %parallel_loop3A_556 = vector.shape_cast %parallel_loop3A_555 : vector<1x16xf32> to vector<16xf32>
        %parallel_loop3A_557 = arith.addf %parallel_loop3A_552, %parallel_loop3A_556 : vector<16xf32>
        %parallel_loop3A_558 = arith.index_cast %parallel_loop3A_226 : i32 to index
        %parallel_loop3A_559 = arith.constant 368 : index
        %parallel_loop3A_560 = tpu.vector_load %arg15[%parallel_loop3A_558, %parallel_loop3A_559] {strides = array<i32>} : memref<24x384xf32, #tpu.memory_space<vmem>>, vector<1x16xf32>,
        %parallel_loop3A_561 = vector.shape_cast %parallel_loop3A_560 : vector<1x16xf32> to vector<16xf32>
        %parallel_loop3A_562 = vector.shape_cast %parallel_loop3A_557 : vector<16xf32> to vector<1x16xf32>
        tpu.vector_store %arg15[%parallel_loop3A_558, %parallel_loop3A_559], %parallel_loop3A_562 {strides = array<i32>} : memref<24x384xf32, #tpu.memory_space<vmem>>, vector<1x16xf32>,
      } {sc.loop_unroll_factor = 2 : i64, sc.parallel_access}
      %mul3A_179 = arith.constant 24 : i32
      %mul3A_180 = arith.muli %add3A_147, %mul3A_179 : i32
      %add3A_181 = arith.addi %add3A_4, %mul3A_180 : i32
      %dma_start3A_182 = arith.constant 0 : i32
      %dma_start3A_183 = tpu.memref_slice %arg4[%add3A_181, %dma_start3A_182] : memref<36864x384xf32, #tpu.memory_space<hbm>> -> memref<24x384xf32, #tpu.memory_space<hbm>>
      %dma_start3A_184 = arith.constant 0 : i32
      %dma_start3A_185 = tpu.memref_slice %arg4[%add3A_181, %dma_start3A_184] : memref<36864x384xf32, #tpu.memory_space<hbm>> -> memref<24x384xf32, #tpu.memory_space<hbm>>
      tpu.enqueue_dma source(%arg15 : memref<24x384xf32, #tpu.memory_space<vmem>>) target(%dma_start3A_185 : memref<24x384xf32, #tpu.memory_space<hbm>>) target_semaphore(%arg27 : memref<!tpu.dma_semaphore, #tpu.memory_space<semaphore_mem>>)
      %add3A_186 = arith.constant 3 : i32
      %add3A_187 = arith.addi %add3A_71, %add3A_186 : i32
      %add3A_188 = arith.constant 4 : i32
      %add3A_189 = arith.addi %add3A_187, %add3A_188 : i32
      %sub3A_190 = arith.constant 1 : i32
      %sub3A_191 = arith.subi %add3A_189, %sub3A_190 : i32
      %lt3A_192 = arith.constant 24 : i32
      %lt3A_193 = arith.cmpi slt, %sub3A_191, %lt3A_192 : i32
      %convert_element_type3A_194 = arith.extui %lt3A_193 : i1 to i32
      %cond3A_195 = arith.constant 0 : i32
      %cond3A_196 = arith.cmpi ne, %convert_element_type3A_194, %cond3A_195 : i32
      scf.if %cond3A_196 {
        %add3A_226 = arith.constant 4 : i32
        %add3A_227 = arith.addi %add3A_187, %add3A_226 : i32
        %sub3A_228 = arith.constant 1 : i32
        %sub3A_229 = arith.subi %add3A_227, %sub3A_228 : i32
        %mul3A_230 = arith.constant 24 : i32
        %mul3A_231 = arith.muli %sub3A_229, %mul3A_230 : i32
        %add3A_232 = arith.addi %add3A_4, %mul3A_231 : i32
        %dma_start3A_233 = arith.constant 0 : i32
        %dma_start3A_234 = tpu.memref_slice %arg2[%add3A_232, %dma_start3A_233] : memref<36864x384xf32, #tpu.memory_space<hbm>> -> memref<24x384xf32, #tpu.memory_space<hbm>>
        %dma_start3A_235 = arith.constant 0 : i32
        %dma_start3A_236 = tpu.memref_slice %arg2[%add3A_232, %dma_start3A_235] : memref<36864x384xf32, #tpu.memory_space<hbm>> -> memref<24x384xf32, #tpu.memory_space<hbm>>
        tpu.enqueue_dma source(%dma_start3A_236 : memref<24x384xf32, #tpu.memory_space<hbm>>) target(%arg7 : memref<24x384xf32, #tpu.memory_space<vmem>>) target_semaphore(%arg19 : memref<!tpu.dma_semaphore, #tpu.memory_space<semaphore_mem>>)
        %dma_start3A_237 = arith.constant 0 : i32
        %dma_start3A_238 = tpu.memref_slice %arg3[%add3A_232, %dma_start3A_237] : memref<36864x384xf32, #tpu.memory_space<hbm>> -> memref<24x384xf32, #tpu.memory_space<hbm>>
        %dma_start3A_239 = arith.constant 0 : i32
        %dma_start3A_240 = tpu.memref_slice %arg3[%add3A_232, %dma_start3A_239] : memref<36864x384xf32, #tpu.memory_space<hbm>> -> memref<24x384xf32, #tpu.memory_space<hbm>>
        tpu.enqueue_dma source(%dma_start3A_240 : memref<24x384xf32, #tpu.memory_space<hbm>>) target(%arg11 : memref<24x384xf32, #tpu.memory_space<vmem>>) target_semaphore(%arg23 : memref<!tpu.dma_semaphore, #tpu.memory_space<semaphore_mem>>)
      } else {
      }
      %mul3A_197 = arith.constant 24 : i32
      %mul3A_198 = arith.muli %add3A_187, %mul3A_197 : i32
      %add3A_199 = arith.addi %add3A_4, %mul3A_198 : i32
      %dma_wait3A_200 = arith.constant 0 : i32
      %dma_wait3A_201 = tpu.memref_slice %arg2[%add3A_199, %dma_wait3A_200] : memref<36864x384xf32, #tpu.memory_space<hbm>> -> memref<24x384xf32, #tpu.memory_space<hbm>>
      %dma_wait3A_202 = arith.constant 0 : i32
      %dma_wait3A_203 = tpu.memref_slice %arg2[%add3A_199, %dma_wait3A_202] : memref<36864x384xf32, #tpu.memory_space<hbm>> -> memref<24x384xf32, #tpu.memory_space<hbm>>
      tpu.wait_dma2 semaphore(%arg20 : memref<!tpu.dma_semaphore, #tpu.memory_space<semaphore_mem>>) src(%dma_wait3A_203 : memref<24x384xf32, #tpu.memory_space<hbm>>) dst(%arg8 : memref<24x384xf32, #tpu.memory_space<vmem>>)
      %mul3A_204 = arith.constant 24 : i32
      %mul3A_205 = arith.muli %add3A_187, %mul3A_204 : i32
      %add3A_206 = arith.addi %add3A_4, %mul3A_205 : i32
      %dma_wait3A_207 = arith.constant 0 : i32
      %dma_wait3A_208 = tpu.memref_slice %arg3[%add3A_206, %dma_wait3A_207] : memref<36864x384xf32, #tpu.memory_space<hbm>> -> memref<24x384xf32, #tpu.memory_space<hbm>>
      %dma_wait3A_209 = arith.constant 0 : i32
      %dma_wait3A_210 = tpu.memref_slice %arg3[%add3A_206, %dma_wait3A_209] : memref<36864x384xf32, #tpu.memory_space<hbm>> -> memref<24x384xf32, #tpu.memory_space<hbm>>
      tpu.wait_dma2 semaphore(%arg24 : memref<!tpu.dma_semaphore, #tpu.memory_space<semaphore_mem>>) src(%dma_wait3A_210 : memref<24x384xf32, #tpu.memory_space<hbm>>) dst(%arg12 : memref<24x384xf32, #tpu.memory_space<vmem>>)
      %ge3A_211 = arith.constant 4 : i32
      %ge3A_212 = arith.cmpi sge, %add3A_187, %ge3A_211 : i32
      %convert_element_type3A_213 = arith.extui %ge3A_212 : i1 to i32
      %cond3A_214 = arith.constant 0 : i32
      %cond3A_215 = arith.cmpi ne, %convert_element_type3A_213, %cond3A_214 : i32
      scf.if %cond3A_215 {
        %mul3A_226 = arith.constant 24 : i32
        %mul3A_227 = arith.muli %add3A_187, %mul3A_226 : i32
        %add3A_228 = arith.addi %add3A_4, %mul3A_227 : i32
        %dma_wait3A_229 = arith.constant 0 : i32
        %dma_wait3A_230 = tpu.memref_slice %arg4[%add3A_228, %dma_wait3A_229] : memref<36864x384xf32, #tpu.memory_space<hbm>> -> memref<24x384xf32, #tpu.memory_space<hbm>>
        %dma_wait3A_231 = arith.constant 0 : i32
        %dma_wait3A_232 = tpu.memref_slice %arg4[%add3A_228, %dma_wait3A_231] : memref<36864x384xf32, #tpu.memory_space<hbm>> -> memref<24x384xf32, #tpu.memory_space<hbm>>
        tpu.wait_dma2 semaphore(%arg28 : memref<!tpu.dma_semaphore, #tpu.memory_space<semaphore_mem>>) src(%arg16 : memref<24x384xf32, #tpu.memory_space<vmem>>) dst(%dma_wait3A_232 : memref<24x384xf32, #tpu.memory_space<hbm>>)
      } else {
      }
      %parallel_loop3A_216 = arith.constant 0 : i32
      %parallel_loop3A_217 = arith.constant 24 : i32
      %parallel_loop3A_218 = arith.constant 1 : i32
      scf.for %parallel_loop3A_226 = %parallel_loop3A_216 to %parallel_loop3A_217 step %parallel_loop3A_218  : i32 {
        %parallel_loop3A_227 = arith.index_cast %parallel_loop3A_226 : i32 to index
        %parallel_loop3A_228 = arith.constant 0 : index
        %parallel_loop3A_229 = tpu.vector_load %arg8[%parallel_loop3A_227, %parallel_loop3A_228] {strides = array<i32>} : memref<24x384xf32, #tpu.memory_space<vmem>>, vector<1x16xf32>,
        %parallel_loop3A_230 = vector.shape_cast %parallel_loop3A_229 : vector<1x16xf32> to vector<16xf32>
        %parallel_loop3A_231 = arith.index_cast %parallel_loop3A_226 : i32 to index
        %parallel_loop3A_232 = arith.constant 0 : index
        %parallel_loop3A_233 = tpu.vector_load %arg12[%parallel_loop3A_231, %parallel_loop3A_232] {strides = array<i32>} : memref<24x384xf32, #tpu.memory_space<vmem>>, vector<1x16xf32>,
        %parallel_loop3A_234 = vector.shape_cast %parallel_loop3A_233 : vector<1x16xf32> to vector<16xf32>
        %parallel_loop3A_235 = arith.addf %parallel_loop3A_230, %parallel_loop3A_234 : vector<16xf32>
        %parallel_loop3A_236 = arith.index_cast %parallel_loop3A_226 : i32 to index
        %parallel_loop3A_237 = arith.constant 0 : index
        %parallel_loop3A_238 = tpu.vector_load %arg16[%parallel_loop3A_236, %parallel_loop3A_237] {strides = array<i32>} : memref<24x384xf32, #tpu.memory_space<vmem>>, vector<1x16xf32>,
        %parallel_loop3A_239 = vector.shape_cast %parallel_loop3A_238 : vector<1x16xf32> to vector<16xf32>
        %parallel_loop3A_240 = vector.shape_cast %parallel_loop3A_235 : vector<16xf32> to vector<1x16xf32>
        tpu.vector_store %arg16[%parallel_loop3A_236, %parallel_loop3A_237], %parallel_loop3A_240 {strides = array<i32>} : memref<24x384xf32, #tpu.memory_space<vmem>>, vector<1x16xf32>,
        %parallel_loop3A_241 = arith.index_cast %parallel_loop3A_226 : i32 to index
        %parallel_loop3A_242 = arith.constant 16 : index
        %parallel_loop3A_243 = tpu.vector_load %arg8[%parallel_loop3A_241, %parallel_loop3A_242] {strides = array<i32>} : memref<24x384xf32, #tpu.memory_space<vmem>>, vector<1x16xf32>,
        %parallel_loop3A_244 = vector.shape_cast %parallel_loop3A_243 : vector<1x16xf32> to vector<16xf32>
        %parallel_loop3A_245 = arith.index_cast %parallel_loop3A_226 : i32 to index
        %parallel_loop3A_246 = arith.constant 16 : index
        %parallel_loop3A_247 = tpu.vector_load %arg12[%parallel_loop3A_245, %parallel_loop3A_246] {strides = array<i32>} : memref<24x384xf32, #tpu.memory_space<vmem>>, vector<1x16xf32>,
        %parallel_loop3A_248 = vector.shape_cast %parallel_loop3A_247 : vector<1x16xf32> to vector<16xf32>
        %parallel_loop3A_249 = arith.addf %parallel_loop3A_244, %parallel_loop3A_248 : vector<16xf32>
        %parallel_loop3A_250 = arith.index_cast %parallel_loop3A_226 : i32 to index
        %parallel_loop3A_251 = arith.constant 16 : index
        %parallel_loop3A_252 = tpu.vector_load %arg16[%parallel_loop3A_250, %parallel_loop3A_251] {strides = array<i32>} : memref<24x384xf32, #tpu.memory_space<vmem>>, vector<1x16xf32>,
        %parallel_loop3A_253 = vector.shape_cast %parallel_loop3A_252 : vector<1x16xf32> to vector<16xf32>
        %parallel_loop3A_254 = vector.shape_cast %parallel_loop3A_249 : vector<16xf32> to vector<1x16xf32>
        tpu.vector_store %arg16[%parallel_loop3A_250, %parallel_loop3A_251], %parallel_loop3A_254 {strides = array<i32>} : memref<24x384xf32, #tpu.memory_space<vmem>>, vector<1x16xf32>,
        %parallel_loop3A_255 = arith.index_cast %parallel_loop3A_226 : i32 to index
        %parallel_loop3A_256 = arith.constant 32 : index
        %parallel_loop3A_257 = tpu.vector_load %arg8[%parallel_loop3A_255, %parallel_loop3A_256] {strides = array<i32>} : memref<24x384xf32, #tpu.memory_space<vmem>>, vector<1x16xf32>,
        %parallel_loop3A_258 = vector.shape_cast %parallel_loop3A_257 : vector<1x16xf32> to vector<16xf32>
        %parallel_loop3A_259 = arith.index_cast %parallel_loop3A_226 : i32 to index
        %parallel_loop3A_260 = arith.constant 32 : index
        %parallel_loop3A_261 = tpu.vector_load %arg12[%parallel_loop3A_259, %parallel_loop3A_260] {strides = array<i32>} : memref<24x384xf32, #tpu.memory_space<vmem>>, vector<1x16xf32>,
        %parallel_loop3A_262 = vector.shape_cast %parallel_loop3A_261 : vector<1x16xf32> to vector<16xf32>
        %parallel_loop3A_263 = arith.addf %parallel_loop3A_258, %parallel_loop3A_262 : vector<16xf32>
        %parallel_loop3A_264 = arith.index_cast %parallel_loop3A_226 : i32 to index
        %parallel_loop3A_265 = arith.constant 32 : index
        %parallel_loop3A_266 = tpu.vector_load %arg16[%parallel_loop3A_264, %parallel_loop3A_265] {strides = array<i32>} : memref<24x384xf32, #tpu.memory_space<vmem>>, vector<1x16xf32>,
        %parallel_loop3A_267 = vector.shape_cast %parallel_loop3A_266 : vector<1x16xf32> to vector<16xf32>
        %parallel_loop3A_268 = vector.shape_cast %parallel_loop3A_263 : vector<16xf32> to vector<1x16xf32>
        tpu.vector_store %arg16[%parallel_loop3A_264, %parallel_loop3A_265], %parallel_loop3A_268 {strides = array<i32>} : memref<24x384xf32, #tpu.memory_space<vmem>>, vector<1x16xf32>,
        %parallel_loop3A_269 = arith.index_cast %parallel_loop3A_226 : i32 to index
        %parallel_loop3A_270 = arith.constant 48 : index
        %parallel_loop3A_271 = tpu.vector_load %arg8[%parallel_loop3A_269, %parallel_loop3A_270] {strides = array<i32>} : memref<24x384xf32, #tpu.memory_space<vmem>>, vector<1x16xf32>,
        %parallel_loop3A_272 = vector.shape_cast %parallel_loop3A_271 : vector<1x16xf32> to vector<16xf32>
        %parallel_loop3A_273 = arith.index_cast %parallel_loop3A_226 : i32 to index
        %parallel_loop3A_274 = arith.constant 48 : index
        %parallel_loop3A_275 = tpu.vector_load %arg12[%parallel_loop3A_273, %parallel_loop3A_274] {strides = array<i32>} : memref<24x384xf32, #tpu.memory_space<vmem>>, vector<1x16xf32>,
        %parallel_loop3A_276 = vector.shape_cast %parallel_loop3A_275 : vector<1x16xf32> to vector<16xf32>
        %parallel_loop3A_277 = arith.addf %parallel_loop3A_272, %parallel_loop3A_276 : vector<16xf32>
        %parallel_loop3A_278 = arith.index_cast %parallel_loop3A_226 : i32 to index
        %parallel_loop3A_279 = arith.constant 48 : index
        %parallel_loop3A_280 = tpu.vector_load %arg16[%parallel_loop3A_278, %parallel_loop3A_279] {strides = array<i32>} : memref<24x384xf32, #tpu.memory_space<vmem>>, vector<1x16xf32>,
        %parallel_loop3A_281 = vector.shape_cast %parallel_loop3A_280 : vector<1x16xf32> to vector<16xf32>
        %parallel_loop3A_282 = vector.shape_cast %parallel_loop3A_277 : vector<16xf32> to vector<1x16xf32>
        tpu.vector_store %arg16[%parallel_loop3A_278, %parallel_loop3A_279], %parallel_loop3A_282 {strides = array<i32>} : memref<24x384xf32, #tpu.memory_space<vmem>>, vector<1x16xf32>,
        %parallel_loop3A_283 = arith.index_cast %parallel_loop3A_226 : i32 to index
        %parallel_loop3A_284 = arith.constant 64 : index
        %parallel_loop3A_285 = tpu.vector_load %arg8[%parallel_loop3A_283, %parallel_loop3A_284] {strides = array<i32>} : memref<24x384xf32, #tpu.memory_space<vmem>>, vector<1x16xf32>,
        %parallel_loop3A_286 = vector.shape_cast %parallel_loop3A_285 : vector<1x16xf32> to vector<16xf32>
        %parallel_loop3A_287 = arith.index_cast %parallel_loop3A_226 : i32 to index
        %parallel_loop3A_288 = arith.constant 64 : index
        %parallel_loop3A_289 = tpu.vector_load %arg12[%parallel_loop3A_287, %parallel_loop3A_288] {strides = array<i32>} : memref<24x384xf32, #tpu.memory_space<vmem>>, vector<1x16xf32>,
        %parallel_loop3A_290 = vector.shape_cast %parallel_loop3A_289 : vector<1x16xf32> to vector<16xf32>
        %parallel_loop3A_291 = arith.addf %parallel_loop3A_286, %parallel_loop3A_290 : vector<16xf32>
        %parallel_loop3A_292 = arith.index_cast %parallel_loop3A_226 : i32 to index
        %parallel_loop3A_293 = arith.constant 64 : index
        %parallel_loop3A_294 = tpu.vector_load %arg16[%parallel_loop3A_292, %parallel_loop3A_293] {strides = array<i32>} : memref<24x384xf32, #tpu.memory_space<vmem>>, vector<1x16xf32>,
        %parallel_loop3A_295 = vector.shape_cast %parallel_loop3A_294 : vector<1x16xf32> to vector<16xf32>
        %parallel_loop3A_296 = vector.shape_cast %parallel_loop3A_291 : vector<16xf32> to vector<1x16xf32>
        tpu.vector_store %arg16[%parallel_loop3A_292, %parallel_loop3A_293], %parallel_loop3A_296 {strides = array<i32>} : memref<24x384xf32, #tpu.memory_space<vmem>>, vector<1x16xf32>,
        %parallel_loop3A_297 = arith.index_cast %parallel_loop3A_226 : i32 to index
        %parallel_loop3A_298 = arith.constant 80 : index
        %parallel_loop3A_299 = tpu.vector_load %arg8[%parallel_loop3A_297, %parallel_loop3A_298] {strides = array<i32>} : memref<24x384xf32, #tpu.memory_space<vmem>>, vector<1x16xf32>,
        %parallel_loop3A_300 = vector.shape_cast %parallel_loop3A_299 : vector<1x16xf32> to vector<16xf32>
        %parallel_loop3A_301 = arith.index_cast %parallel_loop3A_226 : i32 to index
        %parallel_loop3A_302 = arith.constant 80 : index
        %parallel_loop3A_303 = tpu.vector_load %arg12[%parallel_loop3A_301, %parallel_loop3A_302] {strides = array<i32>} : memref<24x384xf32, #tpu.memory_space<vmem>>, vector<1x16xf32>,
        %parallel_loop3A_304 = vector.shape_cast %parallel_loop3A_303 : vector<1x16xf32> to vector<16xf32>
        %parallel_loop3A_305 = arith.addf %parallel_loop3A_300, %parallel_loop3A_304 : vector<16xf32>
        %parallel_loop3A_306 = arith.index_cast %parallel_loop3A_226 : i32 to index
        %parallel_loop3A_307 = arith.constant 80 : index
        %parallel_loop3A_308 = tpu.vector_load %arg16[%parallel_loop3A_306, %parallel_loop3A_307] {strides = array<i32>} : memref<24x384xf32, #tpu.memory_space<vmem>>, vector<1x16xf32>,
        %parallel_loop3A_309 = vector.shape_cast %parallel_loop3A_308 : vector<1x16xf32> to vector<16xf32>
        %parallel_loop3A_310 = vector.shape_cast %parallel_loop3A_305 : vector<16xf32> to vector<1x16xf32>
        tpu.vector_store %arg16[%parallel_loop3A_306, %parallel_loop3A_307], %parallel_loop3A_310 {strides = array<i32>} : memref<24x384xf32, #tpu.memory_space<vmem>>, vector<1x16xf32>,
        %parallel_loop3A_311 = arith.index_cast %parallel_loop3A_226 : i32 to index
        %parallel_loop3A_312 = arith.constant 96 : index
        %parallel_loop3A_313 = tpu.vector_load %arg8[%parallel_loop3A_311, %parallel_loop3A_312] {strides = array<i32>} : memref<24x384xf32, #tpu.memory_space<vmem>>, vector<1x16xf32>,
        %parallel_loop3A_314 = vector.shape_cast %parallel_loop3A_313 : vector<1x16xf32> to vector<16xf32>
        %parallel_loop3A_315 = arith.index_cast %parallel_loop3A_226 : i32 to index
        %parallel_loop3A_316 = arith.constant 96 : index
        %parallel_loop3A_317 = tpu.vector_load %arg12[%parallel_loop3A_315, %parallel_loop3A_316] {strides = array<i32>} : memref<24x384xf32, #tpu.memory_space<vmem>>, vector<1x16xf32>,
        %parallel_loop3A_318 = vector.shape_cast %parallel_loop3A_317 : vector<1x16xf32> to vector<16xf32>
        %parallel_loop3A_319 = arith.addf %parallel_loop3A_314, %parallel_loop3A_318 : vector<16xf32>
        %parallel_loop3A_320 = arith.index_cast %parallel_loop3A_226 : i32 to index
        %parallel_loop3A_321 = arith.constant 96 : index
        %parallel_loop3A_322 = tpu.vector_load %arg16[%parallel_loop3A_320, %parallel_loop3A_321] {strides = array<i32>} : memref<24x384xf32, #tpu.memory_space<vmem>>, vector<1x16xf32>,
        %parallel_loop3A_323 = vector.shape_cast %parallel_loop3A_322 : vector<1x16xf32> to vector<16xf32>
        %parallel_loop3A_324 = vector.shape_cast %parallel_loop3A_319 : vector<16xf32> to vector<1x16xf32>
        tpu.vector_store %arg16[%parallel_loop3A_320, %parallel_loop3A_321], %parallel_loop3A_324 {strides = array<i32>} : memref<24x384xf32, #tpu.memory_space<vmem>>, vector<1x16xf32>,
        %parallel_loop3A_325 = arith.index_cast %parallel_loop3A_226 : i32 to index
        %parallel_loop3A_326 = arith.constant 112 : index
        %parallel_loop3A_327 = tpu.vector_load %arg8[%parallel_loop3A_325, %parallel_loop3A_326] {strides = array<i32>} : memref<24x384xf32, #tpu.memory_space<vmem>>, vector<1x16xf32>,
        %parallel_loop3A_328 = vector.shape_cast %parallel_loop3A_327 : vector<1x16xf32> to vector<16xf32>
        %parallel_loop3A_329 = arith.index_cast %parallel_loop3A_226 : i32 to index
        %parallel_loop3A_330 = arith.constant 112 : index
        %parallel_loop3A_331 = tpu.vector_load %arg12[%parallel_loop3A_329, %parallel_loop3A_330] {strides = array<i32>} : memref<24x384xf32, #tpu.memory_space<vmem>>, vector<1x16xf32>,
        %parallel_loop3A_332 = vector.shape_cast %parallel_loop3A_331 : vector<1x16xf32> to vector<16xf32>
        %parallel_loop3A_333 = arith.addf %parallel_loop3A_328, %parallel_loop3A_332 : vector<16xf32>
        %parallel_loop3A_334 = arith.index_cast %parallel_loop3A_226 : i32 to index
        %parallel_loop3A_335 = arith.constant 112 : index
        %parallel_loop3A_336 = tpu.vector_load %arg16[%parallel_loop3A_334, %parallel_loop3A_335] {strides = array<i32>} : memref<24x384xf32, #tpu.memory_space<vmem>>, vector<1x16xf32>,
        %parallel_loop3A_337 = vector.shape_cast %parallel_loop3A_336 : vector<1x16xf32> to vector<16xf32>
        %parallel_loop3A_338 = vector.shape_cast %parallel_loop3A_333 : vector<16xf32> to vector<1x16xf32>
        tpu.vector_store %arg16[%parallel_loop3A_334, %parallel_loop3A_335], %parallel_loop3A_338 {strides = array<i32>} : memref<24x384xf32, #tpu.memory_space<vmem>>, vector<1x16xf32>,
        %parallel_loop3A_339 = arith.index_cast %parallel_loop3A_226 : i32 to index
        %parallel_loop3A_340 = arith.constant 128 : index
        %parallel_loop3A_341 = tpu.vector_load %arg8[%parallel_loop3A_339, %parallel_loop3A_340] {strides = array<i32>} : memref<24x384xf32, #tpu.memory_space<vmem>>, vector<1x16xf32>,
        %parallel_loop3A_342 = vector.shape_cast %parallel_loop3A_341 : vector<1x16xf32> to vector<16xf32>
        %parallel_loop3A_343 = arith.index_cast %parallel_loop3A_226 : i32 to index
        %parallel_loop3A_344 = arith.constant 128 : index
        %parallel_loop3A_345 = tpu.vector_load %arg12[%parallel_loop3A_343, %parallel_loop3A_344] {strides = array<i32>} : memref<24x384xf32, #tpu.memory_space<vmem>>, vector<1x16xf32>,
        %parallel_loop3A_346 = vector.shape_cast %parallel_loop3A_345 : vector<1x16xf32> to vector<16xf32>
        %parallel_loop3A_347 = arith.addf %parallel_loop3A_342, %parallel_loop3A_346 : vector<16xf32>
        %parallel_loop3A_348 = arith.index_cast %parallel_loop3A_226 : i32 to index
        %parallel_loop3A_349 = arith.constant 128 : index
        %parallel_loop3A_350 = tpu.vector_load %arg16[%parallel_loop3A_348, %parallel_loop3A_349] {strides = array<i32>} : memref<24x384xf32, #tpu.memory_space<vmem>>, vector<1x16xf32>,
        %parallel_loop3A_351 = vector.shape_cast %parallel_loop3A_350 : vector<1x16xf32> to vector<16xf32>
        %parallel_loop3A_352 = vector.shape_cast %parallel_loop3A_347 : vector<16xf32> to vector<1x16xf32>
        tpu.vector_store %arg16[%parallel_loop3A_348, %parallel_loop3A_349], %parallel_loop3A_352 {strides = array<i32>} : memref<24x384xf32, #tpu.memory_space<vmem>>, vector<1x16xf32>,
        %parallel_loop3A_353 = arith.index_cast %parallel_loop3A_226 : i32 to index
        %parallel_loop3A_354 = arith.constant 144 : index
        %parallel_loop3A_355 = tpu.vector_load %arg8[%parallel_loop3A_353, %parallel_loop3A_354] {strides = array<i32>} : memref<24x384xf32, #tpu.memory_space<vmem>>, vector<1x16xf32>,
        %parallel_loop3A_356 = vector.shape_cast %parallel_loop3A_355 : vector<1x16xf32> to vector<16xf32>
        %parallel_loop3A_357 = arith.index_cast %parallel_loop3A_226 : i32 to index
        %parallel_loop3A_358 = arith.constant 144 : index
        %parallel_loop3A_359 = tpu.vector_load %arg12[%parallel_loop3A_357, %parallel_loop3A_358] {strides = array<i32>} : memref<24x384xf32, #tpu.memory_space<vmem>>, vector<1x16xf32>,
        %parallel_loop3A_360 = vector.shape_cast %parallel_loop3A_359 : vector<1x16xf32> to vector<16xf32>
        %parallel_loop3A_361 = arith.addf %parallel_loop3A_356, %parallel_loop3A_360 : vector<16xf32>
        %parallel_loop3A_362 = arith.index_cast %parallel_loop3A_226 : i32 to index
        %parallel_loop3A_363 = arith.constant 144 : index
        %parallel_loop3A_364 = tpu.vector_load %arg16[%parallel_loop3A_362, %parallel_loop3A_363] {strides = array<i32>} : memref<24x384xf32, #tpu.memory_space<vmem>>, vector<1x16xf32>,
        %parallel_loop3A_365 = vector.shape_cast %parallel_loop3A_364 : vector<1x16xf32> to vector<16xf32>
        %parallel_loop3A_366 = vector.shape_cast %parallel_loop3A_361 : vector<16xf32> to vector<1x16xf32>
        tpu.vector_store %arg16[%parallel_loop3A_362, %parallel_loop3A_363], %parallel_loop3A_366 {strides = array<i32>} : memref<24x384xf32, #tpu.memory_space<vmem>>, vector<1x16xf32>,
        %parallel_loop3A_367 = arith.index_cast %parallel_loop3A_226 : i32 to index
        %parallel_loop3A_368 = arith.constant 160 : index
        %parallel_loop3A_369 = tpu.vector_load %arg8[%parallel_loop3A_367, %parallel_loop3A_368] {strides = array<i32>} : memref<24x384xf32, #tpu.memory_space<vmem>>, vector<1x16xf32>,
        %parallel_loop3A_370 = vector.shape_cast %parallel_loop3A_369 : vector<1x16xf32> to vector<16xf32>
        %parallel_loop3A_371 = arith.index_cast %parallel_loop3A_226 : i32 to index
        %parallel_loop3A_372 = arith.constant 160 : index
        %parallel_loop3A_373 = tpu.vector_load %arg12[%parallel_loop3A_371, %parallel_loop3A_372] {strides = array<i32>} : memref<24x384xf32, #tpu.memory_space<vmem>>, vector<1x16xf32>,
        %parallel_loop3A_374 = vector.shape_cast %parallel_loop3A_373 : vector<1x16xf32> to vector<16xf32>
        %parallel_loop3A_375 = arith.addf %parallel_loop3A_370, %parallel_loop3A_374 : vector<16xf32>
        %parallel_loop3A_376 = arith.index_cast %parallel_loop3A_226 : i32 to index
        %parallel_loop3A_377 = arith.constant 160 : index
        %parallel_loop3A_378 = tpu.vector_load %arg16[%parallel_loop3A_376, %parallel_loop3A_377] {strides = array<i32>} : memref<24x384xf32, #tpu.memory_space<vmem>>, vector<1x16xf32>,
        %parallel_loop3A_379 = vector.shape_cast %parallel_loop3A_378 : vector<1x16xf32> to vector<16xf32>
        %parallel_loop3A_380 = vector.shape_cast %parallel_loop3A_375 : vector<16xf32> to vector<1x16xf32>
        tpu.vector_store %arg16[%parallel_loop3A_376, %parallel_loop3A_377], %parallel_loop3A_380 {strides = array<i32>} : memref<24x384xf32, #tpu.memory_space<vmem>>, vector<1x16xf32>,
        %parallel_loop3A_381 = arith.index_cast %parallel_loop3A_226 : i32 to index
        %parallel_loop3A_382 = arith.constant 176 : index
        %parallel_loop3A_383 = tpu.vector_load %arg8[%parallel_loop3A_381, %parallel_loop3A_382] {strides = array<i32>} : memref<24x384xf32, #tpu.memory_space<vmem>>, vector<1x16xf32>,
        %parallel_loop3A_384 = vector.shape_cast %parallel_loop3A_383 : vector<1x16xf32> to vector<16xf32>
        %parallel_loop3A_385 = arith.index_cast %parallel_loop3A_226 : i32 to index
        %parallel_loop3A_386 = arith.constant 176 : index
        %parallel_loop3A_387 = tpu.vector_load %arg12[%parallel_loop3A_385, %parallel_loop3A_386] {strides = array<i32>} : memref<24x384xf32, #tpu.memory_space<vmem>>, vector<1x16xf32>,
        %parallel_loop3A_388 = vector.shape_cast %parallel_loop3A_387 : vector<1x16xf32> to vector<16xf32>
        %parallel_loop3A_389 = arith.addf %parallel_loop3A_384, %parallel_loop3A_388 : vector<16xf32>
        %parallel_loop3A_390 = arith.index_cast %parallel_loop3A_226 : i32 to index
        %parallel_loop3A_391 = arith.constant 176 : index
        %parallel_loop3A_392 = tpu.vector_load %arg16[%parallel_loop3A_390, %parallel_loop3A_391] {strides = array<i32>} : memref<24x384xf32, #tpu.memory_space<vmem>>, vector<1x16xf32>,
        %parallel_loop3A_393 = vector.shape_cast %parallel_loop3A_392 : vector<1x16xf32> to vector<16xf32>
        %parallel_loop3A_394 = vector.shape_cast %parallel_loop3A_389 : vector<16xf32> to vector<1x16xf32>
        tpu.vector_store %arg16[%parallel_loop3A_390, %parallel_loop3A_391], %parallel_loop3A_394 {strides = array<i32>} : memref<24x384xf32, #tpu.memory_space<vmem>>, vector<1x16xf32>,
        %parallel_loop3A_395 = arith.index_cast %parallel_loop3A_226 : i32 to index
        %parallel_loop3A_396 = arith.constant 192 : index
        %parallel_loop3A_397 = tpu.vector_load %arg8[%parallel_loop3A_395, %parallel_loop3A_396] {strides = array<i32>} : memref<24x384xf32, #tpu.memory_space<vmem>>, vector<1x16xf32>,
        %parallel_loop3A_398 = vector.shape_cast %parallel_loop3A_397 : vector<1x16xf32> to vector<16xf32>
        %parallel_loop3A_399 = arith.index_cast %parallel_loop3A_226 : i32 to index
        %parallel_loop3A_400 = arith.constant 192 : index
        %parallel_loop3A_401 = tpu.vector_load %arg12[%parallel_loop3A_399, %parallel_loop3A_400] {strides = array<i32>} : memref<24x384xf32, #tpu.memory_space<vmem>>, vector<1x16xf32>,
        %parallel_loop3A_402 = vector.shape_cast %parallel_loop3A_401 : vector<1x16xf32> to vector<16xf32>
        %parallel_loop3A_403 = arith.addf %parallel_loop3A_398, %parallel_loop3A_402 : vector<16xf32>
        %parallel_loop3A_404 = arith.index_cast %parallel_loop3A_226 : i32 to index
        %parallel_loop3A_405 = arith.constant 192 : index
        %parallel_loop3A_406 = tpu.vector_load %arg16[%parallel_loop3A_404, %parallel_loop3A_405] {strides = array<i32>} : memref<24x384xf32, #tpu.memory_space<vmem>>, vector<1x16xf32>,
        %parallel_loop3A_407 = vector.shape_cast %parallel_loop3A_406 : vector<1x16xf32> to vector<16xf32>
        %parallel_loop3A_408 = vector.shape_cast %parallel_loop3A_403 : vector<16xf32> to vector<1x16xf32>
        tpu.vector_store %arg16[%parallel_loop3A_404, %parallel_loop3A_405], %parallel_loop3A_408 {strides = array<i32>} : memref<24x384xf32, #tpu.memory_space<vmem>>, vector<1x16xf32>,
        %parallel_loop3A_409 = arith.index_cast %parallel_loop3A_226 : i32 to index
        %parallel_loop3A_410 = arith.constant 208 : index
        %parallel_loop3A_411 = tpu.vector_load %arg8[%parallel_loop3A_409, %parallel_loop3A_410] {strides = array<i32>} : memref<24x384xf32, #tpu.memory_space<vmem>>, vector<1x16xf32>,
        %parallel_loop3A_412 = vector.shape_cast %parallel_loop3A_411 : vector<1x16xf32> to vector<16xf32>
        %parallel_loop3A_413 = arith.index_cast %parallel_loop3A_226 : i32 to index
        %parallel_loop3A_414 = arith.constant 208 : index
        %parallel_loop3A_415 = tpu.vector_load %arg12[%parallel_loop3A_413, %parallel_loop3A_414] {strides = array<i32>} : memref<24x384xf32, #tpu.memory_space<vmem>>, vector<1x16xf32>,
        %parallel_loop3A_416 = vector.shape_cast %parallel_loop3A_415 : vector<1x16xf32> to vector<16xf32>
        %parallel_loop3A_417 = arith.addf %parallel_loop3A_412, %parallel_loop3A_416 : vector<16xf32>
        %parallel_loop3A_418 = arith.index_cast %parallel_loop3A_226 : i32 to index
        %parallel_loop3A_419 = arith.constant 208 : index
        %parallel_loop3A_420 = tpu.vector_load %arg16[%parallel_loop3A_418, %parallel_loop3A_419] {strides = array<i32>} : memref<24x384xf32, #tpu.memory_space<vmem>>, vector<1x16xf32>,
        %parallel_loop3A_421 = vector.shape_cast %parallel_loop3A_420 : vector<1x16xf32> to vector<16xf32>
        %parallel_loop3A_422 = vector.shape_cast %parallel_loop3A_417 : vector<16xf32> to vector<1x16xf32>
        tpu.vector_store %arg16[%parallel_loop3A_418, %parallel_loop3A_419], %parallel_loop3A_422 {strides = array<i32>} : memref<24x384xf32, #tpu.memory_space<vmem>>, vector<1x16xf32>,
        %parallel_loop3A_423 = arith.index_cast %parallel_loop3A_226 : i32 to index
        %parallel_loop3A_424 = arith.constant 224 : index
        %parallel_loop3A_425 = tpu.vector_load %arg8[%parallel_loop3A_423, %parallel_loop3A_424] {strides = array<i32>} : memref<24x384xf32, #tpu.memory_space<vmem>>, vector<1x16xf32>,
        %parallel_loop3A_426 = vector.shape_cast %parallel_loop3A_425 : vector<1x16xf32> to vector<16xf32>
        %parallel_loop3A_427 = arith.index_cast %parallel_loop3A_226 : i32 to index
        %parallel_loop3A_428 = arith.constant 224 : index
        %parallel_loop3A_429 = tpu.vector_load %arg12[%parallel_loop3A_427, %parallel_loop3A_428] {strides = array<i32>} : memref<24x384xf32, #tpu.memory_space<vmem>>, vector<1x16xf32>,
        %parallel_loop3A_430 = vector.shape_cast %parallel_loop3A_429 : vector<1x16xf32> to vector<16xf32>
        %parallel_loop3A_431 = arith.addf %parallel_loop3A_426, %parallel_loop3A_430 : vector<16xf32>
        %parallel_loop3A_432 = arith.index_cast %parallel_loop3A_226 : i32 to index
        %parallel_loop3A_433 = arith.constant 224 : index
        %parallel_loop3A_434 = tpu.vector_load %arg16[%parallel_loop3A_432, %parallel_loop3A_433] {strides = array<i32>} : memref<24x384xf32, #tpu.memory_space<vmem>>, vector<1x16xf32>,
        %parallel_loop3A_435 = vector.shape_cast %parallel_loop3A_434 : vector<1x16xf32> to vector<16xf32>
        %parallel_loop3A_436 = vector.shape_cast %parallel_loop3A_431 : vector<16xf32> to vector<1x16xf32>
        tpu.vector_store %arg16[%parallel_loop3A_432, %parallel_loop3A_433], %parallel_loop3A_436 {strides = array<i32>} : memref<24x384xf32, #tpu.memory_space<vmem>>, vector<1x16xf32>,
        %parallel_loop3A_437 = arith.index_cast %parallel_loop3A_226 : i32 to index
        %parallel_loop3A_438 = arith.constant 240 : index
        %parallel_loop3A_439 = tpu.vector_load %arg8[%parallel_loop3A_437, %parallel_loop3A_438] {strides = array<i32>} : memref<24x384xf32, #tpu.memory_space<vmem>>, vector<1x16xf32>,
        %parallel_loop3A_440 = vector.shape_cast %parallel_loop3A_439 : vector<1x16xf32> to vector<16xf32>
        %parallel_loop3A_441 = arith.index_cast %parallel_loop3A_226 : i32 to index
        %parallel_loop3A_442 = arith.constant 240 : index
        %parallel_loop3A_443 = tpu.vector_load %arg12[%parallel_loop3A_441, %parallel_loop3A_442] {strides = array<i32>} : memref<24x384xf32, #tpu.memory_space<vmem>>, vector<1x16xf32>,
        %parallel_loop3A_444 = vector.shape_cast %parallel_loop3A_443 : vector<1x16xf32> to vector<16xf32>
        %parallel_loop3A_445 = arith.addf %parallel_loop3A_440, %parallel_loop3A_444 : vector<16xf32>
        %parallel_loop3A_446 = arith.index_cast %parallel_loop3A_226 : i32 to index
        %parallel_loop3A_447 = arith.constant 240 : index
        %parallel_loop3A_448 = tpu.vector_load %arg16[%parallel_loop3A_446, %parallel_loop3A_447] {strides = array<i32>} : memref<24x384xf32, #tpu.memory_space<vmem>>, vector<1x16xf32>,
        %parallel_loop3A_449 = vector.shape_cast %parallel_loop3A_448 : vector<1x16xf32> to vector<16xf32>
        %parallel_loop3A_450 = vector.shape_cast %parallel_loop3A_445 : vector<16xf32> to vector<1x16xf32>
        tpu.vector_store %arg16[%parallel_loop3A_446, %parallel_loop3A_447], %parallel_loop3A_450 {strides = array<i32>} : memref<24x384xf32, #tpu.memory_space<vmem>>, vector<1x16xf32>,
        %parallel_loop3A_451 = arith.index_cast %parallel_loop3A_226 : i32 to index
        %parallel_loop3A_452 = arith.constant 256 : index
        %parallel_loop3A_453 = tpu.vector_load %arg8[%parallel_loop3A_451, %parallel_loop3A_452] {strides = array<i32>} : memref<24x384xf32, #tpu.memory_space<vmem>>, vector<1x16xf32>,
        %parallel_loop3A_454 = vector.shape_cast %parallel_loop3A_453 : vector<1x16xf32> to vector<16xf32>
        %parallel_loop3A_455 = arith.index_cast %parallel_loop3A_226 : i32 to index
        %parallel_loop3A_456 = arith.constant 256 : index
        %parallel_loop3A_457 = tpu.vector_load %arg12[%parallel_loop3A_455, %parallel_loop3A_456] {strides = array<i32>} : memref<24x384xf32, #tpu.memory_space<vmem>>, vector<1x16xf32>,
        %parallel_loop3A_458 = vector.shape_cast %parallel_loop3A_457 : vector<1x16xf32> to vector<16xf32>
        %parallel_loop3A_459 = arith.addf %parallel_loop3A_454, %parallel_loop3A_458 : vector<16xf32>
        %parallel_loop3A_460 = arith.index_cast %parallel_loop3A_226 : i32 to index
        %parallel_loop3A_461 = arith.constant 256 : index
        %parallel_loop3A_462 = tpu.vector_load %arg16[%parallel_loop3A_460, %parallel_loop3A_461] {strides = array<i32>} : memref<24x384xf32, #tpu.memory_space<vmem>>, vector<1x16xf32>,
        %parallel_loop3A_463 = vector.shape_cast %parallel_loop3A_462 : vector<1x16xf32> to vector<16xf32>
        %parallel_loop3A_464 = vector.shape_cast %parallel_loop3A_459 : vector<16xf32> to vector<1x16xf32>
        tpu.vector_store %arg16[%parallel_loop3A_460, %parallel_loop3A_461], %parallel_loop3A_464 {strides = array<i32>} : memref<24x384xf32, #tpu.memory_space<vmem>>, vector<1x16xf32>,
        %parallel_loop3A_465 = arith.index_cast %parallel_loop3A_226 : i32 to index
        %parallel_loop3A_466 = arith.constant 272 : index
        %parallel_loop3A_467 = tpu.vector_load %arg8[%parallel_loop3A_465, %parallel_loop3A_466] {strides = array<i32>} : memref<24x384xf32, #tpu.memory_space<vmem>>, vector<1x16xf32>,
        %parallel_loop3A_468 = vector.shape_cast %parallel_loop3A_467 : vector<1x16xf32> to vector<16xf32>
        %parallel_loop3A_469 = arith.index_cast %parallel_loop3A_226 : i32 to index
        %parallel_loop3A_470 = arith.constant 272 : index
        %parallel_loop3A_471 = tpu.vector_load %arg12[%parallel_loop3A_469, %parallel_loop3A_470] {strides = array<i32>} : memref<24x384xf32, #tpu.memory_space<vmem>>, vector<1x16xf32>,
        %parallel_loop3A_472 = vector.shape_cast %parallel_loop3A_471 : vector<1x16xf32> to vector<16xf32>
        %parallel_loop3A_473 = arith.addf %parallel_loop3A_468, %parallel_loop3A_472 : vector<16xf32>
        %parallel_loop3A_474 = arith.index_cast %parallel_loop3A_226 : i32 to index
        %parallel_loop3A_475 = arith.constant 272 : index
        %parallel_loop3A_476 = tpu.vector_load %arg16[%parallel_loop3A_474, %parallel_loop3A_475] {strides = array<i32>} : memref<24x384xf32, #tpu.memory_space<vmem>>, vector<1x16xf32>,
        %parallel_loop3A_477 = vector.shape_cast %parallel_loop3A_476 : vector<1x16xf32> to vector<16xf32>
        %parallel_loop3A_478 = vector.shape_cast %parallel_loop3A_473 : vector<16xf32> to vector<1x16xf32>
        tpu.vector_store %arg16[%parallel_loop3A_474, %parallel_loop3A_475], %parallel_loop3A_478 {strides = array<i32>} : memref<24x384xf32, #tpu.memory_space<vmem>>, vector<1x16xf32>,
        %parallel_loop3A_479 = arith.index_cast %parallel_loop3A_226 : i32 to index
        %parallel_loop3A_480 = arith.constant 288 : index
        %parallel_loop3A_481 = tpu.vector_load %arg8[%parallel_loop3A_479, %parallel_loop3A_480] {strides = array<i32>} : memref<24x384xf32, #tpu.memory_space<vmem>>, vector<1x16xf32>,
        %parallel_loop3A_482 = vector.shape_cast %parallel_loop3A_481 : vector<1x16xf32> to vector<16xf32>
        %parallel_loop3A_483 = arith.index_cast %parallel_loop3A_226 : i32 to index
        %parallel_loop3A_484 = arith.constant 288 : index
        %parallel_loop3A_485 = tpu.vector_load %arg12[%parallel_loop3A_483, %parallel_loop3A_484] {strides = array<i32>} : memref<24x384xf32, #tpu.memory_space<vmem>>, vector<1x16xf32>,
        %parallel_loop3A_486 = vector.shape_cast %parallel_loop3A_485 : vector<1x16xf32> to vector<16xf32>
        %parallel_loop3A_487 = arith.addf %parallel_loop3A_482, %parallel_loop3A_486 : vector<16xf32>
        %parallel_loop3A_488 = arith.index_cast %parallel_loop3A_226 : i32 to index
        %parallel_loop3A_489 = arith.constant 288 : index
        %parallel_loop3A_490 = tpu.vector_load %arg16[%parallel_loop3A_488, %parallel_loop3A_489] {strides = array<i32>} : memref<24x384xf32, #tpu.memory_space<vmem>>, vector<1x16xf32>,
        %parallel_loop3A_491 = vector.shape_cast %parallel_loop3A_490 : vector<1x16xf32> to vector<16xf32>
        %parallel_loop3A_492 = vector.shape_cast %parallel_loop3A_487 : vector<16xf32> to vector<1x16xf32>
        tpu.vector_store %arg16[%parallel_loop3A_488, %parallel_loop3A_489], %parallel_loop3A_492 {strides = array<i32>} : memref<24x384xf32, #tpu.memory_space<vmem>>, vector<1x16xf32>,
        %parallel_loop3A_493 = arith.index_cast %parallel_loop3A_226 : i32 to index
        %parallel_loop3A_494 = arith.constant 304 : index
        %parallel_loop3A_495 = tpu.vector_load %arg8[%parallel_loop3A_493, %parallel_loop3A_494] {strides = array<i32>} : memref<24x384xf32, #tpu.memory_space<vmem>>, vector<1x16xf32>,
        %parallel_loop3A_496 = vector.shape_cast %parallel_loop3A_495 : vector<1x16xf32> to vector<16xf32>
        %parallel_loop3A_497 = arith.index_cast %parallel_loop3A_226 : i32 to index
        %parallel_loop3A_498 = arith.constant 304 : index
        %parallel_loop3A_499 = tpu.vector_load %arg12[%parallel_loop3A_497, %parallel_loop3A_498] {strides = array<i32>} : memref<24x384xf32, #tpu.memory_space<vmem>>, vector<1x16xf32>,
        %parallel_loop3A_500 = vector.shape_cast %parallel_loop3A_499 : vector<1x16xf32> to vector<16xf32>
        %parallel_loop3A_501 = arith.addf %parallel_loop3A_496, %parallel_loop3A_500 : vector<16xf32>
        %parallel_loop3A_502 = arith.index_cast %parallel_loop3A_226 : i32 to index
        %parallel_loop3A_503 = arith.constant 304 : index
        %parallel_loop3A_504 = tpu.vector_load %arg16[%parallel_loop3A_502, %parallel_loop3A_503] {strides = array<i32>} : memref<24x384xf32, #tpu.memory_space<vmem>>, vector<1x16xf32>,
        %parallel_loop3A_505 = vector.shape_cast %parallel_loop3A_504 : vector<1x16xf32> to vector<16xf32>
        %parallel_loop3A_506 = vector.shape_cast %parallel_loop3A_501 : vector<16xf32> to vector<1x16xf32>
        tpu.vector_store %arg16[%parallel_loop3A_502, %parallel_loop3A_503], %parallel_loop3A_506 {strides = array<i32>} : memref<24x384xf32, #tpu.memory_space<vmem>>, vector<1x16xf32>,
        %parallel_loop3A_507 = arith.index_cast %parallel_loop3A_226 : i32 to index
        %parallel_loop3A_508 = arith.constant 320 : index
        %parallel_loop3A_509 = tpu.vector_load %arg8[%parallel_loop3A_507, %parallel_loop3A_508] {strides = array<i32>} : memref<24x384xf32, #tpu.memory_space<vmem>>, vector<1x16xf32>,
        %parallel_loop3A_510 = vector.shape_cast %parallel_loop3A_509 : vector<1x16xf32> to vector<16xf32>
        %parallel_loop3A_511 = arith.index_cast %parallel_loop3A_226 : i32 to index
        %parallel_loop3A_512 = arith.constant 320 : index
        %parallel_loop3A_513 = tpu.vector_load %arg12[%parallel_loop3A_511, %parallel_loop3A_512] {strides = array<i32>} : memref<24x384xf32, #tpu.memory_space<vmem>>, vector<1x16xf32>,
        %parallel_loop3A_514 = vector.shape_cast %parallel_loop3A_513 : vector<1x16xf32> to vector<16xf32>
        %parallel_loop3A_515 = arith.addf %parallel_loop3A_510, %parallel_loop3A_514 : vector<16xf32>
        %parallel_loop3A_516 = arith.index_cast %parallel_loop3A_226 : i32 to index
        %parallel_loop3A_517 = arith.constant 320 : index
        %parallel_loop3A_518 = tpu.vector_load %arg16[%parallel_loop3A_516, %parallel_loop3A_517] {strides = array<i32>} : memref<24x384xf32, #tpu.memory_space<vmem>>, vector<1x16xf32>,
        %parallel_loop3A_519 = vector.shape_cast %parallel_loop3A_518 : vector<1x16xf32> to vector<16xf32>
        %parallel_loop3A_520 = vector.shape_cast %parallel_loop3A_515 : vector<16xf32> to vector<1x16xf32>
        tpu.vector_store %arg16[%parallel_loop3A_516, %parallel_loop3A_517], %parallel_loop3A_520 {strides = array<i32>} : memref<24x384xf32, #tpu.memory_space<vmem>>, vector<1x16xf32>,
        %parallel_loop3A_521 = arith.index_cast %parallel_loop3A_226 : i32 to index
        %parallel_loop3A_522 = arith.constant 336 : index
        %parallel_loop3A_523 = tpu.vector_load %arg8[%parallel_loop3A_521, %parallel_loop3A_522] {strides = array<i32>} : memref<24x384xf32, #tpu.memory_space<vmem>>, vector<1x16xf32>,
        %parallel_loop3A_524 = vector.shape_cast %parallel_loop3A_523 : vector<1x16xf32> to vector<16xf32>
        %parallel_loop3A_525 = arith.index_cast %parallel_loop3A_226 : i32 to index
        %parallel_loop3A_526 = arith.constant 336 : index
        %parallel_loop3A_527 = tpu.vector_load %arg12[%parallel_loop3A_525, %parallel_loop3A_526] {strides = array<i32>} : memref<24x384xf32, #tpu.memory_space<vmem>>, vector<1x16xf32>,
        %parallel_loop3A_528 = vector.shape_cast %parallel_loop3A_527 : vector<1x16xf32> to vector<16xf32>
        %parallel_loop3A_529 = arith.addf %parallel_loop3A_524, %parallel_loop3A_528 : vector<16xf32>
        %parallel_loop3A_530 = arith.index_cast %parallel_loop3A_226 : i32 to index
        %parallel_loop3A_531 = arith.constant 336 : index
        %parallel_loop3A_532 = tpu.vector_load %arg16[%parallel_loop3A_530, %parallel_loop3A_531] {strides = array<i32>} : memref<24x384xf32, #tpu.memory_space<vmem>>, vector<1x16xf32>,
        %parallel_loop3A_533 = vector.shape_cast %parallel_loop3A_532 : vector<1x16xf32> to vector<16xf32>
        %parallel_loop3A_534 = vector.shape_cast %parallel_loop3A_529 : vector<16xf32> to vector<1x16xf32>
        tpu.vector_store %arg16[%parallel_loop3A_530, %parallel_loop3A_531], %parallel_loop3A_534 {strides = array<i32>} : memref<24x384xf32, #tpu.memory_space<vmem>>, vector<1x16xf32>,
        %parallel_loop3A_535 = arith.index_cast %parallel_loop3A_226 : i32 to index
        %parallel_loop3A_536 = arith.constant 352 : index
        %parallel_loop3A_537 = tpu.vector_load %arg8[%parallel_loop3A_535, %parallel_loop3A_536] {strides = array<i32>} : memref<24x384xf32, #tpu.memory_space<vmem>>, vector<1x16xf32>,
        %parallel_loop3A_538 = vector.shape_cast %parallel_loop3A_537 : vector<1x16xf32> to vector<16xf32>
        %parallel_loop3A_539 = arith.index_cast %parallel_loop3A_226 : i32 to index
        %parallel_loop3A_540 = arith.constant 352 : index
        %parallel_loop3A_541 = tpu.vector_load %arg12[%parallel_loop3A_539, %parallel_loop3A_540] {strides = array<i32>} : memref<24x384xf32, #tpu.memory_space<vmem>>, vector<1x16xf32>,
        %parallel_loop3A_542 = vector.shape_cast %parallel_loop3A_541 : vector<1x16xf32> to vector<16xf32>
        %parallel_loop3A_543 = arith.addf %parallel_loop3A_538, %parallel_loop3A_542 : vector<16xf32>
        %parallel_loop3A_544 = arith.index_cast %parallel_loop3A_226 : i32 to index
        %parallel_loop3A_545 = arith.constant 352 : index
        %parallel_loop3A_546 = tpu.vector_load %arg16[%parallel_loop3A_544, %parallel_loop3A_545] {strides = array<i32>} : memref<24x384xf32, #tpu.memory_space<vmem>>, vector<1x16xf32>,
        %parallel_loop3A_547 = vector.shape_cast %parallel_loop3A_546 : vector<1x16xf32> to vector<16xf32>
        %parallel_loop3A_548 = vector.shape_cast %parallel_loop3A_543 : vector<16xf32> to vector<1x16xf32>
        tpu.vector_store %arg16[%parallel_loop3A_544, %parallel_loop3A_545], %parallel_loop3A_548 {strides = array<i32>} : memref<24x384xf32, #tpu.memory_space<vmem>>, vector<1x16xf32>,
        %parallel_loop3A_549 = arith.index_cast %parallel_loop3A_226 : i32 to index
        %parallel_loop3A_550 = arith.constant 368 : index
        %parallel_loop3A_551 = tpu.vector_load %arg8[%parallel_loop3A_549, %parallel_loop3A_550] {strides = array<i32>} : memref<24x384xf32, #tpu.memory_space<vmem>>, vector<1x16xf32>,
        %parallel_loop3A_552 = vector.shape_cast %parallel_loop3A_551 : vector<1x16xf32> to vector<16xf32>
        %parallel_loop3A_553 = arith.index_cast %parallel_loop3A_226 : i32 to index
        %parallel_loop3A_554 = arith.constant 368 : index
        %parallel_loop3A_555 = tpu.vector_load %arg12[%parallel_loop3A_553, %parallel_loop3A_554] {strides = array<i32>} : memref<24x384xf32, #tpu.memory_space<vmem>>, vector<1x16xf32>,
        %parallel_loop3A_556 = vector.shape_cast %parallel_loop3A_555 : vector<1x16xf32> to vector<16xf32>
        %parallel_loop3A_557 = arith.addf %parallel_loop3A_552, %parallel_loop3A_556 : vector<16xf32>
        %parallel_loop3A_558 = arith.index_cast %parallel_loop3A_226 : i32 to index
        %parallel_loop3A_559 = arith.constant 368 : index
        %parallel_loop3A_560 = tpu.vector_load %arg16[%parallel_loop3A_558, %parallel_loop3A_559] {strides = array<i32>} : memref<24x384xf32, #tpu.memory_space<vmem>>, vector<1x16xf32>,
        %parallel_loop3A_561 = vector.shape_cast %parallel_loop3A_560 : vector<1x16xf32> to vector<16xf32>
        %parallel_loop3A_562 = vector.shape_cast %parallel_loop3A_557 : vector<16xf32> to vector<1x16xf32>
        tpu.vector_store %arg16[%parallel_loop3A_558, %parallel_loop3A_559], %parallel_loop3A_562 {strides = array<i32>} : memref<24x384xf32, #tpu.memory_space<vmem>>, vector<1x16xf32>,
      } {sc.loop_unroll_factor = 2 : i64, sc.parallel_access}
      %mul3A_219 = arith.constant 24 : i32
      %mul3A_220 = arith.muli %add3A_187, %mul3A_219 : i32
      %add3A_221 = arith.addi %add3A_4, %mul3A_220 : i32
      %dma_start3A_222 = arith.constant 0 : i32
      %dma_start3A_223 = tpu.memref_slice %arg4[%add3A_221, %dma_start3A_222] : memref<36864x384xf32, #tpu.memory_space<hbm>> -> memref<24x384xf32, #tpu.memory_space<hbm>>
      %dma_start3A_224 = arith.constant 0 : i32
      %dma_start3A_225 = tpu.memref_slice %arg4[%add3A_221, %dma_start3A_224] : memref<36864x384xf32, #tpu.memory_space<hbm>> -> memref<24x384xf32, #tpu.memory_space<hbm>>
      tpu.enqueue_dma source(%arg16 : memref<24x384xf32, #tpu.memory_space<vmem>>) target(%dma_start3A_225 : memref<24x384xf32, #tpu.memory_space<hbm>>) target_semaphore(%arg28 : memref<!tpu.dma_semaphore, #tpu.memory_space<semaphore_mem>>)
    }
    %scan3A_43 = arith.constant 6 : i32
    %add3A_44 = arith.constant 0 : i32
    %add3A_45 = arith.addi %add3A_4, %add3A_44 : i32
    %dma_wait3A = arith.constant 0 : i32
    %dma_wait3A_46 = tpu.memref_slice %arg4[%add3A_45, %dma_wait3A] : memref<36864x384xf32, #tpu.memory_space<hbm>> -> memref<24x384xf32, #tpu.memory_space<hbm>>
    %dma_wait3A_47 = arith.constant 0 : i32
    %dma_wait3A_48 = tpu.memref_slice %arg4[%add3A_45, %dma_wait3A_47] : memref<36864x384xf32, #tpu.memory_space<hbm>> -> memref<24x384xf32, #tpu.memory_space<hbm>>
    tpu.wait_dma2 semaphore(%arg25 : memref<!tpu.dma_semaphore, #tpu.memory_space<semaphore_mem>>) src(%arg13 : memref<24x384xf32, #tpu.memory_space<vmem>>) dst(%dma_wait3A_48 : memref<24x384xf32, #tpu.memory_space<hbm>>)
    %add3A_49 = arith.constant 24 : i32
    %add3A_50 = arith.addi %add3A_4, %add3A_49 : i32
    %dma_wait3A_51 = arith.constant 0 : i32
    %dma_wait3A_52 = tpu.memref_slice %arg4[%add3A_50, %dma_wait3A_51] : memref<36864x384xf32, #tpu.memory_space<hbm>> -> memref<24x384xf32, #tpu.memory_space<hbm>>
    %dma_wait3A_53 = arith.constant 0 : i32
    %dma_wait3A_54 = tpu.memref_slice %arg4[%add3A_50, %dma_wait3A_53] : memref<36864x384xf32, #tpu.memory_space<hbm>> -> memref<24x384xf32, #tpu.memory_space<hbm>>
    tpu.wait_dma2 semaphore(%arg26 : memref<!tpu.dma_semaphore, #tpu.memory_space<semaphore_mem>>) src(%arg14 : memref<24x384xf32, #tpu.memory_space<vmem>>) dst(%dma_wait3A_54 : memref<24x384xf32, #tpu.memory_space<hbm>>)
    %add3A_55 = arith.constant 48 : i32
    %add3A_56 = arith.addi %add3A_4, %add3A_55 : i32
    %dma_wait3A_57 = arith.constant 0 : i32
    %dma_wait3A_58 = tpu.memref_slice %arg4[%add3A_56, %dma_wait3A_57] : memref<36864x384xf32, #tpu.memory_space<hbm>> -> memref<24x384xf32, #tpu.memory_space<hbm>>
    %dma_wait3A_59 = arith.constant 0 : i32
    %dma_wait3A_60 = tpu.memref_slice %arg4[%add3A_56, %dma_wait3A_59] : memref<36864x384xf32, #tpu.memory_space<hbm>> -> memref<24x384xf32, #tpu.memory_space<hbm>>
    tpu.wait_dma2 semaphore(%arg27 : memref<!tpu.dma_semaphore, #tpu.memory_space<semaphore_mem>>) src(%arg15 : memref<24x384xf32, #tpu.memory_space<vmem>>) dst(%dma_wait3A_60 : memref<24x384xf32, #tpu.memory_space<hbm>>)
    %add3A_61 = arith.constant 72 : i32
    %add3A_62 = arith.addi %add3A_4, %add3A_61 : i32
    %dma_wait3A_63 = arith.constant 0 : i32
    %dma_wait3A_64 = tpu.memref_slice %arg4[%add3A_62, %dma_wait3A_63] : memref<36864x384xf32, #tpu.memory_space<hbm>> -> memref<24x384xf32, #tpu.memory_space<hbm>>
    %dma_wait3A_65 = arith.constant 0 : i32
    %dma_wait3A_66 = tpu.memref_slice %arg4[%add3A_62, %dma_wait3A_65] : memref<36864x384xf32, #tpu.memory_space<hbm>> -> memref<24x384xf32, #tpu.memory_space<hbm>>
    tpu.wait_dma2 semaphore(%arg28 : memref<!tpu.dma_semaphore, #tpu.memory_space<semaphore_mem>>) src(%arg16 : memref<24x384xf32, #tpu.memory_space<vmem>>) dst(%dma_wait3A_66 : memref<24x384xf32, #tpu.memory_space<hbm>>)
    return
  }
}

module attributes {stable_mosaic.version = 14 : i64} {
  func.func @_tc_head_into_body(%arg0: i32, %arg1: memref<2048x384xf32, #tpu.memory_space<vmem>>, %arg2: memref<2048x384xf32, #tpu.memory_space<vmem>>, %arg3: memref<36864x384xf32, #tpu.memory_space<hbm>>, %arg4: memref<2048x384xf32, #tpu.memory_space<vmem>>) attributes {dimension_semantics = [#tpu.dimension_semantics<arbitrary>], iteration_bounds = array<i64: 9>, scalar_prefetch = 0 : i64, scratch_operands = 0 : i64, tpu.core_type = #tpu.core_type<tc>, window_params = [{transform_indices = @transform_0, window_bounds = array<i64: 2048, 384>}, {transform_indices = @transform_1, window_bounds = array<i64: 2048, 384>}, {}, {transform_indices = @transform_3, window_bounds = array<i64: 2048, 384>}]} {
    %get3A = arith.constant 0 : index
    %get3A_0 = arith.constant 0 : index
    %get3A_1 = vector.load %arg1[%get3A, %get3A_0] : memref<2048x384xf32, #tpu.memory_space<vmem>>, vector<2048x384xf32>
    %get3A_2 = arith.constant 0 : index
    %get3A_3 = arith.constant 0 : index
    %get3A_4 = vector.load %arg2[%get3A_2, %get3A_3] : memref<2048x384xf32, #tpu.memory_space<vmem>>, vector<2048x384xf32>
    %add3A = arith.addf %get3A_1, %get3A_4 : vector<2048x384xf32>
    %swap3A = arith.constant 0 : index
    %swap3A_5 = arith.constant 0 : index
    %swap3A_6 = vector.load %arg4[%swap3A, %swap3A_5] : memref<2048x384xf32, #tpu.memory_space<vmem>>, vector<2048x384xf32>
    tpu.vector_store %arg4[%swap3A, %swap3A_5], %add3A {strides = array<i32>} : memref<2048x384xf32, #tpu.memory_space<vmem>>, vector<2048x384xf32>,
    return
  }
  func.func @transform_0(%arg0: i32) -> (i32, i32) {
    %c0_i32 = arith.constant 0 : i32
    %c0_i32_0 = arith.constant 0 : i32
    return %arg0, %c0_i32 : i32, i32
  }
  func.func @transform_1(%arg0: i32) -> (i32, i32) {
    %c0_i32 = arith.constant 0 : i32
    %c0_i32_0 = arith.constant 0 : i32
    return %arg0, %c0_i32 : i32, i32
  }
  func.func @transform_3(%arg0: i32) -> (i32, i32) {
    %c0_i32 = arith.constant 0 : i32
    %c0_i32_0 = arith.constant 0 : i32
    return %arg0, %c0_i32 : i32, i32
  }
}

</mosaic_0001>

<sc_bundles>
// kernel: kernel.4.cloned.1.call-start
scs
__scs_entry_jumppad:
0x0: {  	(pc) =	sbr.rel $0x88, $3  }
0x1: {  	(tag) =	ssettag $0x0;
	lr =	simm.s32 $0x1  }
0x2: {  	[smem:$0x3F9F] =	sst lr;
	_ =	strace $0xD0000000  }
0x3: {  	_ = 	snop  }
0x4: {  	_ = 	snop  }
0x5: {  	_ = 	snop  }
0x6: {  	_ = 	snop  }
0x7: {  	_ = 	snop  }
__scs_overlays_trampoline_lowered:
0x8: {  	[smem:$0x3FAE] =	sst s0  }
0x9: {  	[smem:$0x3FAF] =	sst s1  }
0xa: {  	[smem:$0x3FB0] =	sst s2  }
0xb: {  	[smem:$0x3FB1] =	sst s3  }
0xc: {  	[smem:$0x3FB2] =	sst s4  }
0xd: {  	[smem:$0x3FB3] =	sst s5  }
0xe: {  	[smem:$0x3FB4] =	sst s6  }
0xf: {  	[smem:$0x3FB5] =	sst s7  }
0x10: {  	[smem:$0x3FB6] =	sst s8  }
0x11: {  	[smem:$0x3FB7] =	sst s9;
	s0 =	simm.s32 @!p0 $0x0  }
0x12: {  	s1 =	sld [smem:$0x3F9D];
	s0 =	simm.s32 @p0 $0x1  }
0x13: {  	[smem:$0x3FB8] =	sst s0;
	s0 =	simm.s32 @!p1 $0x0  }
0x14: {  	s2 =	sld [smem:$0x3F9C];
	s0 =	simm.s32 @p1 $0x1  }
0x15: {  	[smem:$0x3FB9] =	sst s0;
	s0 =	simm.s32 @!p2 $0x0  }
0x16: {  	s3 =	sld [smem:$0x3FDB];
	s0 =	simm.s32 @p2 $0x1  }
0x17: {  	s4 =	simm.s32 $0x1BF5;
	[smem:$0x3FBB] =	sst s0  }
0x18: {  	s0 =	sld [smem:$0x3F9E];
	_ =	swait.ge [sflag:s4], $0x0  }
0x19: {  	s7 =	sld [smem:$0x3F9F]  }
0x1a: {  	s8 =	sadd.s32 $0xFFFFE003, lr  }
0x1b: {  	s9 =	sadd.s32 $0xFFFFFEF7, lr;
	s5 =	simm.s32 $0xFFFFFFFF;
	p2 =	slt.u32 s8, $0xFFFFF086  }
0x1c: {  	p1 =	slt.u32 s9, $0xF7A;
	s5 =	simm.s32 @!p2 $0x0  }
0x1d: {  	s5 =	simm.s32 @p1 $0x1;
	p0 =	seq.s32 s7, s2  }
0x1e: {  	s7 =	smul.u32 @!p0 $0xF7A, s2;
	p2 =	seq.s32 @!p0 s5, $0x0  }
0x1f: {  	s9 =	smul.u32 $0xF7A, s1;
	s8 =	simm.s32 @!p0 $0x1BF5;
	p2 =	por !p2, p0  }
0x20: {  	[sflag:s8] =	ssyncset.s32 @!p0 $0xFFFFF086;
	s6 =	sadd.s32 @!p0 s3, s7;
	s7 =	simm.s32 @!p0 $0x108  }
0x21: {  	s3 =	sadd.s32 s3, s9;
	s6 =	sadd.s32 @!p0 $0x88, s6;
	s7 =	simm.s32 @p2 $0x1082  }
0x22: {  	[simem:s7], [sflag:s8] =	dma.local @!p0 [hbm:s6], $0xF7A  }
0x23: {  	s9 =	sor.u32 $0xD0000000, s2;
	s6 =	simm.s32 $0x108;
	_ =	swait.ge @!p0 [sflag:s8], $0x0  }
0x24: {  	s3 =	sadd.s32 $0x88, s3;
	s6 =	simm.s32 @!p1 $0x1082;
	[sflag:s4] =	ssyncset.s32 $0xFFFFF086  }
0x25: {  	[simem:s6], [sflag:s4] =	dma.local [hbm:s3], $0xF7A  }
0x26: {  	[smem:$0x3F9F] =	sst s1;
	(tag) =	ssettag s2;
	_ =	strace s9  }
0x27: {  	s1 =	sld [smem:$0x3FAF]  }
0x28: {  	s2 =	sld [smem:$0x3FB0]  }
0x29: {  	s4 =	sld [smem:$0x3FB2]  }
0x2a: {  	p0 =	seq.s32 s5, $0x0;
	s5 =	sld [smem:$0x3FB3]  }
0x2b: {  	s6 =	sld [smem:$0x3FB4]  }
0x2c: {  	s7 =	sld [smem:$0x3FB5]  }
0x2d: {  	s3 =	simm.s32 $0x108;
	s8 =	sld [smem:$0x3FB6]  }
0x2e: {  	s3 =	simm.s32 @!p0 $0x1082;
	s9 =	sld [smem:$0x3FB7]  }
0x2f: {  	lr =	sadd.s32 s0, s3;
	s0 =	sld [smem:$0x3FAE]  }
0x30: {  	s3 =	sld [smem:$0x3FB1]  }
0x31: {  	[smem:$0x3FBA] =	sst s10  }
0x32: {  	s10 =	sld [smem:$0x3FB8];
	_ =	sdelay $0x3  }
0x33: {  	p0 =	seq.s32 s10, $0x1;
	s10 =	sld [smem:$0x3FBA];
	_ =	sdelay $0x3  }
0x34: {  	[smem:$0x3FBA] =	sst s10  }
0x35: {  	s10 =	sld [smem:$0x3FB9];
	_ =	sdelay $0x3  }
0x36: {  	p1 =	seq.s32 s10, $0x1;
	s10 =	sld [smem:$0x3FBA];
	_ =	sdelay $0x3  }
0x37: {  	[smem:$0x3FBA] =	sst s10  }
0x38: {  	s10 =	sld [smem:$0x3FBB]  }
0x39: {  	_ = 	snop;
	(pc) =	sbr.ind lr, $3  }
0x3a: {  	_ = 	snop  }
0x3b: {  	_ = 	snop  }
0x3c: {  	p2 =	seq.s32 s10, $0x1;
	s10 =	sld [smem:$0x3FBA]  }
0x3d: {  	_ =	shalt  }
0x3e: {  	_ =	shalt  }
0x3f: {  	_ =	shalt  }
0x40: {  	_ =	shalt  }
0x41: {  	_ =	shalt  }
0x42: {  	_ =	shalt  }
0x43: {  	_ =	shalt  }
0x44: {  	_ =	shalt  }
0x45: {  	_ =	shalt  }
0x46: {  	_ =	shalt  }
0x47: {  	_ =	shalt  }
0x48: {  	_ =	shalt  }
0x49: {  	_ =	shalt  }
0x4a: {  	_ =	shalt  }
0x4b: {  	_ =	shalt  }
0x4c: {  	_ =	shalt  }
0x4d: {  	_ =	shalt  }
0x4e: {  	_ =	shalt  }
0x4f: {  	_ =	shalt  }
0x50: {  	_ =	shalt  }
0x51: {  	_ =	shalt  }
0x52: {  	_ =	shalt  }
0x53: {  	_ =	shalt  }
0x54: {  	_ =	shalt  }
0x55: {  	_ =	shalt  }
0x56: {  	_ =	shalt  }
0x57: {  	_ =	shalt  }
0x58: {  	_ =	shalt  }
0x59: {  	_ =	shalt  }
0x5a: {  	_ =	shalt  }
0x5b: {  	_ =	shalt  }
0x5c: {  	_ =	shalt  }
0x5d: {  	_ =	shalt  }
0x5e: {  	_ =	shalt  }
0x5f: {  	_ =	shalt  }
0x60: {  	_ =	shalt  }
0x61: {  	_ =	shalt  }
0x62: {  	_ =	shalt  }
0x63: {  	_ =	shalt  }
0x64: {  	_ =	shalt  }
0x65: {  	_ =	shalt  }
0x66: {  	_ =	shalt  }
0x67: {  	_ =	shalt  }
0x68: {  	_ =	shalt  }
0x69: {  	_ =	shalt  }
0x6a: {  	_ =	shalt  }
0x6b: {  	_ =	shalt  }
0x6c: {  	_ =	shalt  }
0x6d: {  	_ =	shalt  }
0x6e: {  	_ =	shalt  }
0x6f: {  	_ =	shalt  }
0x70: {  	_ =	shalt  }
0x71: {  	_ =	shalt  }
0x72: {  	_ =	shalt  }
0x73: {  	_ =	shalt  }
0x74: {  	_ =	shalt  }
0x75: {  	_ =	shalt  }
0x76: {  	_ =	shalt  }
0x77: {  	_ =	shalt  }
0x78: {  	_ =	shalt  }
0x79: {  	_ =	shalt  }
0x7a: {  	_ =	shalt  }
0x7b: {  	_ =	shalt  }
0x7c: {  	_ =	shalt  }
0x7d: {  	_ =	shalt  }
0x7e: {  	_ =	shalt  }
0x7f: {  	_ =	shalt  }
0x80: {  	_ =	shalt  }
0x81: {  	_ =	shalt  }
0x82: {  	_ =	shalt  }
0x83: {  	_ =	shalt  }
0x84: {  	_ =	shalt  }
0x85: {  	_ =	shalt  }
0x86: {  	_ =	shalt  }
0x87: {  	_ =	shalt  }
.Lfunc_end0:
.L_simem_size_0:
called_computation_lowered:
.L_overlay_start_0:
0x88: {  	s2 =	sld [smem:$0x3FD9]  }
0x89: {  	s3 =	sld [smem:$0x3FFE];
	_ =	sdelay $0x1  }
0x8a: {  	s1 =	srdreg.scid  }
0x8b: {  	s0 =	sand.u32 $0x1, s1  }
0x8c: {  	s18 =	sshll.u32 s0, $0xA;
	s2 =	sadd.s32 s3, s2  }
0x8d: {  	s2 =	sadd.s32 s2, s18  }
0x8e: {  	[smem:$0x3FC6] =	sst s2  }
0x8f: {  	_ = 	snop  }
0x90: {  	s2 =	sld [smem:$0x3FC9]  }
0x91: {  	s19 =	sld [smem:$0x3FC8]  }
0x92: {  	s4 =	sld [smem:$0x3FD0];
	(tm) =	ssettm $0x1  }
0x93: {  	s5 =	sld [smem:$0x3FFB];
	_ =	sdelay $0x3  }
0x94: {  	_ =	strace s5  }
0x95: {  	s5 =	sld [smem:$0x3FFC];
	_ =	sdelay $0x3  }
0x96: {  	_ =	strace s5  }
0x97: {  	s5 =	sld [smem:$0x3FFD];
	_ =	sdelay $0x3  }
0x98: {  	_ =	strace s5  }
0x99: {  	_ =	strace $0x8FFFFFFF  }
0x9a: {  	s20 =	sld [smem:$0x3FDB];
	_ =	sdelay $0x1  }
0x9b: {  	s6 =	simm.s32 $_scs_section_size  }
0x9c: {  	s7 =	simm.s32 $_size__tile_overlayer_lowered;
	s8 =	simm.s32 $_tile_overlayer_lowered  }
0x9d: {  	s23 =	simm.s32 $0x1BFF;
	s22 =	sshll.u32 s8, $0x1;
	s5 =	sadd.s32 s6, s20  }
0x9e: {  	s9 =	simm.s32 $0x0;
	s21 =	sshll.u32 s7, $0x1;
	s7 =	sadd.s32 s22, s5  }
0x9f: {  	[timem:s9], [sflag:s23] =	dma.local [hbm:s7], s21  }
0xa0: {  	_ =	swait.ge [sflag:s23], s21  }
0xa1: {  	s6 =	ssub.s32 $0x0, s21;
	[sflag:s23] =	ssyncset.done $0x0  }
0xa2: {  	[sflag:s23] =	ssyncadd.s32 s6;
	_ =	sdelay $0x1  }
0xa3: {  	s24 =	simm.s32 $0x1B8B  }
0xa4: {  	_ =	swait.ge [sflag:s24], $0x1  }
0xa5: {  	[sflag:s24] =	ssyncset.done $0x0  }
0xa6: {  	s25 =	simm.s32 $0x1B8E;
	[sflag:s24] =	ssyncadd.s32 $0xFFFFFFFF  }
0xa7: {  	s26 =	simm.s32 $execute0_lowered;
	[smem:$0x3FD2] =	sst s25  }
0xa8: {  	s6 =	sshll.u32 s26, $0x1;
	_ =	strace $0x80000046;
	[dreg:$0x1] =	wrdreg $0xFFFFFFFF  }
0xa9: {  	s28 =	simm.s32 $_size_execute0_lowered;
	s5 =	sadd.s32 s5, s6;
	[dreg:$0x0] =	wrdreg $0x0  }
0xaa: {  	s6 =	sshll.u32 s28, $0x1;
	[dreg:$0x2] =	wrdreg s5  }
0xab: {  	[dreg:$0x3] =	wrdreg s6  }
0xac: {  	[dreg:$0x4] =	wrdreg $0xC0  }
0xad: {  	_ =	task [dreg:s9], $0x5FFFF  }
0xae: {  	[dreg:$0x1] =	wrdreg $0xFFFFFFFF  }
0xaf: {  	[dreg:$0x0] =	wrdreg $0x60  }
0xb0: {  	[dreg:$0x2] =	wrdreg s2  }
0xb1: {  	[dreg:$0x3] =	wrdreg s19  }
0xb2: {  	[dreg:$0x4] =	wrdreg s4  }
0xb3: {  	[dreg:$0x5] =	wrdreg $0x9  }
0xb4: {  	_ =	task.clear_ibuf [dreg:s9], $0x6FFFF;
	_ =	strace $0x90000046  }
0xb5: {  	s29 =	simm.s32 $0x9;
	_ =	strace $0x80000048  }
0xb6: {  	_ =	swait.ge [sflag:s29], $0x1  }
0xb7: {  	[sflag:s29] =	ssyncadd.s32 $0xFFFFFFFF  }
0xb8: {  	_ =	strace $0x90000048  }
0xb9: {  	_ =	sfence  }
0xba: {  	s30 =	sld [smem:$0x0];
	_ =	sdelay $0x2  }
0xbb: {  	s31 =	sshll.u32 s1, $0xD;
	s1 =	sshrl.u32 s1, $0x2  }
0xbc: {  	s3 =	sand.u32 $0x4000, s31;
	s1 =	sadd.s32 s1, s30  }
0xbd: {  	s0 =	sor.u32 s3, s0;
	s1 =	sshll.u32 s1, $0x11  }
0xbe: {  	s0 =	sor.u32 s1, s0  }
0xbf: {  	s0 =	sadd.s32 $0x8F2B, s0  }
0xc0: {  	[sflag:s0] =	ssyncadd.remote.s32 $0x1  }
0xc1: {  	_ =	sfence.sel $0xFFFF  }
0xc2: {  	[dreg:$0x0] =	wrdreg $0xFFFFFFFF;
	(pc) =	sbr.abs _section_cstart, $3  }
0xc3: {  	[dreg:$0x1] =	wrdreg $0xFFFFFFFF  }
0xc4: {  	_ =	task.clear_ibuf [dreg:s9], $0x2FFFF;
	_ =	strace $0x9FFFFFFF  }
0xc5: {  	(tm) =	ssettm $0x7FFFFFFF  }
tec
execute0_lowered:
.L_overlay_start_1:
0x0: {  	(tag) =	ssettag $0x1  }
0x1: {  	s0 =	srdreg.scid;
	s2 =	rddreg [dreg:$0x0]  }
0x2: {  	s1 =	stileid.u32;
	s3 =	rddreg [dreg:$0x1]  }
0x3: {  	s4 =	rddreg [dreg:$0x2];
	s5 =	simm.s32 $0x0;
	s28 =	simm.s32 $0x1  }
0x4: {  	s29 =	simm.s32 $0x5;
	s0 =	sand.u32 $0x1, s0;
	s1 =	sshll.u32 s1, $0x1  }
0x5: {  	s31 =	simm.s32 $0x2;
	s20 =	simm.s32 $0x3;
	s1 =	sor.u32 s0, s1  }
0x6: {  	[smem:$0x7FF] =	sst s5;
	s0 =	ssub.s32 $0x2, s0;
	s1 =	smul.u32 $0x240, s1  }
0x7: {  	s21 =	simm.s32 $0x7;
	_ =	strace $0x80000047;
	s11 =	sshrl.u32 s0, $0x1  }
0x8: {  	s0 =	ssub.s32 s0, s11;
	s6 =	sadd.s32 $0x4800, s1;
	s9 =	sadd.s32 $0x4818, s1  }
0x9: {  	s10 =	sadd.s32 $0x4830, s1;
	s30 =	sadd.s32 $0x4848, s1;
	s16 =	sadd.s32 $0x4860, s1  }
0xa: {  	s17 =	sadd.s32 $0x4878, s1;
	s7 =	smov.u32 s6;
	s6 =	sshrl.u32 s6, $0x3  }
0xb: {  	s0 =	smax.u32 s0, $0x1;
	s8 =	smov.u32 s9;
	s6 =	smul.u32 $0x180, s6  }
0xc: {  	s9 =	sshrl.u32 s9, $0x3;
	s15 =	smov.u32 s10;
	[dreg:$0xa] =	wrdreg s30  }
0xd: {  	[dreg:$0xb] =	wrdreg s0;
	s9 =	smul.u32 $0x180, s9;
	s22 =	sadd.s32 s2, s6  }
0xe: {  	s10 =	sshrl.u32 s10, $0x3;
	s6 =	sadd.s32 s3, s6;
	[dreg:$0x4] =	wrdreg s22  }
0xf: {  	s10 =	smul.u32 $0x180, s10;
	s23 =	sadd.s32 s2, s9;
	[dreg:$0x5] =	wrdreg s6  }
0x10: {  	s18 =	sadd.s32 $0x4890, s1;
	s24 =	sadd.s32 s3, s9;
	[dreg:$0x6] =	wrdreg s23  }
0x11: {  	s1 =	simm.s32 $0x6;
	s25 =	sadd.s32 s2, s10;
	[dreg:$0x7] =	wrdreg s24  }
0x12: {  	s26 =	sadd.s32 s3, s10;
	s9 =	simm.s32 $0x0;
	[dreg:$0x8] =	wrdreg s25  }
0x13: {  	[dreg:$0x9] =	wrdreg s26;
	s23 =	simm.s32 $0x4;
	s24 =	simm.s32 $0x8  }
.LBB2_1:
0x14: {  	[dreg:$0xc] =	wrdreg s9  }
0x15: {  	s0 =	rddreg [dreg:$0x4]  }
0x16: {  	[tilespmem:s5], [sflag:$0x1] =	stream.linear.gather [hbm4b:s0+s5], $0x2400, $0x38;
	[tilespmem:$0x1B000] =	vst v63  }
0x17: {  	s11 =	rddreg [dreg:$0x5];
	s6 =	simm.s32 $0x9000  }
0x18: {  	[tilespmem:s6], [sflag:$0x5] =	stream.linear.gather [hbm4b:s11+s5], $0x2400, $0x38;
	[tilespmem:$0x1B000] =	vst v63  }
0x19: {  	s12 =	rddreg [dreg:$0x6];
	s13 =	simm.s32 $0x2400  }
0x1a: {  	[tilespmem:s13], [sflag:$0x2] =	stream.linear.gather [hbm4b:s12+s5], $0x2400, $0x38;
	[tilespmem:$0x1B000] =	vst v63  }
0x1b: {  	s14 =	rddreg [dreg:$0x7];
	s19 =	simm.s32 $0xB400  }
0x1c: {  	[tilespmem:s19], [sflag:$0x6] =	stream.linear.gather [hbm4b:s14+s5], $0x2400, $0x38;
	[tilespmem:$0x1B000] =	vst v63  }
0x1d: {  	s22 =	rddreg [dreg:$0x8];
	s25 =	simm.s32 $0x4800  }
0x1e: {  	[tilespmem:s25], [sflag:$0x3] =	stream.linear.gather [hbm4b:s22+s5], $0x2400, $0x38;
	[tilespmem:$0x1B000] =	vst v63  }
0x1f: {  	s26 =	rddreg [dreg:$0x9];
	s30 =	simm.s32 $0xD800;
	s19 =	simm.s32 $0x0  }
0x20: {  	[tilespmem:s30], [sflag:$0x7] =	stream.linear.gather [hbm4b:s26+s5], $0x2400, $0x38;
	[tilespmem:$0x1B000] =	vst v63  }
.LBB2_2:
0x21: {  	s11 =	smul.u32 $0x60, s19  }
0x22: {  	s0 =	rddreg [dreg:$0xa]  }
0x23: {  	s0 =	sadd.s32 s11, s0  }
0x24: {  	s0 =	sshrl.u32 s0, $0x3  }
0x25: {  	s10 =	smul.u32 $0x180, s0;
	_ =	sdelay $0x1  }
0x26: {  	s6 =	simm.s32 $0x6C00;
	s0 =	sadd.s32 s2, s10  }
0x27: {  	[tilespmem:s6], [sflag:$0x4] =	stream.linear.gather [hbm4b:s0+s5], $0x2400, $0x38;
	[tilespmem:$0x1B000] =	vst v63  }
0x28: {  	s14 =	simm.s32 $0xFC00;
	s13 =	sadd.s32 s3, s10  }
0x29: {  	[tilespmem:s14], [sflag:$0x8] =	stream.linear.gather [hbm4b:s13+s5], $0x2400, $0x38;
	[tilespmem:$0x1B000] =	vst v63  }
0x2a: {  	_ =	swait.ge [sflag:s28], $0x2400  }
0x2b: {  	[sflag:s28] =	ssyncset.done $0x0  }
0x2c: {  	[sflag:s28] =	ssyncadd.s32 $0xFFFFDC00  }
0x2d: {  	_ =	swait.ge [sflag:s29], $0x2400  }
0x2e: {  	p0 =	seq.s32 s19, $0x0;
	s12 =	simm.s32 $0x0;
	[sflag:s29] =	ssyncset.done $0x0  }
0x2f: {  	s22 =	simm.s32 $0x0;
	s6 =	simm.s32 @!p0 $0x9;
	[sflag:s29] =	ssyncadd.s32 $0xFFFFDC00  }
0x30: {  	s14 =	smul.u32 $0xC00, s22;
	s13 =	sand.u32 $0x300, s12;
	_ =	swait.ge @!p0 [sflag:s6], $0x2400  }
0x31: {  	s25 =	sor.u32 $0x80, s13;
	[sflag:s6] =	ssyncset.done @!p0 $0x0  }
0x32: {  	s22 =	sor.u32 s14, s25;
	[sflag:s6] =	ssyncadd.s32 @!p0 $0xFFFFDC00  }
0x33: {  	v0 =	vld [tilespmem:s22+$0x0]  }
0x34: {  	v1 =	vld [tilespmem:s22+$0x9000]  }
0x35: {  	v2 =	vld [tilespmem:s22+$0x10]  }
0x36: {  	v3 =	vld [tilespmem:s22+$0x9010]  }
0x37: {  	v4 =	vld [tilespmem:s22+$0x20]  }
0x38: {  	v5 =	vld [tilespmem:s22+$0x9020]  }
0x39: {  	v6 =	vld [tilespmem:s22+$0x30]  }
0x3a: {  	v7 =	vld [tilespmem:s22+$0x9030]  }
0x3b: {  	v8 =	vld [tilespmem:s22+$0x40]  }
0x3c: {  	v9 =	vld [tilespmem:s22+$0x9040]  }
0x3d: {  	v10 =	vld [tilespmem:s22+$0x50]  }
0x3e: {  	v11 =	vld [tilespmem:s22+$0x9050]  }
0x3f: {  	s9 =	sor.u32 s13, s14;
	v12 =	vld [tilespmem:s22+$0x60]  }
0x40: {  	v61 =	vld [tilespmem:s9+$0x9010]  }
0x41: {  	v25 =	vld [tilespmem:s9+$0x9030]  }
0x42: {  	v0 =	vadd.f32 v1, v0;
	v1 =	vld [tilespmem:s22+$0x9060]  }
0x43: {  	v2 =	vadd.f32 v3, v2;
	v3 =	vld [tilespmem:s22+$0x70]  }
0x44: {  	[tilespmem:s22+$0x12000] =	vst v0;
	v0 =	vadd.f32 v5, v4;
	v4 =	vld [tilespmem:s22+$0x9070]  }
0x45: {  	v27 =	vld [tilespmem:s9+$0x40];
	[tilespmem:s22+$0x12010] =	vst v2;
	v2 =	vadd.f32 v7, v6  }
0x46: {  	v28 =	vld [tilespmem:s9+$0x9040];
	[tilespmem:s22+$0x12020] =	vst v0;
	v0 =	vadd.f32 v9, v8  }
0x47: {  	v30 =	vld [tilespmem:s9+$0x50];
	[tilespmem:s22+$0x12030] =	vst v2;
	v2 =	vadd.f32 v11, v10  }
0x48: {  	v32 =	vld [tilespmem:s9+$0x60];
	[tilespmem:s22+$0x12040] =	vst v0;
	v0 =	vadd.f32 v1, v12  }
0x49: {  	v5 =	vld [tilespmem:s9+$0x0];
	[tilespmem:s22+$0x12050] =	vst v2;
	v2 =	vadd.f32 v4, v3  }
0x4a: {  	s26 =	sadd.s32 $0x400, s14;
	v1 =	vld [tilespmem:s9+$0x20];
	[tilespmem:s22+$0x12060] =	vst v0  }
0x4b: {  	s30 =	sor.u32 s25, s26;
	v3 =	vld [tilespmem:s9+$0x9020];
	[tilespmem:s22+$0x12070] =	vst v2  }
0x4c: {  	v2 =	vld [tilespmem:s30+$0x0]  }
0x4d: {  	v4 =	vld [tilespmem:s30+$0x9000]  }
0x4e: {  	v62 =	vld [tilespmem:s30+$0x10]  }
0x4f: {  	v63 =	vld [tilespmem:s30+$0x9010]  }
0x50: {  	v21 =	vld [tilespmem:s30+$0x20]  }
0x51: {  	v22 =	vld [tilespmem:s30+$0x9020]  }
0x52: {  	v13 =	vld [tilespmem:s30+$0x30]  }
0x53: {  	v14 =	vld [tilespmem:s30+$0x9030]  }
0x54: {  	v15 =	vld [tilespmem:s30+$0x40]  }
0x55: {  	v16 =	vld [tilespmem:s30+$0x9040]  }
0x56: {  	v17 =	vld [tilespmem:s30+$0x50]  }
0x57: {  	v18 =	vld [tilespmem:s30+$0x9050]  }
0x58: {  	v19 =	vld [tilespmem:s30+$0x60]  }
0x59: {  	v23 =	vld [tilespmem:s30+$0x70];
	v2 =	vadd.f32 v4, v2  }
0x5a: {  	v24 =	vld [tilespmem:s30+$0x9070];
	v9 =	vadd.f32 v63, v62  }
0x5b: {  	v4 =	vld [tilespmem:s30+$0x9060];
	v26 =	vadd.f32 v14, v13;
	[tilespmem:s30+$0x12000] =	vst v2  }
0x5c: {  	v6 =	vld [tilespmem:s9+$0x9000];
	v2 =	vadd.f32 v22, v21;
	[tilespmem:s30+$0x12010] =	vst v9  }
0x5d: {  	v7 =	vld [tilespmem:s9+$0x10];
	v29 =	vadd.f32 v18, v17;
	[tilespmem:s30+$0x12030] =	vst v26  }
0x5e: {  	v33 =	vld [tilespmem:s9+$0x70];
	[tilespmem:s30+$0x12020] =	vst v2;
	v2 =	vadd.f32 v16, v15  }
0x5f: {  	v0 =	vld [tilespmem:s9+$0x30];
	v31 =	vadd.f32 v24, v23;
	[tilespmem:s30+$0x12050] =	vst v29  }
0x60: {  	v1 =	vadd.f32 v3, v1;
	v3 =	vld [tilespmem:s9+$0x9070];
	[tilespmem:s30+$0x12040] =	vst v2;
	v2 =	vadd.f32 v4, v19  }
0x61: {  	s14 =	sadd.s32 $0x800, s14;
	v5 =	vadd.f32 v6, v5;
	[tilespmem:s30+$0x12070] =	vst v31;
	v4 =	vld [tilespmem:s9+$0x9050]  }
0x62: {  	s0 =	sor.u32 s25, s14;
	v7 =	vadd.f32 v61, v7;
	[tilespmem:s30+$0x12060] =	vst v2;
	v2 =	vld [tilespmem:s9+$0x9060]  }
0x63: {  	[tilespmem:s9+$0x12000] =	vst v5;
	v9 =	vld [tilespmem:s0+$0x70]  }
0x64: {  	[tilespmem:s9+$0x12010] =	vst v7;
	v0 =	vadd.f32 v25, v0;
	v6 =	vld [tilespmem:s0+$0x9070]  }
0x65: {  	[tilespmem:s9+$0x12020] =	vst v1;
	v1 =	vadd.f32 v28, v27;
	v5 =	vld [tilespmem:s0+$0x0]  }
0x66: {  	[tilespmem:s9+$0x12030] =	vst v0;
	v7 =	vld [tilespmem:s0+$0x9000];
	v0 =	vadd.f32 v4, v30  }
0x67: {  	[tilespmem:s9+$0x12040] =	vst v1;
	v50 =	vld [tilespmem:s0+$0x9030];
	v1 =	vadd.f32 v2, v32  }
0x68: {  	v52 =	vld [tilespmem:s0+$0x40];
	[tilespmem:s9+$0x12050] =	vst v0;
	v0 =	vadd.f32 v3, v33  }
0x69: {  	v54 =	vld [tilespmem:s0+$0x9040];
	[tilespmem:s9+$0x12060] =	vst v1  }
0x6a: {  	s6 =	sor.u32 s13, s26;
	v56 =	vld [tilespmem:s0+$0x50];
	[tilespmem:s9+$0x12070] =	vst v0  }
0x6b: {  	v34 =	vld [tilespmem:s6+$0x0]  }
0x6c: {  	v35 =	vld [tilespmem:s6+$0x9000]  }
0x6d: {  	v36 =	vld [tilespmem:s6+$0x10]  }
0x6e: {  	v37 =	vld [tilespmem:s6+$0x9010]  }
0x6f: {  	v38 =	vld [tilespmem:s6+$0x20]  }
0x70: {  	v39 =	vld [tilespmem:s6+$0x9020]  }
0x71: {  	v40 =	vld [tilespmem:s6+$0x30]  }
0x72: {  	v41 =	vld [tilespmem:s6+$0x9030]  }
0x73: {  	v42 =	vld [tilespmem:s6+$0x40]  }
0x74: {  	v43 =	vld [tilespmem:s6+$0x9040]  }
0x75: {  	v44 =	vld [tilespmem:s6+$0x50]  }
0x76: {  	v20 =	vld [tilespmem:s6+$0x9050]  }
0x77: {  	v21 =	vld [tilespmem:s6+$0x60]  }
0x78: {  	v45 =	vld [tilespmem:s6+$0x9060];
	v8 =	vadd.f32 v35, v34  }
0x79: {  	v46 =	vld [tilespmem:s6+$0x70];
	v11 =	vadd.f32 v37, v36  }
0x7a: {  	v48 =	vld [tilespmem:s6+$0x9070];
	v47 =	vadd.f32 v39, v38;
	[tilespmem:s6+$0x12000] =	vst v8  }
0x7b: {  	v58 =	vld [tilespmem:s0+$0x9050];
	v49 =	vadd.f32 v41, v40;
	[tilespmem:s6+$0x12010] =	vst v11  }
0x7c: {  	v59 =	vld [tilespmem:s0+$0x60];
	v51 =	vadd.f32 v43, v42;
	[tilespmem:s6+$0x12020] =	vst v47  }
0x7d: {  	v4 =	vld [tilespmem:s0+$0x10];
	v53 =	vadd.f32 v20, v44;
	[tilespmem:s6+$0x12030] =	vst v49  }
0x7e: {  	v2 =	vld [tilespmem:s0+$0x9010];
	v55 =	vadd.f32 v45, v21;
	[tilespmem:s6+$0x12040] =	vst v51  }
0x7f: {  	v3 =	vld [tilespmem:s0+$0x20];
	v57 =	vadd.f32 v48, v46;
	[tilespmem:s6+$0x12050] =	vst v53  }
0x80: {  	v1 =	vld [tilespmem:s0+$0x9020];
	[tilespmem:s6+$0x12060] =	vst v55  }
0x81: {  	s25 =	sor.u32 s13, s14;
	v0 =	vld [tilespmem:s0+$0x30];
	[tilespmem:s6+$0x12070] =	vst v57  }
0x82: {  	v6 =	vadd.f32 v6, v9;
	v61 =	vld [tilespmem:s25+$0x0]  }
0x83: {  	v5 =	vadd.f32 v7, v5;
	v62 =	vld [tilespmem:s25+$0x9000]  }
0x84: {  	v63 =	vadd.f32 v58, v56;
	[tilespmem:s0+$0x12070] =	vst v6;
	v7 =	vld [tilespmem:s25+$0x10]  }
0x85: {  	[tilespmem:s0+$0x12000] =	vst v5;
	v2 =	vadd.f32 v2, v4;
	v6 =	vld [tilespmem:s25+$0x9010]  }
0x86: {  	v60 =	vld [tilespmem:s0+$0x9060];
	[tilespmem:s0+$0x12050] =	vst v63;
	v0 =	vadd.f32 v50, v0  }
0x87: {  	v1 =	vadd.f32 v1, v3;
	[tilespmem:s0+$0x12010] =	vst v2;
	v3 =	vld [tilespmem:s25+$0x20]  }
0x88: {  	[tilespmem:s0+$0x12030] =	vst v0;
	v0 =	vadd.f32 v54, v52;
	v5 =	vld [tilespmem:s25+$0x9020]  }
0x89: {  	[tilespmem:s0+$0x12020] =	vst v1;
	v1 =	vld [tilespmem:s25+$0x30];
	v2 =	vadd.f32 v62, v61  }
0x8a: {  	v4 =	vld [tilespmem:s25+$0x9030];
	[tilespmem:s0+$0x12040] =	vst v0;
	v6 =	vadd.f32 v6, v7  }
0x8b: {  	v0 =	vld [tilespmem:s25+$0x40];
	v7 =	vadd.f32 v60, v59;
	[tilespmem:s25+$0x12000] =	vst v2  }
0x8c: {  	v2 =	vld [tilespmem:s25+$0x9040];
	[tilespmem:s25+$0x12010] =	vst v6  }
0x8d: {  	s14 =	simm.s32 $0x0;
	s13 =	sadd.s32 s7, s11;
	v5 =	vadd.f32 v5, v3;
	v3 =	vld [tilespmem:s25+$0x50];
	[tilespmem:s0+$0x12060] =	vst v7  }
.LBB2_3:
0x8e: {  	s14 =	sadd.s32 $0x2, s14;
	v6 =	vld [tilespmem:s25+$0x9050]  }
0x8f: {  	s12 =	sadd.s32 $0x100, s12;
	s0 =	sshrl.u32 s14, $0x3;
	p1 =	slt.u32 s14, $0x16;
	[tilespmem:s25+$0x12020] =	vst v5;
	v1 =	vadd.f32 v4, v1;
	v4 =	vld [tilespmem:s25+$0x60]  }
0x90: {  	s9 =	smul.u32 $0xC00, s0;
	s0 =	sand.u32 $0x300, s12;
	v5 =	vld [tilespmem:s25+$0x9060]  }
0x91: {  	s22 =	sor.u32 $0x80, s0;
	[tilespmem:s25+$0x12030] =	vst v1;
	v0 =	vadd.f32 v2, v0;
	v1 =	vld [tilespmem:s25+$0x70]  }
0x92: {  	s26 =	sor.u32 s0, s9;
	s6 =	sor.u32 s9, s22;
	v2 =	vld [tilespmem:s25+$0x9070]  }
0x93: {  	v7 =	vld [tilespmem:s6+$0x0];
	[tilespmem:s25+$0x12040] =	vst v0;
	v0 =	vadd.f32 v6, v3  }
0x94: {  	v3 =	vld [tilespmem:s6+$0x9000]  }
0x95: {  	v6 =	vld [tilespmem:s6+$0x10];
	[tilespmem:s25+$0x12050] =	vst v0;
	v0 =	vadd.f32 v5, v4  }
0x96: {  	v4 =	vld [tilespmem:s6+$0x9010]  }
0x97: {  	v5 =	vld [tilespmem:s6+$0x20];
	[tilespmem:s25+$0x12060] =	vst v0;
	v0 =	vadd.f32 v2, v1  }
0x98: {  	v1 =	vld [tilespmem:s6+$0x9020]  }
0x99: {  	v2 =	vld [tilespmem:s6+$0x30];
	[tilespmem:s25+$0x12070] =	vst v0  }
0x9a: {  	v0 =	vld [tilespmem:s6+$0x9030]  }
0x9b: {  	v8 =	vld [tilespmem:s6+$0x40]  }
0x9c: {  	v9 =	vld [tilespmem:s6+$0x9040]  }
0x9d: {  	v10 =	vld [tilespmem:s6+$0x50]  }
0x9e: {  	v11 =	vld [tilespmem:s6+$0x9050]  }
0x9f: {  	v12 =	vld [tilespmem:s6+$0x60]  }
0xa0: {  	v3 =	vadd.f32 v3, v7;
	v7 =	vld [tilespmem:s6+$0x9060]  }
0xa1: {  	v4 =	vadd.f32 v4, v6;
	v6 =	vld [tilespmem:s6+$0x70]  }
0xa2: {  	v1 =	vadd.f32 v1, v5;
	[tilespmem:s6+$0x12000] =	vst v3;
	v3 =	vld [tilespmem:s6+$0x9070]  }
0xa3: {  	v0 =	vadd.f32 v0, v2;
	v5 =	vld [tilespmem:s26+$0x0];
	[tilespmem:s6+$0x12010] =	vst v4  }
0xa4: {  	v2 =	vld [tilespmem:s26+$0x9000];
	[tilespmem:s6+$0x12020] =	vst v1;
	v1 =	vadd.f32 v9, v8  }
0xa5: {  	v4 =	vld [tilespmem:s26+$0x10];
	[tilespmem:s6+$0x12030] =	vst v0;
	v0 =	vadd.f32 v11, v10  }
0xa6: {  	v8 =	vld [tilespmem:s26+$0x9010];
	[tilespmem:s6+$0x12040] =	vst v1;
	v1 =	vadd.f32 v7, v12  }
0xa7: {  	v7 =	vld [tilespmem:s26+$0x20];
	[tilespmem:s6+$0x12050] =	vst v0;
	v0 =	vadd.f32 v3, v6  }
0xa8: {  	s25 =	sadd.s32 $0x400, s9;
	v3 =	vld [tilespmem:s26+$0x9020];
	[tilespmem:s6+$0x12060] =	vst v1  }
0xa9: {  	s30 =	sor.u32 s0, s25;
	v1 =	vadd.f32 v2, v5;
	v2 =	vld [tilespmem:s26+$0x30];
	[tilespmem:s6+$0x12070] =	vst v0;
	s6 =	sor.u32 s22, s25  }
0xaa: {  	v0 =	vld [tilespmem:s6+$0x0]  }
0xab: {  	[tilespmem:s26+$0x12000] =	vst v1;
	v1 =	vadd.f32 v8, v4;
	v4 =	vld [tilespmem:s6+$0x9000]  }
0xac: {  	v5 =	vld [tilespmem:s6+$0x10]  }
0xad: {  	[tilespmem:s26+$0x12010] =	vst v1;
	v1 =	vadd.f32 v3, v7;
	v3 =	vld [tilespmem:s6+$0x9010]  }
0xae: {  	v6 =	vld [tilespmem:s6+$0x20]  }
0xaf: {  	[tilespmem:s26+$0x12020] =	vst v1;
	v1 =	vld [tilespmem:s6+$0x9020]  }
0xb0: {  	v7 =	vld [tilespmem:s6+$0x30]  }
0xb1: {  	v8 =	vld [tilespmem:s6+$0x9030]  }
0xb2: {  	v9 =	vld [tilespmem:s6+$0x40]  }
0xb3: {  	v10 =	vld [tilespmem:s6+$0x9040]  }
0xb4: {  	v11 =	vld [tilespmem:s6+$0x50]  }
0xb5: {  	v12 =	vld [tilespmem:s6+$0x9050]  }
0xb6: {  	v13 =	vld [tilespmem:s6+$0x60]  }
0xb7: {  	v0 =	vadd.f32 v4, v0;
	v4 =	vld [tilespmem:s6+$0x9060]  }
0xb8: {  	v3 =	vadd.f32 v3, v5;
	v5 =	vld [tilespmem:s6+$0x70]  }
0xb9: {  	[tilespmem:s6+$0x12000] =	vst v0;
	v0 =	vadd.f32 v1, v6;
	v1 =	vld [tilespmem:s6+$0x9070]  }
0xba: {  	v6 =	vld [tilespmem:s26+$0x9030];
	[tilespmem:s6+$0x12010] =	vst v3;
	v3 =	vadd.f32 v8, v7  }
0xbb: {  	v7 =	vld [tilespmem:s26+$0x40];
	[tilespmem:s6+$0x12020] =	vst v0;
	v0 =	vadd.f32 v10, v9  }
0xbc: {  	v8 =	vld [tilespmem:s26+$0x9040];
	[tilespmem:s6+$0x12030] =	vst v3;
	v3 =	vadd.f32 v12, v11  }
0xbd: {  	v9 =	vld [tilespmem:s26+$0x50];
	[tilespmem:s6+$0x12040] =	vst v0;
	v0 =	vadd.f32 v4, v13  }
0xbe: {  	v4 =	vld [tilespmem:s26+$0x9050];
	[tilespmem:s6+$0x12050] =	vst v3;
	v1 =	vadd.f32 v1, v5  }
0xbf: {  	s9 =	sadd.s32 $0x800, s9;
	v2 =	vadd.f32 v6, v2;
	v3 =	vld [tilespmem:s26+$0x60];
	[tilespmem:s6+$0x12060] =	vst v0  }
0xc0: {  	s25 =	sor.u32 s0, s9;
	s0 =	sor.u32 s22, s9;
	v0 =	vld [tilespmem:s26+$0x9060];
	[tilespmem:s6+$0x12070] =	vst v1  }
0xc1: {  	[tilespmem:s26+$0x12030] =	vst v2;
	v1 =	vadd.f32 v8, v7;
	v2 =	vld [tilespmem:s0+$0x70]  }
0xc2: {  	v5 =	vld [tilespmem:s0+$0x9070]  }
0xc3: {  	[tilespmem:s26+$0x12040] =	vst v1;
	v1 =	vadd.f32 v4, v9;
	v4 =	vld [tilespmem:s26+$0x70]  }
0xc4: {  	v6 =	vld [tilespmem:s26+$0x9070]  }
0xc5: {  	[tilespmem:s26+$0x12050] =	vst v1;
	v0 =	vadd.f32 v0, v3;
	v1 =	vld [tilespmem:s0+$0x0]  }
0xc6: {  	v3 =	vld [tilespmem:s0+$0x9000]  }
0xc7: {  	[tilespmem:s26+$0x12060] =	vst v0;
	v0 =	vld [tilespmem:s0+$0x10];
	v2 =	vadd.f32 v5, v2  }
0xc8: {  	v5 =	vld [tilespmem:s0+$0x9010]  }
0xc9: {  	v4 =	vadd.f32 v6, v4;
	v6 =	vld [tilespmem:s0+$0x20];
	[tilespmem:s0+$0x12070] =	vst v2  }
0xca: {  	v2 =	vld [tilespmem:s0+$0x9020]  }
0xcb: {  	[tilespmem:s26+$0x12070] =	vst v4;
	v1 =	vadd.f32 v3, v1;
	v3 =	vld [tilespmem:s0+$0x30]  }
0xcc: {  	v4 =	vld [tilespmem:s30+$0x0]  }
0xcd: {  	v7 =	vld [tilespmem:s30+$0x9000];
	[tilespmem:s0+$0x12000] =	vst v1;
	v0 =	vadd.f32 v5, v0  }
0xce: {  	v1 =	vld [tilespmem:s30+$0x10]  }
0xcf: {  	v5 =	vld [tilespmem:s30+$0x9010];
	[tilespmem:s0+$0x12010] =	vst v0;
	v0 =	vadd.f32 v2, v6  }
0xd0: {  	v2 =	vld [tilespmem:s30+$0x20]  }
0xd1: {  	v6 =	vld [tilespmem:s30+$0x9020];
	[tilespmem:s0+$0x12020] =	vst v0  }
0xd2: {  	v0 =	vadd.f32 v7, v4;
	v4 =	vld [tilespmem:s30+$0x30]  }
0xd3: {  	v7 =	vld [tilespmem:s30+$0x9030]  }
0xd4: {  	[tilespmem:s30+$0x12000] =	vst v0;
	v0 =	vadd.f32 v5, v1;
	v1 =	vld [tilespmem:s30+$0x40]  }
0xd5: {  	v5 =	vld [tilespmem:s30+$0x9040]  }
0xd6: {  	[tilespmem:s30+$0x12010] =	vst v0;
	v0 =	vadd.f32 v6, v2;
	v2 =	vld [tilespmem:s30+$0x50]  }
0xd7: {  	v6 =	vld [tilespmem:s30+$0x9050]  }
0xd8: {  	[tilespmem:s30+$0x12020] =	vst v0;
	v0 =	vadd.f32 v7, v4;
	v4 =	vld [tilespmem:s30+$0x60]  }
0xd9: {  	v7 =	vld [tilespmem:s30+$0x9060]  }
0xda: {  	[tilespmem:s30+$0x12030] =	vst v0;
	v0 =	vadd.f32 v5, v1;
	v1 =	vld [tilespmem:s30+$0x70]  }
0xdb: {  	v5 =	vld [tilespmem:s30+$0x9070]  }
0xdc: {  	[tilespmem:s30+$0x12040] =	vst v0;
	v0 =	vadd.f32 v6, v2;
	v2 =	vld [tilespmem:s0+$0x9030]  }
0xdd: {  	v6 =	vld [tilespmem:s0+$0x40]  }
0xde: {  	[tilespmem:s30+$0x12050] =	vst v0;
	v0 =	vadd.f32 v7, v4;
	v4 =	vld [tilespmem:s0+$0x9040]  }
0xdf: {  	v7 =	vld [tilespmem:s0+$0x50]  }
0xe0: {  	[tilespmem:s30+$0x12060] =	vst v0;
	v0 =	vadd.f32 v5, v1;
	v1 =	vld [tilespmem:s0+$0x9050]  }
0xe1: {  	v2 =	vadd.f32 v2, v3;
	v3 =	vld [tilespmem:s0+$0x60]  }
0xe2: {  	[tilespmem:s30+$0x12070] =	vst v0;
	v0 =	vld [tilespmem:s0+$0x9060]  }
0xe3: {  	v5 =	vld [tilespmem:s25+$0x0];
	[tilespmem:s0+$0x12030] =	vst v2;
	v2 =	vadd.f32 v4, v6  }
0xe4: {  	v4 =	vld [tilespmem:s25+$0x9000]  }
0xe5: {  	v6 =	vld [tilespmem:s25+$0x10];
	[tilespmem:s0+$0x12040] =	vst v2;
	v1 =	vadd.f32 v1, v7  }
0xe6: {  	v2 =	vld [tilespmem:s25+$0x9010]  }
0xe7: {  	v7 =	vld [tilespmem:s25+$0x20];
	[tilespmem:s0+$0x12050] =	vst v1;
	v0 =	vadd.f32 v0, v3  }
0xe8: {  	v3 =	vld [tilespmem:s25+$0x9020]  }
.Ltmp0:
0xe9: {  	v5 =	vadd.f32 v4, v5;
	v1 =	vld [tilespmem:s25+$0x30];
	[tilespmem:s0+$0x12060] =	vst v0;
	(pc) =	sbr.rel @p1 .LBB2_3-.Ltmp0, $4  }
0xea: {  	v4 =	vld [tilespmem:s25+$0x9030]  }
0xeb: {  	[tilespmem:s25+$0x12000] =	vst v5;
	v5 =	vadd.f32 v2, v6;
	v0 =	vld [tilespmem:s25+$0x40]  }
0xec: {  	v2 =	vld [tilespmem:s25+$0x9040]  }
0xed: {  	[tilespmem:s25+$0x12010] =	vst v5;
	v5 =	vadd.f32 v3, v7;
	v3 =	vld [tilespmem:s25+$0x50]  }
0xee: {  	v6 =	vld [tilespmem:s25+$0x9050]  }
0xef: {  	v7 =	vld [tilespmem:s25+$0x9070]  }
0xf0: {  	v1 =	vadd.f32 v4, v1;
	v4 =	vld [tilespmem:s25+$0x60]  }
0xf1: {  	[tilespmem:s25+$0x12020] =	vst v5;
	v5 =	vld [tilespmem:s25+$0x9060]  }
0xf2: {  	[tilespmem:s25+$0x12030] =	vst v1;
	v1 =	vld [tilespmem:s25+$0x70];
	_ =	sdelay $0x1  }
0xf3: {  	v0 =	vadd.f32 v2, v0  }
0xf4: {  	v2 =	vadd.f32 v6, v3  }
0xf5: {  	s0 =	sshrl.u32 s13, $0x3;
	p1 =	seq.s32 s19, $0x5;
	[tilespmem:s25+$0x12040] =	vst v0;
	v0 =	vadd.f32 v5, v4  }
0xf6: {  	s0 =	smul.u32 $0x180, s0;
	s6 =	sadd.s32 @!p1 s11, s16;
	[tilespmem:s25+$0x12050] =	vst v2;
	v1 =	vadd.f32 v7, v1  }
0xf7: {  	s6 =	sshrl.u32 @!p1 s6, $0x3;
	[tilespmem:s25+$0x12060] =	vst v0  }
0xf8: {  	s9 =	simm.s32 $0x12000;
	s0 =	sadd.s32 s4, s0;
	s6 =	smul.u32 @!p1 $0x180, s6;
	[tilespmem:s25+$0x12070] =	vst v1  }
0xf9: {  	[hbm4b:s0+s5] =	stream.linear.scatter [tilespmem:s9], [sflag:$0x9], $0x2400, $0x38;
	[tilespmem:$0x1B000] =	vst v63  }
0xfa: {  	s0 =	sadd.s32 @!p1 s2, s6;
	s9 =	simm.s32 @!p1 $0x0  }
0xfb: {  	[tilespmem:s9], [sflag:$0x1] =	stream.linear.gather @!p1 [hbm4b:s0+s9], $0x2400, $0x38;
	[tilespmem:$0x1B000] =	vst v63  }
0xfc: {  	s0 =	sadd.s32 @!p1 s3, s6;
	s6 =	simm.s32 @!p1 $0x9000  }
0xfd: {  	[tilespmem:s6], [sflag:$0x5] =	stream.linear.gather @!p1 [hbm4b:s0+s9], $0x2400, $0x38;
	[tilespmem:$0x1B000] =	vst v63  }
0xfe: {  	_ =	swait.ge [sflag:s31], $0x2400  }
0xff: {  	[sflag:s31] =	ssyncset.done $0x0  }
0x100: {  	[sflag:s31] =	ssyncadd.s32 $0xFFFFDC00  }
0x101: {  	_ =	swait.ge [sflag:s1], $0x2400  }
0x102: {  	s12 =	simm.s32 $0x0;
	[sflag:s1] =	ssyncset.done $0x0  }
0x103: {  	s30 =	simm.s32 $0x0;
	s6 =	simm.s32 @!p0 $0xA;
	[sflag:s1] =	ssyncadd.s32 $0xFFFFDC00  }
0x104: {  	s14 =	smul.u32 $0xC00, s30;
	s13 =	sand.u32 $0x300, s12;
	_ =	swait.ge @!p0 [sflag:s6], $0x2400  }
0x105: {  	s9 =	sor.u32 $0x80, s13;
	[sflag:s6] =	ssyncset.done @!p0 $0x0  }
0x106: {  	s22 =	sor.u32 s14, s9;
	[sflag:s6] =	ssyncadd.s32 @!p0 $0xFFFFDC00  }
0x107: {  	v0 =	vld [tilespmem:s22+$0x2400]  }
0x108: {  	v1 =	vld [tilespmem:s22+$0xB400]  }
0x109: {  	v2 =	vld [tilespmem:s22+$0x2410]  }
0x10a: {  	v3 =	vld [tilespmem:s22+$0xB410]  }
0x10b: {  	v4 =	vld [tilespmem:s22+$0x2420]  }
0x10c: {  	v5 =	vld [tilespmem:s22+$0xB420]  }
0x10d: {  	v6 =	vld [tilespmem:s22+$0x2430]  }
0x10e: {  	v7 =	vld [tilespmem:s22+$0xB430]  }
0x10f: {  	v8 =	vld [tilespmem:s22+$0x2440]  }
0x110: {  	v9 =	vld [tilespmem:s22+$0xB440]  }
0x111: {  	v10 =	vld [tilespmem:s22+$0x2450]  }
0x112: {  	v11 =	vld [tilespmem:s22+$0xB450]  }
0x113: {  	s25 =	sor.u32 s13, s14;
	v12 =	vld [tilespmem:s22+$0x2460]  }
0x114: {  	v61 =	vld [tilespmem:s25+$0xB410]  }
0x115: {  	v25 =	vld [tilespmem:s25+$0xB430]  }
0x116: {  	v0 =	vadd.f32 v1, v0;
	v1 =	vld [tilespmem:s22+$0xB460]  }
0x117: {  	v2 =	vadd.f32 v3, v2;
	v3 =	vld [tilespmem:s22+$0x2470]  }
0x118: {  	[tilespmem:s22+$0x14400] =	vst v0;
	v0 =	vadd.f32 v5, v4;
	v4 =	vld [tilespmem:s22+$0xB470]  }
0x119: {  	v27 =	vld [tilespmem:s25+$0x2440];
	[tilespmem:s22+$0x14410] =	vst v2;
	v2 =	vadd.f32 v7, v6  }
0x11a: {  	v28 =	vld [tilespmem:s25+$0xB440];
	[tilespmem:s22+$0x14420] =	vst v0;
	v0 =	vadd.f32 v9, v8  }
0x11b: {  	v30 =	vld [tilespmem:s25+$0x2450];
	[tilespmem:s22+$0x14430] =	vst v2;
	v2 =	vadd.f32 v11, v10  }
0x11c: {  	v32 =	vld [tilespmem:s25+$0x2460];
	[tilespmem:s22+$0x14440] =	vst v0;
	v0 =	vadd.f32 v1, v12  }
0x11d: {  	v5 =	vld [tilespmem:s25+$0x2400];
	[tilespmem:s22+$0x14450] =	vst v2;
	v2 =	vadd.f32 v4, v3  }
0x11e: {  	s26 =	sadd.s32 $0x400, s14;
	v1 =	vld [tilespmem:s25+$0x2420];
	[tilespmem:s22+$0x14460] =	vst v0  }
0x11f: {  	s30 =	sor.u32 s9, s26;
	v3 =	vld [tilespmem:s25+$0xB420];
	[tilespmem:s22+$0x14470] =	vst v2  }
0x120: {  	v2 =	vld [tilespmem:s30+$0x2400]  }
0x121: {  	v4 =	vld [tilespmem:s30+$0xB400]  }
0x122: {  	v62 =	vld [tilespmem:s30+$0x2410]  }
0x123: {  	v63 =	vld [tilespmem:s30+$0xB410]  }
0x124: {  	v21 =	vld [tilespmem:s30+$0x2420]  }
0x125: {  	v22 =	vld [tilespmem:s30+$0xB420]  }
0x126: {  	v13 =	vld [tilespmem:s30+$0x2430]  }
0x127: {  	v14 =	vld [tilespmem:s30+$0xB430]  }
0x128: {  	v15 =	vld [tilespmem:s30+$0x2440]  }
0x129: {  	v16 =	vld [tilespmem:s30+$0xB440]  }
0x12a: {  	v17 =	vld [tilespmem:s30+$0x2450]  }
0x12b: {  	v18 =	vld [tilespmem:s30+$0xB450]  }
0x12c: {  	v19 =	vld [tilespmem:s30+$0x2460]  }
0x12d: {  	v23 =	vld [tilespmem:s30+$0x2470];
	v2 =	vadd.f32 v4, v2  }
0x12e: {  	v24 =	vld [tilespmem:s30+$0xB470];
	v9 =	vadd.f32 v63, v62  }
0x12f: {  	v4 =	vld [tilespmem:s30+$0xB460];
	v26 =	vadd.f32 v14, v13;
	[tilespmem:s30+$0x14400] =	vst v2  }
0x130: {  	v6 =	vld [tilespmem:s25+$0xB400];
	v2 =	vadd.f32 v22, v21;
	[tilespmem:s30+$0x14410] =	vst v9  }
0x131: {  	v7 =	vld [tilespmem:s25+$0x2410];
	v29 =	vadd.f32 v18, v17;
	[tilespmem:s30+$0x14430] =	vst v26  }
0x132: {  	v33 =	vld [tilespmem:s25+$0x2470];
	[tilespmem:s30+$0x14420] =	vst v2;
	v2 =	vadd.f32 v16, v15  }
0x133: {  	v0 =	vld [tilespmem:s25+$0x2430];
	v31 =	vadd.f32 v24, v23;
	[tilespmem:s30+$0x14450] =	vst v29  }
0x134: {  	v1 =	vadd.f32 v3, v1;
	v3 =	vld [tilespmem:s25+$0xB470];
	[tilespmem:s30+$0x14440] =	vst v2;
	v2 =	vadd.f32 v4, v19  }
0x135: {  	s14 =	sadd.s32 $0x800, s14;
	v5 =	vadd.f32 v6, v5;
	[tilespmem:s30+$0x14470] =	vst v31;
	v4 =	vld [tilespmem:s25+$0xB450]  }
0x136: {  	s0 =	sor.u32 s9, s14;
	v7 =	vadd.f32 v61, v7;
	[tilespmem:s30+$0x14460] =	vst v2;
	v2 =	vld [tilespmem:s25+$0xB460]  }
0x137: {  	[tilespmem:s25+$0x14400] =	vst v5;
	v9 =	vld [tilespmem:s0+$0x2470]  }
0x138: {  	[tilespmem:s25+$0x14410] =	vst v7;
	v0 =	vadd.f32 v25, v0;
	v6 =	vld [tilespmem:s0+$0xB470]  }
0x139: {  	[tilespmem:s25+$0x14420] =	vst v1;
	v1 =	vadd.f32 v28, v27;
	v5 =	vld [tilespmem:s0+$0x2400]  }
0x13a: {  	[tilespmem:s25+$0x14430] =	vst v0;
	v7 =	vld [tilespmem:s0+$0xB400];
	v0 =	vadd.f32 v4, v30  }
0x13b: {  	[tilespmem:s25+$0x14440] =	vst v1;
	v50 =	vld [tilespmem:s0+$0xB430];
	v1 =	vadd.f32 v2, v32  }
0x13c: {  	v52 =	vld [tilespmem:s0+$0x2440];
	[tilespmem:s25+$0x14450] =	vst v0;
	v0 =	vadd.f32 v3, v33  }
0x13d: {  	v54 =	vld [tilespmem:s0+$0xB440];
	[tilespmem:s25+$0x14460] =	vst v1  }
0x13e: {  	s6 =	sor.u32 s13, s26;
	v56 =	vld [tilespmem:s0+$0x2450];
	[tilespmem:s25+$0x14470] =	vst v0  }
0x13f: {  	v34 =	vld [tilespmem:s6+$0x2400]  }
0x140: {  	v35 =	vld [tilespmem:s6+$0xB400]  }
0x141: {  	v36 =	vld [tilespmem:s6+$0x2410]  }
0x142: {  	v37 =	vld [tilespmem:s6+$0xB410]  }
0x143: {  	v38 =	vld [tilespmem:s6+$0x2420]  }
0x144: {  	v39 =	vld [tilespmem:s6+$0xB420]  }
0x145: {  	v40 =	vld [tilespmem:s6+$0x2430]  }
0x146: {  	v41 =	vld [tilespmem:s6+$0xB430]  }
0x147: {  	v42 =	vld [tilespmem:s6+$0x2440]  }
0x148: {  	v43 =	vld [tilespmem:s6+$0xB440]  }
0x149: {  	v44 =	vld [tilespmem:s6+$0x2450]  }
0x14a: {  	v20 =	vld [tilespmem:s6+$0xB450]  }
0x14b: {  	v21 =	vld [tilespmem:s6+$0x2460]  }
0x14c: {  	v45 =	vld [tilespmem:s6+$0xB460];
	v8 =	vadd.f32 v35, v34  }
0x14d: {  	v46 =	vld [tilespmem:s6+$0x2470];
	v11 =	vadd.f32 v37, v36  }
0x14e: {  	v48 =	vld [tilespmem:s6+$0xB470];
	v47 =	vadd.f32 v39, v38;
	[tilespmem:s6+$0x14400] =	vst v8  }
0x14f: {  	v58 =	vld [tilespmem:s0+$0xB450];
	v49 =	vadd.f32 v41, v40;
	[tilespmem:s6+$0x14410] =	vst v11  }
0x150: {  	v59 =	vld [tilespmem:s0+$0x2460];
	v51 =	vadd.f32 v43, v42;
	[tilespmem:s6+$0x14420] =	vst v47  }
0x151: {  	v4 =	vld [tilespmem:s0+$0x2410];
	v53 =	vadd.f32 v20, v44;
	[tilespmem:s6+$0x14430] =	vst v49  }
0x152: {  	v2 =	vld [tilespmem:s0+$0xB410];
	v55 =	vadd.f32 v45, v21;
	[tilespmem:s6+$0x14440] =	vst v51  }
0x153: {  	v3 =	vld [tilespmem:s0+$0x2420];
	v57 =	vadd.f32 v48, v46;
	[tilespmem:s6+$0x14450] =	vst v53  }
0x154: {  	v1 =	vld [tilespmem:s0+$0xB420];
	[tilespmem:s6+$0x14460] =	vst v55  }
0x155: {  	v0 =	vld [tilespmem:s0+$0x2430];
	s25 =	sor.u32 s13, s14;
	[tilespmem:s6+$0x14470] =	vst v57  }
0x156: {  	v6 =	vadd.f32 v6, v9;
	v61 =	vld [tilespmem:s25+$0x2400]  }
0x157: {  	v5 =	vadd.f32 v7, v5;
	v62 =	vld [tilespmem:s25+$0xB400]  }
0x158: {  	v63 =	vadd.f32 v58, v56;
	[tilespmem:s0+$0x14470] =	vst v6;
	v7 =	vld [tilespmem:s25+$0x2410]  }
0x159: {  	[tilespmem:s0+$0x14400] =	vst v5;
	v2 =	vadd.f32 v2, v4;
	v6 =	vld [tilespmem:s25+$0xB410]  }
0x15a: {  	v60 =	vld [tilespmem:s0+$0xB460];
	[tilespmem:s0+$0x14450] =	vst v63;
	v0 =	vadd.f32 v50, v0  }
0x15b: {  	v1 =	vadd.f32 v1, v3;
	[tilespmem:s0+$0x14410] =	vst v2;
	v3 =	vld [tilespmem:s25+$0x2420]  }
0x15c: {  	[tilespmem:s0+$0x14430] =	vst v0;
	v0 =	vadd.f32 v54, v52;
	v5 =	vld [tilespmem:s25+$0xB420]  }
0x15d: {  	[tilespmem:s0+$0x14420] =	vst v1;
	v1 =	vld [tilespmem:s25+$0x2430];
	v2 =	vadd.f32 v62, v61  }
0x15e: {  	v4 =	vld [tilespmem:s25+$0xB430];
	[tilespmem:s0+$0x14440] =	vst v0;
	v6 =	vadd.f32 v6, v7  }
0x15f: {  	v0 =	vld [tilespmem:s25+$0x2440];
	v7 =	vadd.f32 v60, v59;
	[tilespmem:s25+$0x14400] =	vst v2  }
0x160: {  	v2 =	vld [tilespmem:s25+$0xB440];
	[tilespmem:s25+$0x14410] =	vst v6  }
0x161: {  	s13 =	sadd.s32 s11, s8;
	s14 =	simm.s32 $0x0;
	v5 =	vadd.f32 v5, v3;
	v3 =	vld [tilespmem:s25+$0x2450];
	[tilespmem:s0+$0x14460] =	vst v7  }
.LBB2_5:
0x162: {  	s14 =	sadd.s32 $0x2, s14;
	v6 =	vld [tilespmem:s25+$0xB450]  }
0x163: {  	s12 =	sadd.s32 $0x100, s12;
	s0 =	sshrl.u32 s14, $0x3;
	p2 =	slt.u32 s14, $0x16;
	[tilespmem:s25+$0x14420] =	vst v5;
	v1 =	vadd.f32 v4, v1;
	v4 =	vld [tilespmem:s25+$0x2460]  }
0x164: {  	s9 =	smul.u32 $0xC00, s0;
	s0 =	sand.u32 $0x300, s12;
	v5 =	vld [tilespmem:s25+$0xB460]  }
0x165: {  	s22 =	sor.u32 $0x80, s0;
	[tilespmem:s25+$0x14430] =	vst v1;
	v0 =	vadd.f32 v2, v0;
	v1 =	vld [tilespmem:s25+$0x2470]  }
0x166: {  	s26 =	sor.u32 s0, s9;
	s6 =	sor.u32 s9, s22;
	v2 =	vld [tilespmem:s25+$0xB470]  }
0x167: {  	v7 =	vld [tilespmem:s6+$0x2400];
	[tilespmem:s25+$0x14440] =	vst v0;
	v0 =	vadd.f32 v6, v3  }
0x168: {  	v3 =	vld [tilespmem:s6+$0xB400]  }
0x169: {  	v6 =	vld [tilespmem:s6+$0x2410];
	[tilespmem:s25+$0x14450] =	vst v0;
	v0 =	vadd.f32 v5, v4  }
0x16a: {  	v4 =	vld [tilespmem:s6+$0xB410]  }
0x16b: {  	v5 =	vld [tilespmem:s6+$0x2420];
	[tilespmem:s25+$0x14460] =	vst v0;
	v0 =	vadd.f32 v2, v1  }
0x16c: {  	v1 =	vld [tilespmem:s6+$0xB420]  }
0x16d: {  	v2 =	vld [tilespmem:s6+$0x2430];
	[tilespmem:s25+$0x14470] =	vst v0  }
0x16e: {  	v0 =	vld [tilespmem:s6+$0xB430]  }
0x16f: {  	v8 =	vld [tilespmem:s6+$0x2440]  }
0x170: {  	v9 =	vld [tilespmem:s6+$0xB440]  }
0x171: {  	v10 =	vld [tilespmem:s6+$0x2450]  }
0x172: {  	v11 =	vld [tilespmem:s6+$0xB450]  }
0x173: {  	v12 =	vld [tilespmem:s6+$0x2460]  }
0x174: {  	v3 =	vadd.f32 v3, v7;
	v7 =	vld [tilespmem:s6+$0xB460]  }
0x175: {  	v4 =	vadd.f32 v4, v6;
	v6 =	vld [tilespmem:s6+$0x2470]  }
0x176: {  	v1 =	vadd.f32 v1, v5;
	[tilespmem:s6+$0x14400] =	vst v3;
	v3 =	vld [tilespmem:s6+$0xB470]  }
0x177: {  	v0 =	vadd.f32 v0, v2;
	v5 =	vld [tilespmem:s26+$0x2400];
	[tilespmem:s6+$0x14410] =	vst v4  }
0x178: {  	v2 =	vld [tilespmem:s26+$0xB400];
	[tilespmem:s6+$0x14420] =	vst v1;
	v1 =	vadd.f32 v9, v8  }
0x179: {  	v4 =	vld [tilespmem:s26+$0x2410];
	[tilespmem:s6+$0x14430] =	vst v0;
	v0 =	vadd.f32 v11, v10  }
0x17a: {  	v8 =	vld [tilespmem:s26+$0xB410];
	[tilespmem:s6+$0x14440] =	vst v1;
	v1 =	vadd.f32 v7, v12  }
0x17b: {  	v7 =	vld [tilespmem:s26+$0x2420];
	[tilespmem:s6+$0x14450] =	vst v0;
	v0 =	vadd.f32 v3, v6  }
0x17c: {  	s25 =	sadd.s32 $0x400, s9;
	v3 =	vld [tilespmem:s26+$0xB420];
	[tilespmem:s6+$0x14460] =	vst v1  }
0x17d: {  	s30 =	sor.u32 s0, s25;
	v1 =	vadd.f32 v2, v5;
	v2 =	vld [tilespmem:s26+$0x2430];
	[tilespmem:s6+$0x14470] =	vst v0;
	s6 =	sor.u32 s22, s25  }
0x17e: {  	v0 =	vld [tilespmem:s6+$0x2400]  }
0x17f: {  	[tilespmem:s26+$0x14400] =	vst v1;
	v1 =	vadd.f32 v8, v4;
	v4 =	vld [tilespmem:s6+$0xB400]  }
0x180: {  	v5 =	vld [tilespmem:s6+$0x2410]  }
0x181: {  	[tilespmem:s26+$0x14410] =	vst v1;
	v1 =	vadd.f32 v3, v7;
	v3 =	vld [tilespmem:s6+$0xB410]  }
0x182: {  	v6 =	vld [tilespmem:s6+$0x2420]  }
0x183: {  	[tilespmem:s26+$0x14420] =	vst v1;
	v1 =	vld [tilespmem:s6+$0xB420]  }
0x184: {  	v7 =	vld [tilespmem:s6+$0x2430]  }
0x185: {  	v8 =	vld [tilespmem:s6+$0xB430]  }
0x186: {  	v9 =	vld [tilespmem:s6+$0x2440]  }
0x187: {  	v10 =	vld [tilespmem:s6+$0xB440]  }
0x188: {  	v11 =	vld [tilespmem:s6+$0x2450]  }
0x189: {  	v12 =	vld [tilespmem:s6+$0xB450]  }
0x18a: {  	v13 =	vld [tilespmem:s6+$0x2460]  }
0x18b: {  	v0 =	vadd.f32 v4, v0;
	v4 =	vld [tilespmem:s6+$0xB460]  }
0x18c: {  	v3 =	vadd.f32 v3, v5;
	v5 =	vld [tilespmem:s6+$0x2470]  }
0x18d: {  	[tilespmem:s6+$0x14400] =	vst v0;
	v0 =	vadd.f32 v1, v6;
	v1 =	vld [tilespmem:s6+$0xB470]  }
0x18e: {  	v6 =	vld [tilespmem:s26+$0xB430];
	[tilespmem:s6+$0x14410] =	vst v3;
	v3 =	vadd.f32 v8, v7  }
0x18f: {  	v7 =	vld [tilespmem:s26+$0x2440];
	[tilespmem:s6+$0x14420] =	vst v0;
	v0 =	vadd.f32 v10, v9  }
0x190: {  	v8 =	vld [tilespmem:s26+$0xB440];
	[tilespmem:s6+$0x14430] =	vst v3;
	v3 =	vadd.f32 v12, v11  }
0x191: {  	v9 =	vld [tilespmem:s26+$0x2450];
	[tilespmem:s6+$0x14440] =	vst v0;
	v0 =	vadd.f32 v4, v13  }
0x192: {  	v4 =	vld [tilespmem:s26+$0xB450];
	[tilespmem:s6+$0x14450] =	vst v3;
	v1 =	vadd.f32 v1, v5  }
0x193: {  	s9 =	sadd.s32 $0x800, s9;
	v2 =	vadd.f32 v6, v2;
	v3 =	vld [tilespmem:s26+$0x2460];
	[tilespmem:s6+$0x14460] =	vst v0  }
0x194: {  	s25 =	sor.u32 s0, s9;
	s0 =	sor.u32 s22, s9;
	v0 =	vld [tilespmem:s26+$0xB460];
	[tilespmem:s6+$0x14470] =	vst v1  }
0x195: {  	[tilespmem:s26+$0x14430] =	vst v2;
	v1 =	vadd.f32 v8, v7;
	v2 =	vld [tilespmem:s0+$0x2470]  }
0x196: {  	v5 =	vld [tilespmem:s0+$0xB470]  }
0x197: {  	[tilespmem:s26+$0x14440] =	vst v1;
	v1 =	vadd.f32 v4, v9;
	v4 =	vld [tilespmem:s26+$0x2470]  }
0x198: {  	v6 =	vld [tilespmem:s26+$0xB470]  }
0x199: {  	[tilespmem:s26+$0x14450] =	vst v1;
	v0 =	vadd.f32 v0, v3;
	v1 =	vld [tilespmem:s0+$0x2400]  }
0x19a: {  	v3 =	vld [tilespmem:s0+$0xB400]  }
0x19b: {  	[tilespmem:s26+$0x14460] =	vst v0;
	v0 =	vld [tilespmem:s0+$0x2410];
	v2 =	vadd.f32 v5, v2  }
0x19c: {  	v5 =	vld [tilespmem:s0+$0xB410]  }
0x19d: {  	v4 =	vadd.f32 v6, v4;
	v6 =	vld [tilespmem:s0+$0x2420];
	[tilespmem:s0+$0x14470] =	vst v2  }
0x19e: {  	v2 =	vld [tilespmem:s0+$0xB420]  }
0x19f: {  	[tilespmem:s26+$0x14470] =	vst v4;
	v1 =	vadd.f32 v3, v1;
	v3 =	vld [tilespmem:s0+$0x2430]  }
0x1a0: {  	v4 =	vld [tilespmem:s30+$0x2400]  }
0x1a1: {  	v7 =	vld [tilespmem:s30+$0xB400];
	[tilespmem:s0+$0x14400] =	vst v1;
	v0 =	vadd.f32 v5, v0  }
0x1a2: {  	v1 =	vld [tilespmem:s30+$0x2410]  }
0x1a3: {  	v5 =	vld [tilespmem:s30+$0xB410];
	[tilespmem:s0+$0x14410] =	vst v0;
	v0 =	vadd.f32 v2, v6  }
0x1a4: {  	v2 =	vld [tilespmem:s30+$0x2420]  }
0x1a5: {  	v6 =	vld [tilespmem:s30+$0xB420];
	[tilespmem:s0+$0x14420] =	vst v0  }
0x1a6: {  	v0 =	vadd.f32 v7, v4;
	v4 =	vld [tilespmem:s30+$0x2430]  }
0x1a7: {  	v7 =	vld [tilespmem:s30+$0xB430]  }
0x1a8: {  	[tilespmem:s30+$0x14400] =	vst v0;
	v0 =	vadd.f32 v5, v1;
	v1 =	vld [tilespmem:s30+$0x2440]  }
0x1a9: {  	v5 =	vld [tilespmem:s30+$0xB440]  }
0x1aa: {  	[tilespmem:s30+$0x14410] =	vst v0;
	v0 =	vadd.f32 v6, v2;
	v2 =	vld [tilespmem:s30+$0x2450]  }
0x1ab: {  	v6 =	vld [tilespmem:s30+$0xB450]  }
0x1ac: {  	[tilespmem:s30+$0x14420] =	vst v0;
	v0 =	vadd.f32 v7, v4;
	v4 =	vld [tilespmem:s30+$0x2460]  }
0x1ad: {  	v7 =	vld [tilespmem:s30+$0xB460]  }
0x1ae: {  	[tilespmem:s30+$0x14430] =	vst v0;
	v0 =	vadd.f32 v5, v1;
	v1 =	vld [tilespmem:s30+$0x2470]  }
0x1af: {  	v5 =	vld [tilespmem:s30+$0xB470]  }
0x1b0: {  	[tilespmem:s30+$0x14440] =	vst v0;
	v0 =	vadd.f32 v6, v2;
	v2 =	vld [tilespmem:s0+$0xB430]  }
0x1b1: {  	v6 =	vld [tilespmem:s0+$0x2440]  }
0x1b2: {  	[tilespmem:s30+$0x14450] =	vst v0;
	v0 =	vadd.f32 v7, v4;
	v4 =	vld [tilespmem:s0+$0xB440]  }
0x1b3: {  	v7 =	vld [tilespmem:s0+$0x2450]  }
0x1b4: {  	[tilespmem:s30+$0x14460] =	vst v0;
	v0 =	vadd.f32 v5, v1;
	v1 =	vld [tilespmem:s0+$0xB450]  }
0x1b5: {  	v2 =	vadd.f32 v2, v3;
	v3 =	vld [tilespmem:s0+$0x2460]  }
0x1b6: {  	[tilespmem:s30+$0x14470] =	vst v0;
	v0 =	vld [tilespmem:s0+$0xB460]  }
0x1b7: {  	v5 =	vld [tilespmem:s25+$0x2400];
	[tilespmem:s0+$0x14430] =	vst v2;
	v2 =	vadd.f32 v4, v6  }
0x1b8: {  	v4 =	vld [tilespmem:s25+$0xB400]  }
0x1b9: {  	v6 =	vld [tilespmem:s25+$0x2410];
	[tilespmem:s0+$0x14440] =	vst v2;
	v1 =	vadd.f32 v1, v7  }
0x1ba: {  	v2 =	vld [tilespmem:s25+$0xB410]  }
0x1bb: {  	v7 =	vld [tilespmem:s25+$0x2420];
	[tilespmem:s0+$0x14450] =	vst v1;
	v0 =	vadd.f32 v0, v3  }
0x1bc: {  	v3 =	vld [tilespmem:s25+$0xB420]  }
.Ltmp1:
0x1bd: {  	v5 =	vadd.f32 v4, v5;
	v1 =	vld [tilespmem:s25+$0x2430];
	[tilespmem:s0+$0x14460] =	vst v0;
	(pc) =	sbr.rel @p2 .LBB2_5-.Ltmp1, $4  }
0x1be: {  	v4 =	vld [tilespmem:s25+$0xB430]  }
0x1bf: {  	[tilespmem:s25+$0x14400] =	vst v5;
	v5 =	vadd.f32 v2, v6;
	v0 =	vld [tilespmem:s25+$0x2440]  }
0x1c0: {  	v2 =	vld [tilespmem:s25+$0xB440]  }
0x1c1: {  	[tilespmem:s25+$0x14410] =	vst v5;
	v5 =	vadd.f32 v3, v7;
	v3 =	vld [tilespmem:s25+$0x2450]  }
0x1c2: {  	v6 =	vld [tilespmem:s25+$0xB450]  }
0x1c3: {  	v7 =	vld [tilespmem:s25+$0xB470]  }
0x1c4: {  	v1 =	vadd.f32 v4, v1;
	v4 =	vld [tilespmem:s25+$0x2460]  }
0x1c5: {  	[tilespmem:s25+$0x14420] =	vst v5;
	v5 =	vld [tilespmem:s25+$0xB460]  }
0x1c6: {  	[tilespmem:s25+$0x14430] =	vst v1;
	v1 =	vld [tilespmem:s25+$0x2470];
	_ =	sdelay $0x1  }
0x1c7: {  	v0 =	vadd.f32 v2, v0  }
0x1c8: {  	v2 =	vadd.f32 v6, v3  }
0x1c9: {  	s0 =	sshrl.u32 s13, $0x3;
	[tilespmem:s25+$0x14440] =	vst v0;
	v0 =	vadd.f32 v5, v4  }
0x1ca: {  	s6 =	sadd.s32 @!p1 s11, s17;
	s0 =	smul.u32 $0x180, s0;
	[tilespmem:s25+$0x14450] =	vst v2;
	v1 =	vadd.f32 v7, v1  }
0x1cb: {  	s6 =	sshrl.u32 @!p1 s6, $0x3;
	[tilespmem:s25+$0x14460] =	vst v0  }
0x1cc: {  	s9 =	simm.s32 $0x14400;
	s6 =	smul.u32 @!p1 $0x180, s6;
	s0 =	sadd.s32 s4, s0;
	[tilespmem:s25+$0x14470] =	vst v1  }
0x1cd: {  	[hbm4b:s0+s5] =	stream.linear.scatter [tilespmem:s9], [sflag:$0xA], $0x2400, $0x38;
	[tilespmem:$0x1B000] =	vst v63  }
0x1ce: {  	s12 =	simm.s32 @!p1 $0x2400;
	s0 =	sadd.s32 @!p1 s2, s6;
	s9 =	simm.s32 @!p1 $0x0  }
0x1cf: {  	[tilespmem:s12], [sflag:$0x2] =	stream.linear.gather @!p1 [hbm4b:s0+s9], $0x2400, $0x38;
	[tilespmem:$0x1B000] =	vst v63  }
0x1d0: {  	s0 =	sadd.s32 @!p1 s3, s6;
	s6 =	simm.s32 @!p1 $0xB400  }
0x1d1: {  	[tilespmem:s6], [sflag:$0x6] =	stream.linear.gather @!p1 [hbm4b:s0+s9], $0x2400, $0x38;
	[tilespmem:$0x1B000] =	vst v63  }
0x1d2: {  	_ =	swait.ge [sflag:s20], $0x2400  }
0x1d3: {  	[sflag:s20] =	ssyncset.done $0x0  }
0x1d4: {  	[sflag:s20] =	ssyncadd.s32 $0xFFFFDC00  }
0x1d5: {  	_ =	swait.ge [sflag:s21], $0x2400  }
0x1d6: {  	s30 =	simm.s32 $0x0;
	[sflag:s21] =	ssyncset.done $0x0  }
0x1d7: {  	s12 =	simm.s32 $0x0;
	s6 =	simm.s32 @!p0 $0xB;
	[sflag:s21] =	ssyncadd.s32 $0xFFFFDC00  }
0x1d8: {  	s14 =	smul.u32 $0xC00, s30;
	s13 =	sand.u32 $0x300, s12;
	_ =	swait.ge @!p0 [sflag:s6], $0x2400  }
0x1d9: {  	s9 =	sor.u32 $0x80, s13;
	[sflag:s6] =	ssyncset.done @!p0 $0x0  }
0x1da: {  	s22 =	sor.u32 s14, s9;
	[sflag:s6] =	ssyncadd.s32 @!p0 $0xFFFFDC00  }
0x1db: {  	v0 =	vld [tilespmem:s22+$0x4800]  }
0x1dc: {  	v1 =	vld [tilespmem:s22+$0xD800]  }
0x1dd: {  	v2 =	vld [tilespmem:s22+$0x4810]  }
0x1de: {  	v3 =	vld [tilespmem:s22+$0xD810]  }
0x1df: {  	v4 =	vld [tilespmem:s22+$0x4820]  }
0x1e0: {  	v5 =	vld [tilespmem:s22+$0xD820]  }
0x1e1: {  	v6 =	vld [tilespmem:s22+$0x4830]  }
0x1e2: {  	v7 =	vld [tilespmem:s22+$0xD830]  }
0x1e3: {  	v8 =	vld [tilespmem:s22+$0x4840]  }
0x1e4: {  	v9 =	vld [tilespmem:s22+$0xD840]  }
0x1e5: {  	v10 =	vld [tilespmem:s22+$0x4850]  }
0x1e6: {  	v11 =	vld [tilespmem:s22+$0xD850]  }
0x1e7: {  	s25 =	sor.u32 s13, s14;
	v12 =	vld [tilespmem:s22+$0x4860]  }
0x1e8: {  	v61 =	vld [tilespmem:s25+$0xD810]  }
0x1e9: {  	v25 =	vld [tilespmem:s25+$0xD830]  }
0x1ea: {  	v0 =	vadd.f32 v1, v0;
	v1 =	vld [tilespmem:s22+$0xD860]  }
0x1eb: {  	v2 =	vadd.f32 v3, v2;
	v3 =	vld [tilespmem:s22+$0x4870]  }
0x1ec: {  	[tilespmem:s22+$0x16800] =	vst v0;
	v0 =	vadd.f32 v5, v4;
	v4 =	vld [tilespmem:s22+$0xD870]  }
0x1ed: {  	v27 =	vld [tilespmem:s25+$0x4840];
	[tilespmem:s22+$0x16810] =	vst v2;
	v2 =	vadd.f32 v7, v6  }
0x1ee: {  	v28 =	vld [tilespmem:s25+$0xD840];
	[tilespmem:s22+$0x16820] =	vst v0;
	v0 =	vadd.f32 v9, v8  }
0x1ef: {  	v30 =	vld [tilespmem:s25+$0x4850];
	[tilespmem:s22+$0x16830] =	vst v2;
	v2 =	vadd.f32 v11, v10  }
0x1f0: {  	v32 =	vld [tilespmem:s25+$0x4860];
	[tilespmem:s22+$0x16840] =	vst v0;
	v0 =	vadd.f32 v1, v12  }
0x1f1: {  	v5 =	vld [tilespmem:s25+$0x4800];
	[tilespmem:s22+$0x16850] =	vst v2;
	v2 =	vadd.f32 v4, v3  }
0x1f2: {  	s26 =	sadd.s32 $0x400, s14;
	v1 =	vld [tilespmem:s25+$0x4820];
	[tilespmem:s22+$0x16860] =	vst v0  }
0x1f3: {  	s30 =	sor.u32 s9, s26;
	v3 =	vld [tilespmem:s25+$0xD820];
	[tilespmem:s22+$0x16870] =	vst v2  }
0x1f4: {  	v2 =	vld [tilespmem:s30+$0x4800]  }
0x1f5: {  	v4 =	vld [tilespmem:s30+$0xD800]  }
0x1f6: {  	v62 =	vld [tilespmem:s30+$0x4810]  }
0x1f7: {  	v63 =	vld [tilespmem:s30+$0xD810]  }
0x1f8: {  	v21 =	vld [tilespmem:s30+$0x4820]  }
0x1f9: {  	v22 =	vld [tilespmem:s30+$0xD820]  }
0x1fa: {  	v13 =	vld [tilespmem:s30+$0x4830]  }
0x1fb: {  	v14 =	vld [tilespmem:s30+$0xD830]  }
0x1fc: {  	v15 =	vld [tilespmem:s30+$0x4840]  }
0x1fd: {  	v16 =	vld [tilespmem:s30+$0xD840]  }
0x1fe: {  	v17 =	vld [tilespmem:s30+$0x4850]  }
0x1ff: {  	v18 =	vld [tilespmem:s30+$0xD850]  }
0x200: {  	v19 =	vld [tilespmem:s30+$0x4860]  }
0x201: {  	v23 =	vld [tilespmem:s30+$0x4870];
	v2 =	vadd.f32 v4, v2  }
0x202: {  	v24 =	vld [tilespmem:s30+$0xD870];
	v9 =	vadd.f32 v63, v62  }
0x203: {  	v4 =	vld [tilespmem:s30+$0xD860];
	v26 =	vadd.f32 v14, v13;
	[tilespmem:s30+$0x16800] =	vst v2  }
0x204: {  	v6 =	vld [tilespmem:s25+$0xD800];
	v2 =	vadd.f32 v22, v21;
	[tilespmem:s30+$0x16810] =	vst v9  }
0x205: {  	v7 =	vld [tilespmem:s25+$0x4810];
	v29 =	vadd.f32 v18, v17;
	[tilespmem:s30+$0x16830] =	vst v26  }
0x206: {  	v33 =	vld [tilespmem:s25+$0x4870];
	[tilespmem:s30+$0x16820] =	vst v2;
	v2 =	vadd.f32 v16, v15  }
0x207: {  	v0 =	vld [tilespmem:s25+$0x4830];
	v31 =	vadd.f32 v24, v23;
	[tilespmem:s30+$0x16850] =	vst v29  }
0x208: {  	v1 =	vadd.f32 v3, v1;
	v3 =	vld [tilespmem:s25+$0xD870];
	[tilespmem:s30+$0x16840] =	vst v2;
	v2 =	vadd.f32 v4, v19  }
0x209: {  	s14 =	sadd.s32 $0x800, s14;
	v5 =	vadd.f32 v6, v5;
	[tilespmem:s30+$0x16870] =	vst v31;
	v4 =	vld [tilespmem:s25+$0xD850]  }
0x20a: {  	s0 =	sor.u32 s9, s14;
	v7 =	vadd.f32 v61, v7;
	[tilespmem:s30+$0x16860] =	vst v2;
	v2 =	vld [tilespmem:s25+$0xD860]  }
0x20b: {  	[tilespmem:s25+$0x16800] =	vst v5;
	v9 =	vld [tilespmem:s0+$0x4870]  }
0x20c: {  	[tilespmem:s25+$0x16810] =	vst v7;
	v0 =	vadd.f32 v25, v0;
	v6 =	vld [tilespmem:s0+$0xD870]  }
0x20d: {  	[tilespmem:s25+$0x16820] =	vst v1;
	v1 =	vadd.f32 v28, v27;
	v5 =	vld [tilespmem:s0+$0x4800]  }
0x20e: {  	[tilespmem:s25+$0x16830] =	vst v0;
	v7 =	vld [tilespmem:s0+$0xD800];
	v0 =	vadd.f32 v4, v30  }
0x20f: {  	[tilespmem:s25+$0x16840] =	vst v1;
	v50 =	vld [tilespmem:s0+$0xD830];
	v1 =	vadd.f32 v2, v32  }
0x210: {  	v52 =	vld [tilespmem:s0+$0x4840];
	[tilespmem:s25+$0x16850] =	vst v0;
	v0 =	vadd.f32 v3, v33  }
0x211: {  	v54 =	vld [tilespmem:s0+$0xD840];
	[tilespmem:s25+$0x16860] =	vst v1  }
0x212: {  	s6 =	sor.u32 s13, s26;
	v56 =	vld [tilespmem:s0+$0x4850];
	[tilespmem:s25+$0x16870] =	vst v0  }
0x213: {  	v34 =	vld [tilespmem:s6+$0x4800]  }
0x214: {  	v35 =	vld [tilespmem:s6+$0xD800]  }
0x215: {  	v36 =	vld [tilespmem:s6+$0x4810]  }
0x216: {  	v37 =	vld [tilespmem:s6+$0xD810]  }
0x217: {  	v38 =	vld [tilespmem:s6+$0x4820]  }
0x218: {  	v39 =	vld [tilespmem:s6+$0xD820]  }
0x219: {  	v40 =	vld [tilespmem:s6+$0x4830]  }
0x21a: {  	v41 =	vld [tilespmem:s6+$0xD830]  }
0x21b: {  	v42 =	vld [tilespmem:s6+$0x4840]  }
0x21c: {  	v43 =	vld [tilespmem:s6+$0xD840]  }
0x21d: {  	v44 =	vld [tilespmem:s6+$0x4850]  }
0x21e: {  	v20 =	vld [tilespmem:s6+$0xD850]  }
0x21f: {  	v21 =	vld [tilespmem:s6+$0x4860]  }
0x220: {  	v45 =	vld [tilespmem:s6+$0xD860];
	v8 =	vadd.f32 v35, v34  }
0x221: {  	v46 =	vld [tilespmem:s6+$0x4870];
	v11 =	vadd.f32 v37, v36  }
0x222: {  	v48 =	vld [tilespmem:s6+$0xD870];
	v47 =	vadd.f32 v39, v38;
	[tilespmem:s6+$0x16800] =	vst v8  }
0x223: {  	v58 =	vld [tilespmem:s0+$0xD850];
	v49 =	vadd.f32 v41, v40;
	[tilespmem:s6+$0x16810] =	vst v11  }
0x224: {  	v59 =	vld [tilespmem:s0+$0x4860];
	v51 =	vadd.f32 v43, v42;
	[tilespmem:s6+$0x16820] =	vst v47  }
0x225: {  	v4 =	vld [tilespmem:s0+$0x4810];
	v53 =	vadd.f32 v20, v44;
	[tilespmem:s6+$0x16830] =	vst v49  }
0x226: {  	v2 =	vld [tilespmem:s0+$0xD810];
	v55 =	vadd.f32 v45, v21;
	[tilespmem:s6+$0x16840] =	vst v51  }
0x227: {  	v3 =	vld [tilespmem:s0+$0x4820];
	v57 =	vadd.f32 v48, v46;
	[tilespmem:s6+$0x16850] =	vst v53  }
0x228: {  	v1 =	vld [tilespmem:s0+$0xD820];
	[tilespmem:s6+$0x16860] =	vst v55  }
0x229: {  	v0 =	vld [tilespmem:s0+$0x4830];
	s25 =	sor.u32 s13, s14;
	[tilespmem:s6+$0x16870] =	vst v57  }
0x22a: {  	v6 =	vadd.f32 v6, v9;
	v61 =	vld [tilespmem:s25+$0x4800]  }
0x22b: {  	v5 =	vadd.f32 v7, v5;
	v62 =	vld [tilespmem:s25+$0xD800]  }
0x22c: {  	v63 =	vadd.f32 v58, v56;
	[tilespmem:s0+$0x16870] =	vst v6;
	v7 =	vld [tilespmem:s25+$0x4810]  }
0x22d: {  	[tilespmem:s0+$0x16800] =	vst v5;
	v2 =	vadd.f32 v2, v4;
	v6 =	vld [tilespmem:s25+$0xD810]  }
0x22e: {  	v60 =	vld [tilespmem:s0+$0xD860];
	[tilespmem:s0+$0x16850] =	vst v63;
	v0 =	vadd.f32 v50, v0  }
0x22f: {  	v1 =	vadd.f32 v1, v3;
	[tilespmem:s0+$0x16810] =	vst v2;
	v3 =	vld [tilespmem:s25+$0x4820]  }
0x230: {  	[tilespmem:s0+$0x16830] =	vst v0;
	v0 =	vadd.f32 v54, v52;
	v5 =	vld [tilespmem:s25+$0xD820]  }
0x231: {  	[tilespmem:s0+$0x16820] =	vst v1;
	v1 =	vld [tilespmem:s25+$0x4830];
	v2 =	vadd.f32 v62, v61  }
0x232: {  	v4 =	vld [tilespmem:s25+$0xD830];
	[tilespmem:s0+$0x16840] =	vst v0;
	v6 =	vadd.f32 v6, v7  }
0x233: {  	v0 =	vld [tilespmem:s25+$0x4840];
	v7 =	vadd.f32 v60, v59;
	[tilespmem:s25+$0x16800] =	vst v2  }
0x234: {  	v2 =	vld [tilespmem:s25+$0xD840];
	[tilespmem:s25+$0x16810] =	vst v6  }
0x235: {  	s13 =	sadd.s32 s11, s15;
	s14 =	simm.s32 $0x0;
	v5 =	vadd.f32 v5, v3;
	v3 =	vld [tilespmem:s25+$0x4850];
	[tilespmem:s0+$0x16860] =	vst v7  }
.LBB2_7:
0x236: {  	s14 =	sadd.s32 $0x2, s14;
	v6 =	vld [tilespmem:s25+$0xD850]  }
0x237: {  	s12 =	sadd.s32 $0x100, s12;
	s0 =	sshrl.u32 s14, $0x3;
	p2 =	slt.u32 s14, $0x16;
	[tilespmem:s25+$0x16820] =	vst v5;
	v1 =	vadd.f32 v4, v1;
	v4 =	vld [tilespmem:s25+$0x4860]  }
0x238: {  	s9 =	smul.u32 $0xC00, s0;
	s0 =	sand.u32 $0x300, s12;
	v5 =	vld [tilespmem:s25+$0xD860]  }
0x239: {  	s22 =	sor.u32 $0x80, s0;
	[tilespmem:s25+$0x16830] =	vst v1;
	v0 =	vadd.f32 v2, v0;
	v1 =	vld [tilespmem:s25+$0x4870]  }
0x23a: {  	s26 =	sor.u32 s0, s9;
	s6 =	sor.u32 s9, s22;
	v2 =	vld [tilespmem:s25+$0xD870]  }
0x23b: {  	v7 =	vld [tilespmem:s6+$0x4800];
	[tilespmem:s25+$0x16840] =	vst v0;
	v0 =	vadd.f32 v6, v3  }
0x23c: {  	v3 =	vld [tilespmem:s6+$0xD800]  }
0x23d: {  	v6 =	vld [tilespmem:s6+$0x4810];
	[tilespmem:s25+$0x16850] =	vst v0;
	v0 =	vadd.f32 v5, v4  }
0x23e: {  	v4 =	vld [tilespmem:s6+$0xD810]  }
0x23f: {  	v5 =	vld [tilespmem:s6+$0x4820];
	[tilespmem:s25+$0x16860] =	vst v0;
	v0 =	vadd.f32 v2, v1  }
0x240: {  	v1 =	vld [tilespmem:s6+$0xD820]  }
0x241: {  	v2 =	vld [tilespmem:s6+$0x4830];
	[tilespmem:s25+$0x16870] =	vst v0  }
0x242: {  	v0 =	vld [tilespmem:s6+$0xD830]  }
0x243: {  	v8 =	vld [tilespmem:s6+$0x4840]  }
0x244: {  	v9 =	vld [tilespmem:s6+$0xD840]  }
0x245: {  	v10 =	vld [tilespmem:s6+$0x4850]  }
0x246: {  	v11 =	vld [tilespmem:s6+$0xD850]  }
0x247: {  	v12 =	vld [tilespmem:s6+$0x4860]  }
0x248: {  	v3 =	vadd.f32 v3, v7;
	v7 =	vld [tilespmem:s6+$0xD860]  }
0x249: {  	v4 =	vadd.f32 v4, v6;
	v6 =	vld [tilespmem:s6+$0x4870]  }
0x24a: {  	v1 =	vadd.f32 v1, v5;
	[tilespmem:s6+$0x16800] =	vst v3;
	v3 =	vld [tilespmem:s6+$0xD870]  }
0x24b: {  	v0 =	vadd.f32 v0, v2;
	v5 =	vld [tilespmem:s26+$0x4800];
	[tilespmem:s6+$0x16810] =	vst v4  }
0x24c: {  	v2 =	vld [tilespmem:s26+$0xD800];
	[tilespmem:s6+$0x16820] =	vst v1;
	v1 =	vadd.f32 v9, v8  }
0x24d: {  	v4 =	vld [tilespmem:s26+$0x4810];
	[tilespmem:s6+$0x16830] =	vst v0;
	v0 =	vadd.f32 v11, v10  }
0x24e: {  	v8 =	vld [tilespmem:s26+$0xD810];
	[tilespmem:s6+$0x16840] =	vst v1;
	v1 =	vadd.f32 v7, v12  }
0x24f: {  	v7 =	vld [tilespmem:s26+$0x4820];
	[tilespmem:s6+$0x16850] =	vst v0;
	v0 =	vadd.f32 v3, v6  }
0x250: {  	s25 =	sadd.s32 $0x400, s9;
	v3 =	vld [tilespmem:s26+$0xD820];
	[tilespmem:s6+$0x16860] =	vst v1  }
0x251: {  	s30 =	sor.u32 s0, s25;
	v1 =	vadd.f32 v2, v5;
	v2 =	vld [tilespmem:s26+$0x4830];
	[tilespmem:s6+$0x16870] =	vst v0;
	s6 =	sor.u32 s22, s25  }
0x252: {  	v0 =	vld [tilespmem:s6+$0x4800]  }
0x253: {  	[tilespmem:s26+$0x16800] =	vst v1;
	v1 =	vadd.f32 v8, v4;
	v4 =	vld [tilespmem:s6+$0xD800]  }
0x254: {  	v5 =	vld [tilespmem:s6+$0x4810]  }
0x255: {  	[tilespmem:s26+$0x16810] =	vst v1;
	v1 =	vadd.f32 v3, v7;
	v3 =	vld [tilespmem:s6+$0xD810]  }
0x256: {  	v6 =	vld [tilespmem:s6+$0x4820]  }
0x257: {  	[tilespmem:s26+$0x16820] =	vst v1;
	v1 =	vld [tilespmem:s6+$0xD820]  }
0x258: {  	v7 =	vld [tilespmem:s6+$0x4830]  }
0x259: {  	v8 =	vld [tilespmem:s6+$0xD830]  }
0x25a: {  	v9 =	vld [tilespmem:s6+$0x4840]  }
0x25b: {  	v10 =	vld [tilespmem:s6+$0xD840]  }
0x25c: {  	v11 =	vld [tilespmem:s6+$0x4850]  }
0x25d: {  	v12 =	vld [tilespmem:s6+$0xD850]  }
0x25e: {  	v13 =	vld [tilespmem:s6+$0x4860]  }
0x25f: {  	v0 =	vadd.f32 v4, v0;
	v4 =	vld [tilespmem:s6+$0xD860]  }
0x260: {  	v3 =	vadd.f32 v3, v5;
	v5 =	vld [tilespmem:s6+$0x4870]  }
0x261: {  	[tilespmem:s6+$0x16800] =	vst v0;
	v0 =	vadd.f32 v1, v6;
	v1 =	vld [tilespmem:s6+$0xD870]  }
0x262: {  	v6 =	vld [tilespmem:s26+$0xD830];
	[tilespmem:s6+$0x16810] =	vst v3;
	v3 =	vadd.f32 v8, v7  }
0x263: {  	v7 =	vld [tilespmem:s26+$0x4840];
	[tilespmem:s6+$0x16820] =	vst v0;
	v0 =	vadd.f32 v10, v9  }
0x264: {  	v8 =	vld [tilespmem:s26+$0xD840];
	[tilespmem:s6+$0x16830] =	vst v3;
	v3 =	vadd.f32 v12, v11  }
0x265: {  	v9 =	vld [tilespmem:s26+$0x4850];
	[tilespmem:s6+$0x16840] =	vst v0;
	v0 =	vadd.f32 v4, v13  }
0x266: {  	v4 =	vld [tilespmem:s26+$0xD850];
	[tilespmem:s6+$0x16850] =	vst v3;
	v1 =	vadd.f32 v1, v5  }
0x267: {  	s9 =	sadd.s32 $0x800, s9;
	v2 =	vadd.f32 v6, v2;
	v3 =	vld [tilespmem:s26+$0x4860];
	[tilespmem:s6+$0x16860] =	vst v0  }
0x268: {  	s25 =	sor.u32 s0, s9;
	s0 =	sor.u32 s22, s9;
	v0 =	vld [tilespmem:s26+$0xD860];
	[tilespmem:s6+$0x16870] =	vst v1  }
0x269: {  	[tilespmem:s26+$0x16830] =	vst v2;
	v1 =	vadd.f32 v8, v7;
	v2 =	vld [tilespmem:s0+$0x4870]  }
0x26a: {  	v5 =	vld [tilespmem:s0+$0xD870]  }
0x26b: {  	[tilespmem:s26+$0x16840] =	vst v1;
	v1 =	vadd.f32 v4, v9;
	v4 =	vld [tilespmem:s26+$0x4870]  }
0x26c: {  	v6 =	vld [tilespmem:s26+$0xD870]  }
0x26d: {  	[tilespmem:s26+$0x16850] =	vst v1;
	v0 =	vadd.f32 v0, v3;
	v1 =	vld [tilespmem:s0+$0x4800]  }
0x26e: {  	v3 =	vld [tilespmem:s0+$0xD800]  }
0x26f: {  	[tilespmem:s26+$0x16860] =	vst v0;
	v0 =	vld [tilespmem:s0+$0x4810];
	v2 =	vadd.f32 v5, v2  }
0x270: {  	v5 =	vld [tilespmem:s0+$0xD810]  }
0x271: {  	v4 =	vadd.f32 v6, v4;
	v6 =	vld [tilespmem:s0+$0x4820];
	[tilespmem:s0+$0x16870] =	vst v2  }
0x272: {  	v2 =	vld [tilespmem:s0+$0xD820]  }
0x273: {  	[tilespmem:s26+$0x16870] =	vst v4;
	v1 =	vadd.f32 v3, v1;
	v3 =	vld [tilespmem:s0+$0x4830]  }
0x274: {  	v4 =	vld [tilespmem:s30+$0x4800]  }
0x275: {  	v7 =	vld [tilespmem:s30+$0xD800];
	[tilespmem:s0+$0x16800] =	vst v1;
	v0 =	vadd.f32 v5, v0  }
0x276: {  	v1 =	vld [tilespmem:s30+$0x4810]  }
0x277: {  	v5 =	vld [tilespmem:s30+$0xD810];
	[tilespmem:s0+$0x16810] =	vst v0;
	v0 =	vadd.f32 v2, v6  }
0x278: {  	v2 =	vld [tilespmem:s30+$0x4820]  }
0x279: {  	v6 =	vld [tilespmem:s30+$0xD820];
	[tilespmem:s0+$0x16820] =	vst v0  }
0x27a: {  	v0 =	vadd.f32 v7, v4;
	v4 =	vld [tilespmem:s30+$0x4830]  }
0x27b: {  	v7 =	vld [tilespmem:s30+$0xD830]  }
0x27c: {  	[tilespmem:s30+$0x16800] =	vst v0;
	v0 =	vadd.f32 v5, v1;
	v1 =	vld [tilespmem:s30+$0x4840]  }
0x27d: {  	v5 =	vld [tilespmem:s30+$0xD840]  }
0x27e: {  	[tilespmem:s30+$0x16810] =	vst v0;
	v0 =	vadd.f32 v6, v2;
	v2 =	vld [tilespmem:s30+$0x4850]  }
0x27f: {  	v6 =	vld [tilespmem:s30+$0xD850]  }
0x280: {  	[tilespmem:s30+$0x16820] =	vst v0;
	v0 =	vadd.f32 v7, v4;
	v4 =	vld [tilespmem:s30+$0x4860]  }
0x281: {  	v7 =	vld [tilespmem:s30+$0xD860]  }
0x282: {  	[tilespmem:s30+$0x16830] =	vst v0;
	v0 =	vadd.f32 v5, v1;
	v1 =	vld [tilespmem:s30+$0x4870]  }
0x283: {  	v5 =	vld [tilespmem:s30+$0xD870]  }
0x284: {  	[tilespmem:s30+$0x16840] =	vst v0;
	v0 =	vadd.f32 v6, v2;
	v2 =	vld [tilespmem:s0+$0xD830]  }
0x285: {  	v6 =	vld [tilespmem:s0+$0x4840]  }
0x286: {  	[tilespmem:s30+$0x16850] =	vst v0;
	v0 =	vadd.f32 v7, v4;
	v4 =	vld [tilespmem:s0+$0xD840]  }
0x287: {  	v7 =	vld [tilespmem:s0+$0x4850]  }
0x288: {  	[tilespmem:s30+$0x16860] =	vst v0;
	v0 =	vadd.f32 v5, v1;
	v1 =	vld [tilespmem:s0+$0xD850]  }
0x289: {  	v2 =	vadd.f32 v2, v3;
	v3 =	vld [tilespmem:s0+$0x4860]  }
0x28a: {  	[tilespmem:s30+$0x16870] =	vst v0;
	v0 =	vld [tilespmem:s0+$0xD860]  }
0x28b: {  	v5 =	vld [tilespmem:s25+$0x4800];
	[tilespmem:s0+$0x16830] =	vst v2;
	v2 =	vadd.f32 v4, v6  }
0x28c: {  	v4 =	vld [tilespmem:s25+$0xD800]  }
0x28d: {  	v6 =	vld [tilespmem:s25+$0x4810];
	[tilespmem:s0+$0x16840] =	vst v2;
	v1 =	vadd.f32 v1, v7  }
0x28e: {  	v2 =	vld [tilespmem:s25+$0xD810]  }
0x28f: {  	v7 =	vld [tilespmem:s25+$0x4820];
	[tilespmem:s0+$0x16850] =	vst v1;
	v0 =	vadd.f32 v0, v3  }
0x290: {  	v3 =	vld [tilespmem:s25+$0xD820]  }
.Ltmp2:
0x291: {  	v5 =	vadd.f32 v4, v5;
	v1 =	vld [tilespmem:s25+$0x4830];
	[tilespmem:s0+$0x16860] =	vst v0;
	(pc) =	sbr.rel @p2 .LBB2_7-.Ltmp2, $4  }
0x292: {  	v4 =	vld [tilespmem:s25+$0xD830]  }
0x293: {  	[tilespmem:s25+$0x16800] =	vst v5;
	v5 =	vadd.f32 v2, v6;
	v0 =	vld [tilespmem:s25+$0x4840]  }
0x294: {  	v2 =	vld [tilespmem:s25+$0xD840]  }
0x295: {  	[tilespmem:s25+$0x16810] =	vst v5;
	v5 =	vadd.f32 v3, v7;
	v3 =	vld [tilespmem:s25+$0x4850]  }
0x296: {  	v6 =	vld [tilespmem:s25+$0xD850]  }
0x297: {  	v7 =	vld [tilespmem:s25+$0xD870]  }
0x298: {  	v1 =	vadd.f32 v4, v1;
	v4 =	vld [tilespmem:s25+$0x4860]  }
0x299: {  	[tilespmem:s25+$0x16820] =	vst v5;
	v5 =	vld [tilespmem:s25+$0xD860]  }
0x29a: {  	[tilespmem:s25+$0x16830] =	vst v1;
	v1 =	vld [tilespmem:s25+$0x4870];
	_ =	sdelay $0x1  }
0x29b: {  	v0 =	vadd.f32 v2, v0  }
0x29c: {  	v2 =	vadd.f32 v6, v3  }
0x29d: {  	s0 =	sshrl.u32 s13, $0x3;
	[tilespmem:s25+$0x16840] =	vst v0;
	v0 =	vadd.f32 v5, v4  }
0x29e: {  	s6 =	sadd.s32 @!p1 s11, s18;
	s0 =	smul.u32 $0x180, s0;
	[tilespmem:s25+$0x16850] =	vst v2;
	v1 =	vadd.f32 v7, v1  }
0x29f: {  	s6 =	sshrl.u32 @!p1 s6, $0x3;
	[tilespmem:s25+$0x16860] =	vst v0  }
0x2a0: {  	s9 =	simm.s32 $0x16800;
	s6 =	smul.u32 @!p1 $0x180, s6;
	s0 =	sadd.s32 s4, s0;
	[tilespmem:s25+$0x16870] =	vst v1  }
0x2a1: {  	[hbm4b:s0+s5] =	stream.linear.scatter [tilespmem:s9], [sflag:$0xB], $0x2400, $0x38;
	[tilespmem:$0x1B000] =	vst v63  }
0x2a2: {  	s11 =	simm.s32 @!p1 $0x4800;
	s0 =	sadd.s32 @!p1 s2, s6;
	s9 =	simm.s32 @!p1 $0x0  }
0x2a3: {  	[tilespmem:s11], [sflag:$0x3] =	stream.linear.gather @!p1 [hbm4b:s0+s9], $0x2400, $0x38;
	[tilespmem:$0x1B000] =	vst v63  }
0x2a4: {  	s0 =	sadd.s32 @!p1 s3, s6;
	s6 =	simm.s32 @!p1 $0xD800  }
0x2a5: {  	[tilespmem:s6], [sflag:$0x7] =	stream.linear.gather @!p1 [hbm4b:s0+s9], $0x2400, $0x38;
	[tilespmem:$0x1B000] =	vst v63  }
0x2a6: {  	_ =	swait.ge [sflag:s23], $0x2400  }
0x2a7: {  	[sflag:s23] =	ssyncset.done $0x0  }
0x2a8: {  	[sflag:s23] =	ssyncadd.s32 $0xFFFFDC00  }
0x2a9: {  	_ =	swait.ge [sflag:s24], $0x2400  }
0x2aa: {  	s30 =	simm.s32 $0x0;
	[sflag:s24] =	ssyncset.done $0x0  }
0x2ab: {  	s11 =	simm.s32 $0x0;
	s6 =	simm.s32 @!p0 $0xC;
	[sflag:s24] =	ssyncadd.s32 $0xFFFFDC00  }
0x2ac: {  	s12 =	sand.u32 $0x300, s11;
	s9 =	smul.u32 $0xC00, s30;
	_ =	swait.ge @!p0 [sflag:s6], $0x2400  }
0x2ad: {  	s22 =	sor.u32 $0x80, s12;
	[sflag:s6] =	ssyncset.done @!p0 $0x0  }
0x2ae: {  	s14 =	sor.u32 s9, s22;
	[sflag:s6] =	ssyncadd.s32 @!p0 $0xFFFFDC00  }
0x2af: {  	v0 =	vld [tilespmem:s14+$0x6C00]  }
0x2b0: {  	v1 =	vld [tilespmem:s14+$0xFC00]  }
0x2b1: {  	v2 =	vld [tilespmem:s14+$0x6C10]  }
0x2b2: {  	v3 =	vld [tilespmem:s14+$0xFC10]  }
0x2b3: {  	v4 =	vld [tilespmem:s14+$0x6C20]  }
0x2b4: {  	v5 =	vld [tilespmem:s14+$0xFC20]  }
0x2b5: {  	v6 =	vld [tilespmem:s14+$0x6C30]  }
0x2b6: {  	v7 =	vld [tilespmem:s14+$0xFC30]  }
0x2b7: {  	v8 =	vld [tilespmem:s14+$0x6C40]  }
0x2b8: {  	v9 =	vld [tilespmem:s14+$0xFC40]  }
0x2b9: {  	v10 =	vld [tilespmem:s14+$0x6C50]  }
0x2ba: {  	v11 =	vld [tilespmem:s14+$0xFC50]  }
0x2bb: {  	s25 =	sor.u32 s12, s9;
	v12 =	vld [tilespmem:s14+$0x6C60]  }
0x2bc: {  	v61 =	vld [tilespmem:s25+$0xFC10]  }
0x2bd: {  	v25 =	vld [tilespmem:s25+$0xFC30]  }
0x2be: {  	v0 =	vadd.f32 v1, v0;
	v1 =	vld [tilespmem:s14+$0xFC60]  }
0x2bf: {  	v2 =	vadd.f32 v3, v2;
	v3 =	vld [tilespmem:s14+$0x6C70]  }
0x2c0: {  	[tilespmem:s14+$0x18C00] =	vst v0;
	v0 =	vadd.f32 v5, v4;
	v4 =	vld [tilespmem:s14+$0xFC70]  }
0x2c1: {  	v27 =	vld [tilespmem:s25+$0x6C40];
	[tilespmem:s14+$0x18C10] =	vst v2;
	v2 =	vadd.f32 v7, v6  }
0x2c2: {  	v28 =	vld [tilespmem:s25+$0xFC40];
	[tilespmem:s14+$0x18C20] =	vst v0;
	v0 =	vadd.f32 v9, v8  }
0x2c3: {  	v30 =	vld [tilespmem:s25+$0x6C50];
	[tilespmem:s14+$0x18C30] =	vst v2;
	v2 =	vadd.f32 v11, v10  }
0x2c4: {  	v32 =	vld [tilespmem:s25+$0x6C60];
	[tilespmem:s14+$0x18C40] =	vst v0;
	v0 =	vadd.f32 v1, v12  }
0x2c5: {  	v5 =	vld [tilespmem:s25+$0x6C00];
	[tilespmem:s14+$0x18C50] =	vst v2;
	v2 =	vadd.f32 v4, v3  }
0x2c6: {  	s26 =	sadd.s32 $0x400, s9;
	v1 =	vld [tilespmem:s25+$0x6C20];
	[tilespmem:s14+$0x18C60] =	vst v0  }
0x2c7: {  	s30 =	sor.u32 s22, s26;
	v3 =	vld [tilespmem:s25+$0xFC20];
	[tilespmem:s14+$0x18C70] =	vst v2  }
0x2c8: {  	v2 =	vld [tilespmem:s30+$0x6C00]  }
0x2c9: {  	v4 =	vld [tilespmem:s30+$0xFC00]  }
0x2ca: {  	v62 =	vld [tilespmem:s30+$0x6C10]  }
0x2cb: {  	v63 =	vld [tilespmem:s30+$0xFC10]  }
0x2cc: {  	v21 =	vld [tilespmem:s30+$0x6C20]  }
0x2cd: {  	v22 =	vld [tilespmem:s30+$0xFC20]  }
0x2ce: {  	v13 =	vld [tilespmem:s30+$0x6C30]  }
0x2cf: {  	v14 =	vld [tilespmem:s30+$0xFC30]  }
0x2d0: {  	v15 =	vld [tilespmem:s30+$0x6C40]  }
0x2d1: {  	v16 =	vld [tilespmem:s30+$0xFC40]  }
0x2d2: {  	v17 =	vld [tilespmem:s30+$0x6C50]  }
0x2d3: {  	v18 =	vld [tilespmem:s30+$0xFC50]  }
0x2d4: {  	v19 =	vld [tilespmem:s30+$0x6C60]  }
0x2d5: {  	v23 =	vld [tilespmem:s30+$0x6C70];
	v2 =	vadd.f32 v4, v2  }
0x2d6: {  	v24 =	vld [tilespmem:s30+$0xFC70];
	v9 =	vadd.f32 v63, v62  }
0x2d7: {  	v4 =	vld [tilespmem:s30+$0xFC60];
	v26 =	vadd.f32 v14, v13;
	[tilespmem:s30+$0x18C00] =	vst v2  }
0x2d8: {  	v6 =	vld [tilespmem:s25+$0xFC00];
	v2 =	vadd.f32 v22, v21;
	[tilespmem:s30+$0x18C10] =	vst v9  }
0x2d9: {  	v7 =	vld [tilespmem:s25+$0x6C10];
	v29 =	vadd.f32 v18, v17;
	[tilespmem:s30+$0x18C30] =	vst v26  }
0x2da: {  	v33 =	vld [tilespmem:s25+$0x6C70];
	[tilespmem:s30+$0x18C20] =	vst v2;
	v2 =	vadd.f32 v16, v15  }
0x2db: {  	v0 =	vld [tilespmem:s25+$0x6C30];
	v31 =	vadd.f32 v24, v23;
	[tilespmem:s30+$0x18C50] =	vst v29  }
0x2dc: {  	v1 =	vadd.f32 v3, v1;
	v3 =	vld [tilespmem:s25+$0xFC70];
	[tilespmem:s30+$0x18C40] =	vst v2;
	v2 =	vadd.f32 v4, v19  }
0x2dd: {  	s13 =	sadd.s32 $0x800, s9;
	v5 =	vadd.f32 v6, v5;
	[tilespmem:s30+$0x18C70] =	vst v31;
	v4 =	vld [tilespmem:s25+$0xFC50]  }
0x2de: {  	s0 =	sor.u32 s22, s13;
	v7 =	vadd.f32 v61, v7;
	[tilespmem:s30+$0x18C60] =	vst v2;
	v2 =	vld [tilespmem:s25+$0xFC60]  }
0x2df: {  	[tilespmem:s25+$0x18C00] =	vst v5;
	v9 =	vld [tilespmem:s0+$0x6C70]  }
0x2e0: {  	[tilespmem:s25+$0x18C10] =	vst v7;
	v0 =	vadd.f32 v25, v0;
	v6 =	vld [tilespmem:s0+$0xFC70]  }
0x2e1: {  	[tilespmem:s25+$0x18C20] =	vst v1;
	v1 =	vadd.f32 v28, v27;
	v5 =	vld [tilespmem:s0+$0x6C00]  }
0x2e2: {  	[tilespmem:s25+$0x18C30] =	vst v0;
	v7 =	vld [tilespmem:s0+$0xFC00];
	v0 =	vadd.f32 v4, v30  }
0x2e3: {  	[tilespmem:s25+$0x18C40] =	vst v1;
	v50 =	vld [tilespmem:s0+$0xFC30];
	v1 =	vadd.f32 v2, v32  }
0x2e4: {  	v52 =	vld [tilespmem:s0+$0x6C40];
	[tilespmem:s25+$0x18C50] =	vst v0;
	v0 =	vadd.f32 v3, v33  }
0x2e5: {  	v54 =	vld [tilespmem:s0+$0xFC40];
	[tilespmem:s25+$0x18C60] =	vst v1  }
0x2e6: {  	s6 =	sor.u32 s12, s26;
	v56 =	vld [tilespmem:s0+$0x6C50];
	[tilespmem:s25+$0x18C70] =	vst v0  }
0x2e7: {  	v34 =	vld [tilespmem:s6+$0x6C00]  }
0x2e8: {  	v35 =	vld [tilespmem:s6+$0xFC00]  }
0x2e9: {  	v36 =	vld [tilespmem:s6+$0x6C10]  }
0x2ea: {  	v37 =	vld [tilespmem:s6+$0xFC10]  }
0x2eb: {  	v38 =	vld [tilespmem:s6+$0x6C20]  }
0x2ec: {  	v39 =	vld [tilespmem:s6+$0xFC20]  }
0x2ed: {  	v40 =	vld [tilespmem:s6+$0x6C30]  }
0x2ee: {  	v41 =	vld [tilespmem:s6+$0xFC30]  }
0x2ef: {  	v42 =	vld [tilespmem:s6+$0x6C40]  }
0x2f0: {  	v43 =	vld [tilespmem:s6+$0xFC40]  }
0x2f1: {  	v44 =	vld [tilespmem:s6+$0x6C50]  }
0x2f2: {  	v20 =	vld [tilespmem:s6+$0xFC50]  }
0x2f3: {  	v21 =	vld [tilespmem:s6+$0x6C60]  }
0x2f4: {  	v45 =	vld [tilespmem:s6+$0xFC60];
	v8 =	vadd.f32 v35, v34  }
0x2f5: {  	v46 =	vld [tilespmem:s6+$0x6C70];
	v11 =	vadd.f32 v37, v36  }
0x2f6: {  	v48 =	vld [tilespmem:s6+$0xFC70];
	v47 =	vadd.f32 v39, v38;
	[tilespmem:s6+$0x18C00] =	vst v8  }
0x2f7: {  	v58 =	vld [tilespmem:s0+$0xFC50];
	v49 =	vadd.f32 v41, v40;
	[tilespmem:s6+$0x18C10] =	vst v11  }
0x2f8: {  	v59 =	vld [tilespmem:s0+$0x6C60];
	v51 =	vadd.f32 v43, v42;
	[tilespmem:s6+$0x18C20] =	vst v47  }
0x2f9: {  	v4 =	vld [tilespmem:s0+$0x6C10];
	v53 =	vadd.f32 v20, v44;
	[tilespmem:s6+$0x18C30] =	vst v49  }
0x2fa: {  	v2 =	vld [tilespmem:s0+$0xFC10];
	v55 =	vadd.f32 v45, v21;
	[tilespmem:s6+$0x18C40] =	vst v51  }
0x2fb: {  	v3 =	vld [tilespmem:s0+$0x6C20];
	v57 =	vadd.f32 v48, v46;
	[tilespmem:s6+$0x18C50] =	vst v53  }
0x2fc: {  	v1 =	vld [tilespmem:s0+$0xFC20];
	[tilespmem:s6+$0x18C60] =	vst v55  }
0x2fd: {  	s13 =	sor.u32 s12, s13;
	v0 =	vld [tilespmem:s0+$0x6C30];
	[tilespmem:s6+$0x18C70] =	vst v57  }
0x2fe: {  	v6 =	vadd.f32 v6, v9;
	v61 =	vld [tilespmem:s13+$0x6C00]  }
0x2ff: {  	v5 =	vadd.f32 v7, v5;
	v62 =	vld [tilespmem:s13+$0xFC00]  }
0x300: {  	v63 =	vadd.f32 v58, v56;
	[tilespmem:s0+$0x18C70] =	vst v6;
	v7 =	vld [tilespmem:s13+$0x6C10]  }
0x301: {  	[tilespmem:s0+$0x18C00] =	vst v5;
	v2 =	vadd.f32 v2, v4;
	v6 =	vld [tilespmem:s13+$0xFC10]  }
0x302: {  	v60 =	vld [tilespmem:s0+$0xFC60];
	[tilespmem:s0+$0x18C50] =	vst v63;
	v0 =	vadd.f32 v50, v0  }
0x303: {  	v1 =	vadd.f32 v1, v3;
	[tilespmem:s0+$0x18C10] =	vst v2;
	v5 =	vld [tilespmem:s13+$0x6C20]  }
0x304: {  	[tilespmem:s0+$0x18C30] =	vst v0;
	v0 =	vadd.f32 v54, v52;
	v2 =	vld [tilespmem:s13+$0xFC20]  }
0x305: {  	[tilespmem:s0+$0x18C20] =	vst v1;
	v1 =	vld [tilespmem:s13+$0x6C30];
	v3 =	vadd.f32 v62, v61  }
0x306: {  	v4 =	vld [tilespmem:s13+$0xFC30];
	[tilespmem:s0+$0x18C40] =	vst v0;
	v6 =	vadd.f32 v6, v7  }
0x307: {  	v0 =	vld [tilespmem:s13+$0x6C40];
	v7 =	vadd.f32 v60, v59;
	[tilespmem:s13+$0x18C00] =	vst v3  }
0x308: {  	v3 =	vld [tilespmem:s13+$0xFC40];
	[tilespmem:s13+$0x18C10] =	vst v6  }
0x309: {  	s12 =	simm.s32 $0x0;
	v5 =	vadd.f32 v2, v5;
	v2 =	vld [tilespmem:s13+$0x6C50];
	[tilespmem:s0+$0x18C60] =	vst v7  }
.LBB2_9:
0x30a: {  	s12 =	sadd.s32 $0x2, s12;
	v6 =	vld [tilespmem:s13+$0xFC50]  }
0x30b: {  	s11 =	sadd.s32 $0x100, s11;
	s0 =	sshrl.u32 s12, $0x3;
	p0 =	slt.u32 s12, $0x16;
	[tilespmem:s13+$0x18C20] =	vst v5;
	v1 =	vadd.f32 v4, v1;
	v4 =	vld [tilespmem:s13+$0x6C60]  }
0x30c: {  	s9 =	smul.u32 $0xC00, s0;
	s0 =	sand.u32 $0x300, s11;
	v5 =	vld [tilespmem:s13+$0xFC60]  }
0x30d: {  	s22 =	sor.u32 $0x80, s0;
	[tilespmem:s13+$0x18C30] =	vst v1;
	v0 =	vadd.f32 v3, v0;
	v1 =	vld [tilespmem:s13+$0x6C70]  }
0x30e: {  	s14 =	sor.u32 s0, s9;
	s6 =	sor.u32 s9, s22;
	v3 =	vld [tilespmem:s13+$0xFC70]  }
0x30f: {  	v7 =	vld [tilespmem:s6+$0x6C00];
	[tilespmem:s13+$0x18C40] =	vst v0;
	v0 =	vadd.f32 v6, v2  }
0x310: {  	v2 =	vld [tilespmem:s6+$0xFC00]  }
0x311: {  	v6 =	vld [tilespmem:s6+$0x6C10];
	[tilespmem:s13+$0x18C50] =	vst v0;
	v0 =	vadd.f32 v5, v4  }
0x312: {  	v4 =	vld [tilespmem:s6+$0xFC10]  }
0x313: {  	v5 =	vld [tilespmem:s6+$0x6C20];
	[tilespmem:s13+$0x18C60] =	vst v0;
	v0 =	vadd.f32 v3, v1  }
0x314: {  	v1 =	vld [tilespmem:s6+$0xFC20]  }
0x315: {  	v3 =	vld [tilespmem:s6+$0x6C30];
	[tilespmem:s13+$0x18C70] =	vst v0  }
0x316: {  	v0 =	vld [tilespmem:s6+$0xFC30]  }
0x317: {  	v8 =	vld [tilespmem:s6+$0x6C40]  }
0x318: {  	v9 =	vld [tilespmem:s6+$0xFC40]  }
0x319: {  	v10 =	vld [tilespmem:s6+$0x6C50]  }
0x31a: {  	v11 =	vld [tilespmem:s6+$0xFC50]  }
0x31b: {  	v12 =	vld [tilespmem:s6+$0x6C60]  }
0x31c: {  	v2 =	vadd.f32 v2, v7;
	v7 =	vld [tilespmem:s6+$0xFC60]  }
0x31d: {  	v4 =	vadd.f32 v4, v6;
	v6 =	vld [tilespmem:s6+$0x6C70]  }
0x31e: {  	v1 =	vadd.f32 v1, v5;
	[tilespmem:s6+$0x18C00] =	vst v2;
	v2 =	vld [tilespmem:s6+$0xFC70]  }
0x31f: {  	v0 =	vadd.f32 v0, v3;
	v5 =	vld [tilespmem:s14+$0x6C00];
	[tilespmem:s6+$0x18C10] =	vst v4  }
0x320: {  	v3 =	vld [tilespmem:s14+$0xFC00];
	[tilespmem:s6+$0x18C20] =	vst v1;
	v1 =	vadd.f32 v9, v8  }
0x321: {  	v4 =	vld [tilespmem:s14+$0x6C10];
	[tilespmem:s6+$0x18C30] =	vst v0;
	v0 =	vadd.f32 v11, v10  }
0x322: {  	v8 =	vld [tilespmem:s14+$0xFC10];
	[tilespmem:s6+$0x18C40] =	vst v1;
	v1 =	vadd.f32 v7, v12  }
0x323: {  	v7 =	vld [tilespmem:s14+$0x6C20];
	[tilespmem:s6+$0x18C50] =	vst v0;
	v0 =	vadd.f32 v2, v6  }
0x324: {  	s13 =	sadd.s32 $0x400, s9;
	v2 =	vld [tilespmem:s14+$0xFC20];
	[tilespmem:s6+$0x18C60] =	vst v1  }
0x325: {  	s25 =	sor.u32 s0, s13;
	v1 =	vadd.f32 v3, v5;
	v3 =	vld [tilespmem:s14+$0x6C30];
	[tilespmem:s6+$0x18C70] =	vst v0;
	s6 =	sor.u32 s22, s13  }
0x326: {  	v0 =	vld [tilespmem:s6+$0x6C00]  }
0x327: {  	[tilespmem:s14+$0x18C00] =	vst v1;
	v1 =	vadd.f32 v8, v4;
	v4 =	vld [tilespmem:s6+$0xFC00]  }
0x328: {  	v5 =	vld [tilespmem:s6+$0x6C10]  }
0x329: {  	[tilespmem:s14+$0x18C10] =	vst v1;
	v1 =	vadd.f32 v2, v7;
	v2 =	vld [tilespmem:s6+$0xFC10]  }
0x32a: {  	v6 =	vld [tilespmem:s6+$0x6C20]  }
0x32b: {  	[tilespmem:s14+$0x18C20] =	vst v1;
	v1 =	vld [tilespmem:s6+$0xFC20]  }
0x32c: {  	v7 =	vld [tilespmem:s6+$0x6C30]  }
0x32d: {  	v8 =	vld [tilespmem:s6+$0xFC30]  }
0x32e: {  	v9 =	vld [tilespmem:s6+$0x6C40]  }
0x32f: {  	v10 =	vld [tilespmem:s6+$0xFC40]  }
0x330: {  	v11 =	vld [tilespmem:s6+$0x6C50]  }
0x331: {  	v12 =	vld [tilespmem:s6+$0xFC50]  }
0x332: {  	v13 =	vld [tilespmem:s6+$0x6C60]  }
0x333: {  	v0 =	vadd.f32 v4, v0;
	v4 =	vld [tilespmem:s6+$0xFC60]  }
0x334: {  	v2 =	vadd.f32 v2, v5;
	v5 =	vld [tilespmem:s6+$0x6C70]  }
0x335: {  	[tilespmem:s6+$0x18C00] =	vst v0;
	v0 =	vadd.f32 v1, v6;
	v1 =	vld [tilespmem:s6+$0xFC70]  }
0x336: {  	v6 =	vld [tilespmem:s14+$0xFC30];
	[tilespmem:s6+$0x18C10] =	vst v2;
	v2 =	vadd.f32 v8, v7  }
0x337: {  	v7 =	vld [tilespmem:s14+$0x6C40];
	[tilespmem:s6+$0x18C20] =	vst v0;
	v0 =	vadd.f32 v10, v9  }
0x338: {  	v8 =	vld [tilespmem:s14+$0xFC40];
	[tilespmem:s6+$0x18C30] =	vst v2;
	v2 =	vadd.f32 v12, v11  }
0x339: {  	v9 =	vld [tilespmem:s14+$0x6C50];
	[tilespmem:s6+$0x18C40] =	vst v0;
	v0 =	vadd.f32 v4, v13  }
0x33a: {  	v4 =	vld [tilespmem:s14+$0xFC50];
	[tilespmem:s6+$0x18C50] =	vst v2;
	v1 =	vadd.f32 v1, v5  }
0x33b: {  	s9 =	sadd.s32 $0x800, s9;
	v2 =	vadd.f32 v6, v3;
	v3 =	vld [tilespmem:s14+$0x6C60];
	[tilespmem:s6+$0x18C60] =	vst v0  }
0x33c: {  	s13 =	sor.u32 s0, s9;
	s0 =	sor.u32 s22, s9;
	v0 =	vld [tilespmem:s14+$0xFC60];
	[tilespmem:s6+$0x18C70] =	vst v1  }
0x33d: {  	[tilespmem:s14+$0x18C30] =	vst v2;
	v1 =	vadd.f32 v8, v7;
	v2 =	vld [tilespmem:s0+$0x6C70]  }
0x33e: {  	v5 =	vld [tilespmem:s0+$0xFC70]  }
0x33f: {  	[tilespmem:s14+$0x18C40] =	vst v1;
	v1 =	vadd.f32 v4, v9;
	v4 =	vld [tilespmem:s14+$0x6C70]  }
0x340: {  	v6 =	vld [tilespmem:s14+$0xFC70]  }
0x341: {  	[tilespmem:s14+$0x18C50] =	vst v1;
	v0 =	vadd.f32 v0, v3;
	v1 =	vld [tilespmem:s0+$0x6C00]  }
0x342: {  	v3 =	vld [tilespmem:s0+$0xFC00]  }
0x343: {  	[tilespmem:s14+$0x18C60] =	vst v0;
	v0 =	vld [tilespmem:s0+$0x6C10];
	v2 =	vadd.f32 v5, v2  }
0x344: {  	v5 =	vld [tilespmem:s0+$0xFC10]  }
0x345: {  	v4 =	vadd.f32 v6, v4;
	v6 =	vld [tilespmem:s0+$0x6C20];
	[tilespmem:s0+$0x18C70] =	vst v2  }
0x346: {  	v2 =	vld [tilespmem:s0+$0xFC20]  }
0x347: {  	[tilespmem:s14+$0x18C70] =	vst v4;
	v1 =	vadd.f32 v3, v1;
	v3 =	vld [tilespmem:s0+$0x6C30]  }
0x348: {  	v4 =	vld [tilespmem:s25+$0x6C00]  }
0x349: {  	v7 =	vld [tilespmem:s25+$0xFC00];
	[tilespmem:s0+$0x18C00] =	vst v1;
	v0 =	vadd.f32 v5, v0  }
0x34a: {  	v1 =	vld [tilespmem:s25+$0x6C10]  }
0x34b: {  	v5 =	vld [tilespmem:s25+$0xFC10];
	[tilespmem:s0+$0x18C10] =	vst v0;
	v0 =	vadd.f32 v2, v6  }
0x34c: {  	v2 =	vld [tilespmem:s25+$0x6C20]  }
0x34d: {  	v6 =	vld [tilespmem:s25+$0xFC20];
	[tilespmem:s0+$0x18C20] =	vst v0  }
0x34e: {  	v0 =	vadd.f32 v7, v4;
	v4 =	vld [tilespmem:s25+$0x6C30]  }
0x34f: {  	v7 =	vld [tilespmem:s25+$0xFC30]  }
0x350: {  	[tilespmem:s25+$0x18C00] =	vst v0;
	v0 =	vadd.f32 v5, v1;
	v1 =	vld [tilespmem:s25+$0x6C40]  }
0x351: {  	v5 =	vld [tilespmem:s25+$0xFC40]  }
0x352: {  	[tilespmem:s25+$0x18C10] =	vst v0;
	v0 =	vadd.f32 v6, v2;
	v2 =	vld [tilespmem:s25+$0x6C50]  }
0x353: {  	v6 =	vld [tilespmem:s25+$0xFC50]  }
0x354: {  	[tilespmem:s25+$0x18C20] =	vst v0;
	v0 =	vadd.f32 v7, v4;
	v4 =	vld [tilespmem:s25+$0x6C60]  }
0x355: {  	v7 =	vld [tilespmem:s25+$0xFC60]  }
0x356: {  	[tilespmem:s25+$0x18C30] =	vst v0;
	v0 =	vadd.f32 v5, v1;
	v1 =	vld [tilespmem:s25+$0x6C70]  }
0x357: {  	v5 =	vld [tilespmem:s25+$0xFC70]  }
0x358: {  	[tilespmem:s25+$0x18C40] =	vst v0;
	v0 =	vadd.f32 v6, v2;
	v2 =	vld [tilespmem:s0+$0xFC30]  }
0x359: {  	v6 =	vld [tilespmem:s0+$0x6C40]  }
0x35a: {  	[tilespmem:s25+$0x18C50] =	vst v0;
	v0 =	vadd.f32 v7, v4;
	v4 =	vld [tilespmem:s0+$0xFC40]  }
0x35b: {  	v7 =	vld [tilespmem:s0+$0x6C50]  }
0x35c: {  	[tilespmem:s25+$0x18C60] =	vst v0;
	v0 =	vadd.f32 v5, v1;
	v1 =	vld [tilespmem:s0+$0xFC50]  }
0x35d: {  	v2 =	vadd.f32 v2, v3;
	v3 =	vld [tilespmem:s0+$0x6C60]  }
0x35e: {  	[tilespmem:s25+$0x18C70] =	vst v0;
	v0 =	vld [tilespmem:s0+$0xFC60]  }
0x35f: {  	v5 =	vld [tilespmem:s13+$0x6C00];
	[tilespmem:s0+$0x18C30] =	vst v2;
	v2 =	vadd.f32 v4, v6  }
0x360: {  	v4 =	vld [tilespmem:s13+$0xFC00]  }
0x361: {  	v6 =	vld [tilespmem:s13+$0x6C10];
	[tilespmem:s0+$0x18C40] =	vst v2;
	v1 =	vadd.f32 v1, v7  }
0x362: {  	v2 =	vld [tilespmem:s13+$0xFC10]  }
0x363: {  	v7 =	vld [tilespmem:s13+$0x6C20];
	[tilespmem:s0+$0x18C50] =	vst v1;
	v0 =	vadd.f32 v0, v3  }
0x364: {  	v8 =	vld [tilespmem:s13+$0xFC20]  }
.Ltmp3:
0x365: {  	v3 =	vadd.f32 v4, v5;
	v1 =	vld [tilespmem:s13+$0x6C30];
	[tilespmem:s0+$0x18C60] =	vst v0;
	(pc) =	sbr.rel @p0 .LBB2_9-.Ltmp3, $4  }
0x366: {  	v4 =	vld [tilespmem:s13+$0xFC30]  }
0x367: {  	[tilespmem:s13+$0x18C00] =	vst v3;
	v2 =	vadd.f32 v2, v6;
	v0 =	vld [tilespmem:s13+$0x6C40]  }
0x368: {  	v3 =	vld [tilespmem:s13+$0xFC40]  }
0x369: {  	[tilespmem:s13+$0x18C10] =	vst v2;
	v5 =	vadd.f32 v8, v7;
	v2 =	vld [tilespmem:s13+$0x6C50]  }
0x36a: {  	v6 =	vld [tilespmem:s13+$0xFC50]  }
0x36b: {  	v60 =	vld [tilespmem:s13+$0x6C60]  }
0x36c: {  	v61 =	vld [tilespmem:s13+$0xFC60]  }
0x36d: {  	v62 =	vld [tilespmem:s13+$0x6C70]  }
0x36e: {  	v7 =	vld [tilespmem:s13+$0xFC70]  }
0x36f: {  	v1 =	vadd.f32 v4, v1  }
0x370: {  	s19 =	sadd.s32 $0x1, s19;
	[tilespmem:s13+$0x18C20] =	vst v5;
	v0 =	vadd.f32 v3, v0  }
0x371: {  	p0 =	sne.s32 s19, $0x6;
	[tilespmem:s13+$0x18C30] =	vst v1;
	v2 =	vadd.f32 v6, v2  }
.Ltmp4:
0x372: {  	[tilespmem:s13+$0x18C40] =	vst v0;
	v63 =	vadd.f32 v61, v60;
	(pc) =	sbr.rel @p0 .LBB2_2-.Ltmp4, $4  }
0x373: {  	v1 =	vadd.f32 v7, v62;
	[tilespmem:s13+$0x18C50] =	vst v2  }
0x374: {  	[tilespmem:s13+$0x18C60] =	vst v63  }
0x375: {  	s0 =	sadd.s32 s4, s10;
	s6 =	simm.s32 $0x18C00;
	[tilespmem:s13+$0x18C70] =	vst v1  }
0x376: {  	[hbm4b:s0+s5] =	stream.linear.scatter [tilespmem:s6], [sflag:$0xC], $0x2400, $0x38;
	[tilespmem:$0x1B000] =	vst v63  }
0x377: {  	s0 =	simm.s32 $0x9  }
0x378: {  	_ =	swait.ge [sflag:s0], $0x2400  }
0x379: {  	[sflag:s0] =	ssyncset.done $0x0  }
0x37a: {  	s25 =	simm.s32 $0xA;
	[sflag:s0] =	ssyncadd.s32 $0xFFFFDC00  }
0x37b: {  	_ =	swait.ge [sflag:s25], $0x2400  }
0x37c: {  	[sflag:s25] =	ssyncset.done $0x0  }
0x37d: {  	s26 =	simm.s32 $0xB;
	[sflag:s25] =	ssyncadd.s32 $0xFFFFDC00  }
0x37e: {  	_ =	swait.ge [sflag:s26], $0x2400  }
0x37f: {  	[sflag:s26] =	ssyncset.done $0x0  }
0x380: {  	s6 =	simm.s32 $0xC;
	[sflag:s26] =	ssyncadd.s32 $0xFFFFDC00  }
0x381: {  	_ =	swait.ge [sflag:s6], $0x2400  }
0x382: {  	s9 =	rddreg [dreg:$0xc]  }
0x383: {  	s30 =	rddreg [dreg:$0xb];
	s9 =	sadd.s32 $0x1, s9  }
0x384: {  	p0 =	sne.s32 s9, s30  }
.Ltmp5:
0x385: {  	_ = 	snop;
	(pc) =	sbr.rel @p0 .LBB2_1-.Ltmp5, $3  }
0x386: {  	_ =	sdelay $0x1  }
0x387: {  	[sflag:s6] =	ssyncset.done $0x0  }
0x388: {  	[sflag:s6] =	ssyncadd.s32 $0xFFFFDC00  }
0x389: {  	_ =	sfence.sel $0x180000  }
0x38a: {  	[bflag:$0x0] =	sbarrier.arrive $0xFFFF  }
0x38b: {  	_ =	strace $0x90000047  }
0x38c: {  	s0 =	stileid.u32;
	[bflag:$0x2] =	sbarrier.arrive $0xFFFF  }
0x38d: {  	p0 =	sne.s32 s0, $0x0;
	s0 =	rddreg [dreg:$0x3]  }
0x38e: {  	s0 =	sadd.s32 @!p0 $0x100000, s0  }
0x38f: {  	[sflag:s0] =	ssyncadd.tile.s32 @!p0 $0x1;
	_ =	shalt  }
.Lfunc_end2:
_tile_overlayer_lowered:
.L_overlay_start_2:
0x390: {  	(tag) =	ssettag $0x2  }
0x391: {  	s0 =	rddreg [dreg:$0x0];
	s2 =	stileid.u32  }
0x392: {  	s1 =	rddreg [dreg:$0x1];
	p0 =	sne.s32 s2, $0x0  }
0x393: {  	s3 =	rddreg [dreg:$0x2];
	[bflag:$0x3] =	sbarrier.arrive $0xFFFF;
	s2 =	simm.s32 @!p0 $0x1C0D  }
0x394: {  	[timem:s3], [sflag:s2] =	dma.local @!p0 [hbm:s0], s1  }
0x395: {  	s0 =	simm.s32 @!p0 $0xD  }
0x396: {  	_ =	swait.ge @!p0 [sflag:s0], s1  }
0x397: {  	s1 =	ssub.s32 @!p0 $0x0, s1;
	[sflag:s0] =	ssyncset.done @!p0 $0x0  }
0x398: {  	[sflag:s0] =	ssyncadd.s32 @!p0 s1  }
0x399: {  	[bflag:$0x3] =	sbarrier.arrive $0xFFFF  }
0x39a: {  	_ =	shalt  }

</sc_bundles>
